<compile_context>
chip_gen: v7x
topology: tpu7x:2x2x1
jax: 0.10.2.dev20260603
libtpu: 0.0.44.dev20260713+nightly
codegen_flags: <defaults>
</compile_context>

<pallas_src>
import functools

import jax
import jax.numpy as jnp
from jax import lax
from jax.experimental import pallas as pl
from jax.experimental.pallas import tpu as pltpu
from jax.experimental.pallas import tpu_sc as plsc

_EMBED = 64
_SCALE = 8.0
_LANES = 16
_NUM_CORES = 2
_NUM_SUBCORES = 16
_NW = _NUM_CORES * _NUM_SUBCORES
_CHUNK = 128
_NBUF = 4


@functools.lru_cache(maxsize=None)
def _make_lookup(n_total: int):
    assert n_total % (_NW * _CHUNK) == 0
    per_w = n_total // _NW
    n_chunks = per_w // _CHUNK
    assert n_chunks >= 2 * _NBUF and n_chunks % _NBUF == 0

    mesh = plsc.VectorSubcoreMesh(
        core_axis_name="c", subcore_axis_name="s", num_cores=_NUM_CORES
    )

    @functools.partial(
        pl.kernel,
        mesh=mesh,
        compiler_params=pltpu.CompilerParams(
            needs_layout_passes=False, use_tc_tiling_on_sc=False
        ),
        out_type=jax.ShapeDtypeStruct((n_total, _EMBED), jnp.float32),
        scratch_types=[
            pltpu.VMEM((per_w,), jnp.int32),
            *[pltpu.VMEM((_CHUNK, _EMBED), jnp.float32) for _ in range(_NBUF)],
            *[pltpu.SemaphoreType.DMA for _ in range(_NBUF)],
            *[pltpu.SemaphoreType.DMA for _ in range(_NBUF)],
        ],
    )
    def lookup(idx_hbm, table_hbm, out_hbm, idx_v, *rest):
        bufs = rest[:_NBUF]
        gsems = rest[_NBUF : 2 * _NBUF]
        ssems = rest[2 * _NBUF :]
        wid = lax.axis_index("s") * _NUM_CORES + lax.axis_index("c")
        base = wid * per_w

        pltpu.sync_copy(idx_hbm.at[wid], idx_v)

        def start_gather(b, t):
            pltpu.async_copy(
                table_hbm.at[idx_v.at[pl.ds(t * _CHUNK, _CHUNK)]],
                bufs[b],
                gsems[b],
            )

        def wait_gather(b, t):
            pltpu.make_async_copy(
                table_hbm.at[idx_v.at[pl.ds(t * _CHUNK, _CHUNK)]],
                bufs[b],
                gsems[b],
            ).wait()

        def scale(b):
            buf = bufs[b]

            @pl.loop(0, _CHUNK // 4)
            def _(g):
                for r in range(4):
                    for c in range(_EMBED // _LANES):
                        sl = pl.ds(c * _LANES, _LANES)
                        buf[g * 4 + r, sl] = buf[g * 4 + r, sl] * _SCALE

        def start_store(b, t):
            pltpu.async_copy(
                bufs[b],
                out_hbm.at[pl.ds(base + t * _CHUNK, _CHUNK)],
                ssems[b],
            )

        def wait_store(b, t):
            pltpu.make_async_copy(
                bufs[b],
                out_hbm.at[pl.ds(base + t * _CHUNK, _CHUNK)],
                ssems[b],
            ).wait()

        for b in range(_NBUF):
            start_gather(b, b)

        @pl.loop(0, n_chunks - _NBUF, step=_NBUF)
        def _(cbase):
            for b in range(_NBUF):
                t = cbase + b
                wait_gather(b, t)
                scale(b)
                start_store(b, t)
                wait_store(b, t)
                start_gather(b, t + _NBUF)

        for b in range(_NBUF):
            t = n_chunks - _NBUF + b
            wait_gather(b, t)
            scale(b)
            start_store(b, t)
            wait_store(b, t)

    return lookup


def kernel(x, embedding):
    batch, seq = x.shape
    n_total = batch * seq
    idx = x.reshape(_NW, n_total // _NW).astype(jnp.int32)
    out = _make_lookup(n_total)(idx, embedding)
    return out.reshape(batch, seq, _EMBED)

# --- scband reference (transcript-rebuilt; emitter-appended) ---
"""Pipeline reference for scband-token-embedding-31086973288477 (READ-ONLY COPY).

The authoritative reference and input builder live on the scoring server;
editing this copy changes nothing except your own understanding.
"""

import jax, jax.numpy as jnp
import numpy as np

VOCAB_SIZE = 1000000
EMBED_DIM = 64
BATCH = 4096
SEQ_LEN = 200


def setup_inputs(seed: int = 0) -> dict:
    key = jax.random.key(seed)
    k_idx, k_emb = jax.random.split(key)
    x = jax.random.randint(k_idx, (BATCH, SEQ_LEN), 0, VOCAB_SIZE, dtype=jnp.int64 if jax.config.jax_enable_x64 else jnp.int32)
    embedding = jax.random.normal(k_emb, (VOCAB_SIZE, EMBED_DIM), dtype=jnp.float32) * 0.02
    return {"x": x, "embedding": embedding}


def reference(x, embedding):
    # Faithful translation of flax nn.Embed lookup followed by sqrt(d) scaling.
    out = jnp.take(embedding, x, axis=0)  # (B, S, D) gather
    return out * jnp.sqrt(jnp.float32(EMBED_DIM))

if __name__ == "__main__":
    import jax
    _d = setup_inputs()
    print(jax.jit(kernel)(*tuple(_d.values())))

</pallas_src>

<mosaic_0001>
#map = affine_map<(d0, d1) -> (0, 0)>
module attributes {stable_mosaic.version = 14 : i64} {
  func.func @lookup(%arg0: i32, %arg1: i32, %arg2: memref<32x25600xi32, #tpu.memory_space<hbm>>, %arg3: memref<1000000x64xf32, #tpu.memory_space<hbm>>, %arg4: memref<819200x64xf32, #tpu.memory_space<hbm>>, %arg5: memref<25600xi32, #tpu.memory_space<vmem>>, %arg6: memref<128x64xf32, #tpu.memory_space<vmem>>, %arg7: memref<128x64xf32, #tpu.memory_space<vmem>>, %arg8: memref<128x64xf32, #tpu.memory_space<vmem>>, %arg9: memref<128x64xf32, #tpu.memory_space<vmem>>, %arg10: memref<!tpu.dma_semaphore, #tpu.memory_space<semaphore_mem>>, %arg11: memref<!tpu.dma_semaphore, #tpu.memory_space<semaphore_mem>>, %arg12: memref<!tpu.dma_semaphore, #tpu.memory_space<semaphore_mem>>, %arg13: memref<!tpu.dma_semaphore, #tpu.memory_space<semaphore_mem>>, %arg14: memref<!tpu.dma_semaphore, #tpu.memory_space<semaphore_mem>>, %arg15: memref<!tpu.dma_semaphore, #tpu.memory_space<semaphore_mem>>, %arg16: memref<!tpu.dma_semaphore, #tpu.memory_space<semaphore_mem>>, %arg17: memref<!tpu.dma_semaphore, #tpu.memory_space<semaphore_mem>>) attributes {dimension_semantics = [#tpu.dimension_semantics<core_parallel>, #tpu.dimension_semantics<subcore_parallel>], iteration_bounds = array<i64: 2, 16>, scalar_prefetch = 0 : i64, scratch_operands = 13 : i64, tpu.core_type = #tpu.core_type<sc_vector_subcore>, window_params = [{transform_indices = #map}, {transform_indices = #map}, {transform_indices = #map}]} {
    %mul3A = arith.constant 2 : i32
    %mul3A_0 = arith.muli %arg1, %mul3A : i32
    %add3A = arith.addi %mul3A_0, %arg0 : i32
    %mul3A_1 = arith.constant 25600 : i32
    %mul3A_2 = arith.muli %add3A, %mul3A_1 : i32
    "tpu.region"() ({
      %run_scoped3A = tpu.sem_alloc : memref<!tpu.dma_semaphore, #tpu.memory_space<semaphore_mem>>
      %dma_start3A_113 = arith.constant 0 : i32
      %dma_start3A_114 = tpu.memref_slice %arg2[%add3A, %dma_start3A_113] : memref<32x25600xi32, #tpu.memory_space<hbm>> -> memref<1x25600xi32, #tpu.memory_space<hbm>>
      %dma_start3A_115 = tpu.memref_squeeze %dma_start3A_114 : memref<1x25600xi32, #tpu.memory_space<hbm>> -> memref<25600xi32, #tpu.memory_space<hbm>>
      %dma_start3A_116 = arith.constant 0 : i32
      %dma_start3A_117 = tpu.memref_slice %arg2[%add3A, %dma_start3A_116] : memref<32x25600xi32, #tpu.memory_space<hbm>> -> memref<1x25600xi32, #tpu.memory_space<hbm>>
      %dma_start3A_118 = tpu.memref_squeeze %dma_start3A_117 : memref<1x25600xi32, #tpu.memory_space<hbm>> -> memref<25600xi32, #tpu.memory_space<hbm>>
      tpu.enqueue_dma source(%dma_start3A_118 : memref<25600xi32, #tpu.memory_space<hbm>>) target(%arg5 : memref<25600xi32, #tpu.memory_space<vmem>>) target_semaphore(%run_scoped3A : memref<!tpu.dma_semaphore, #tpu.memory_space<semaphore_mem>>)
      %dma_wait3A_119 = arith.constant 0 : i32
      %dma_wait3A_120 = tpu.memref_slice %arg2[%add3A, %dma_wait3A_119] : memref<32x25600xi32, #tpu.memory_space<hbm>> -> memref<1x25600xi32, #tpu.memory_space<hbm>>
      %dma_wait3A_121 = tpu.memref_squeeze %dma_wait3A_120 : memref<1x25600xi32, #tpu.memory_space<hbm>> -> memref<25600xi32, #tpu.memory_space<hbm>>
      %dma_wait3A_122 = arith.constant 0 : i32
      %dma_wait3A_123 = tpu.memref_slice %arg2[%add3A, %dma_wait3A_122] : memref<32x25600xi32, #tpu.memory_space<hbm>> -> memref<1x25600xi32, #tpu.memory_space<hbm>>
      %dma_wait3A_124 = tpu.memref_squeeze %dma_wait3A_123 : memref<1x25600xi32, #tpu.memory_space<hbm>> -> memref<25600xi32, #tpu.memory_space<hbm>>
      tpu.wait_dma2 semaphore(%run_scoped3A : memref<!tpu.dma_semaphore, #tpu.memory_space<semaphore_mem>>) src(%dma_wait3A_124 : memref<25600xi32, #tpu.memory_space<hbm>>) dst(%arg5 : memref<25600xi32, #tpu.memory_space<vmem>>)
      tpu.yield
    }) : () -> ()
    %dma_start3A = arith.constant 0 : i32
    %dma_start3A_3 = tpu.memref_slice %arg5[%dma_start3A] : memref<25600xi32, #tpu.memory_space<vmem>> -> memref<128xi32, #tpu.memory_space<vmem>>
    %dma_start3A_4 = arith.constant 0 : i32
    %dma_start3A_5 = arith.constant 0 : i32
    %dma_start3A_6 = tpu.memref_slice %arg3[%dma_start3A_4, %dma_start3A_5] : memref<1000000x64xf32, #tpu.memory_space<hbm>> -> memref<1000000x64xf32, #tpu.memory_space<hbm>>
    tpu.enqueue_indirect_dma source(%dma_start3A_6 : memref<1000000x64xf32, #tpu.memory_space<hbm>>) target(%arg6 : memref<128x64xf32, #tpu.memory_space<vmem>>) offsets(%dma_start3A_3 : memref<128xi32, #tpu.memory_space<vmem>>) semaphore(%arg10 : memref<!tpu.dma_semaphore, #tpu.memory_space<semaphore_mem>>)
    %dma_start3A_7 = arith.constant 128 : i32
    %dma_start3A_8 = tpu.memref_slice %arg5[%dma_start3A_7] : memref<25600xi32, #tpu.memory_space<vmem>> -> memref<128xi32, #tpu.memory_space<vmem>>
    %dma_start3A_9 = arith.constant 0 : i32
    %dma_start3A_10 = arith.constant 0 : i32
    %dma_start3A_11 = tpu.memref_slice %arg3[%dma_start3A_9, %dma_start3A_10] : memref<1000000x64xf32, #tpu.memory_space<hbm>> -> memref<1000000x64xf32, #tpu.memory_space<hbm>>
    tpu.enqueue_indirect_dma source(%dma_start3A_11 : memref<1000000x64xf32, #tpu.memory_space<hbm>>) target(%arg7 : memref<128x64xf32, #tpu.memory_space<vmem>>) offsets(%dma_start3A_8 : memref<128xi32, #tpu.memory_space<vmem>>) semaphore(%arg11 : memref<!tpu.dma_semaphore, #tpu.memory_space<semaphore_mem>>)
    %dma_start3A_12 = arith.constant 256 : i32
    %dma_start3A_13 = tpu.memref_slice %arg5[%dma_start3A_12] : memref<25600xi32, #tpu.memory_space<vmem>> -> memref<128xi32, #tpu.memory_space<vmem>>
    %dma_start3A_14 = arith.constant 0 : i32
    %dma_start3A_15 = arith.constant 0 : i32
    %dma_start3A_16 = tpu.memref_slice %arg3[%dma_start3A_14, %dma_start3A_15] : memref<1000000x64xf32, #tpu.memory_space<hbm>> -> memref<1000000x64xf32, #tpu.memory_space<hbm>>
    tpu.enqueue_indirect_dma source(%dma_start3A_16 : memref<1000000x64xf32, #tpu.memory_space<hbm>>) target(%arg8 : memref<128x64xf32, #tpu.memory_space<vmem>>) offsets(%dma_start3A_13 : memref<128xi32, #tpu.memory_space<vmem>>) semaphore(%arg12 : memref<!tpu.dma_semaphore, #tpu.memory_space<semaphore_mem>>)
    %dma_start3A_17 = arith.constant 384 : i32
    %dma_start3A_18 = tpu.memref_slice %arg5[%dma_start3A_17] : memref<25600xi32, #tpu.memory_space<vmem>> -> memref<128xi32, #tpu.memory_space<vmem>>
    %dma_start3A_19 = arith.constant 0 : i32
    %dma_start3A_20 = arith.constant 0 : i32
    %dma_start3A_21 = tpu.memref_slice %arg3[%dma_start3A_19, %dma_start3A_20] : memref<1000000x64xf32, #tpu.memory_space<hbm>> -> memref<1000000x64xf32, #tpu.memory_space<hbm>>
    tpu.enqueue_indirect_dma source(%dma_start3A_21 : memref<1000000x64xf32, #tpu.memory_space<hbm>>) target(%arg9 : memref<128x64xf32, #tpu.memory_space<vmem>>) offsets(%dma_start3A_18 : memref<128xi32, #tpu.memory_space<vmem>>) semaphore(%arg13 : memref<!tpu.dma_semaphore, #tpu.memory_space<semaphore_mem>>)
    %scan3A = arith.constant 0 : i32
    %scan3A_22 = arith.constant 49 : i32
    %scan3A_23 = arith.addi %scan3A, %scan3A_22 : i32
    %scan3A_24 = arith.constant 1 : i32
    scf.for %scan3A_113 = %scan3A to %scan3A_23 step %scan3A_24  : i32 {
      %mul3A_114 = arith.constant 4 : i32
      %mul3A_115 = arith.muli %scan3A_113, %mul3A_114 : i32
      %add3A_116 = arith.constant 0 : i32
      %add3A_117 = arith.addi %add3A_116, %mul3A_115 : i32
      %add3A_118 = arith.constant 0 : i32
      %add3A_119 = arith.addi %add3A_117, %add3A_118 : i32
      %mul3A_120 = arith.constant 128 : i32
      %mul3A_121 = arith.muli %add3A_119, %mul3A_120 : i32
      %dma_wait3A_122 = tpu.memref_slice %arg5[%mul3A_121] : memref<25600xi32, #tpu.memory_space<vmem>> -> memref<128xi32, #tpu.memory_space<vmem>>
      %dma_wait3A_123 = arith.constant 0 : i32
      %dma_wait3A_124 = arith.constant 0 : i32
      %dma_wait3A_125 = tpu.memref_slice %arg3[%dma_wait3A_123, %dma_wait3A_124] : memref<1000000x64xf32, #tpu.memory_space<hbm>> -> memref<1000000x64xf32, #tpu.memory_space<hbm>>
      tpu.wait_indirect_dma semaphore(%arg10 : memref<!tpu.dma_semaphore, #tpu.memory_space<semaphore_mem>>) src(%dma_wait3A_125 : memref<1000000x64xf32, #tpu.memory_space<hbm>>) dst(%arg6 : memref<128x64xf32, #tpu.memory_space<vmem>>)
      %scan3A_126 = arith.constant 0 : i32
      %scan3A_127 = arith.constant 32 : i32
      %scan3A_128 = arith.addi %scan3A_126, %scan3A_127 : i32
      %scan3A_129 = arith.constant 1 : i32
      scf.for %scan3A_258 = %scan3A_126 to %scan3A_128 step %scan3A_129  : i32 {
        %mul3A_259 = arith.constant 1 : i32
        %mul3A_260 = arith.muli %scan3A_258, %mul3A_259 : i32
        %add3A_261 = arith.constant 0 : i32
        %add3A_262 = arith.addi %add3A_261, %mul3A_260 : i32
        %mul3A_263 = arith.constant 4 : i32
        %mul3A_264 = arith.muli %add3A_262, %mul3A_263 : i32
        %add3A_265 = arith.constant 0 : i32
        %add3A_266 = arith.addi %mul3A_264, %add3A_265 : i32
        %get3A = arith.index_cast %add3A_266 : i32 to index
        %get3A_267 = arith.constant 0 : index
        %get3A_268 = tpu.vector_load %arg6[%get3A, %get3A_267] {strides = array<i32>} : memref<128x64xf32, #tpu.memory_space<vmem>>, vector<16xf32>,
        %mul3A_269 = arith.constant 8.000000e+00 : f32
        %mul3A_270 = vector.broadcast %mul3A_269 : f32 to vector<16xf32>
        %mul3A_271 = arith.mulf %get3A_268, %mul3A_270 : vector<16xf32>
        %mul3A_272 = arith.constant 4 : i32
        %mul3A_273 = arith.muli %add3A_262, %mul3A_272 : i32
        %add3A_274 = arith.constant 0 : i32
        %add3A_275 = arith.addi %mul3A_273, %add3A_274 : i32
        %swap3A = arith.index_cast %add3A_275 : i32 to index
        %swap3A_276 = arith.constant 0 : index
        %swap3A_277 = tpu.vector_load %arg6[%swap3A, %swap3A_276] {strides = array<i32>} : memref<128x64xf32, #tpu.memory_space<vmem>>, vector<16xf32>,
        tpu.vector_store %arg6[%swap3A, %swap3A_276], %mul3A_271 {strides = array<i32>} : memref<128x64xf32, #tpu.memory_space<vmem>>, vector<16xf32>,
        %mul3A_278 = arith.constant 4 : i32
        %mul3A_279 = arith.muli %add3A_262, %mul3A_278 : i32
        %add3A_280 = arith.constant 0 : i32
        %add3A_281 = arith.addi %mul3A_279, %add3A_280 : i32
        %get3A_282 = arith.index_cast %add3A_281 : i32 to index
        %get3A_283 = arith.constant 16 : index
        %get3A_284 = tpu.vector_load %arg6[%get3A_282, %get3A_283] {strides = array<i32>} : memref<128x64xf32, #tpu.memory_space<vmem>>, vector<16xf32>,
        %mul3A_285 = arith.constant 8.000000e+00 : f32
        %mul3A_286 = vector.broadcast %mul3A_285 : f32 to vector<16xf32>
        %mul3A_287 = arith.mulf %get3A_284, %mul3A_286 : vector<16xf32>
        %mul3A_288 = arith.constant 4 : i32
        %mul3A_289 = arith.muli %add3A_262, %mul3A_288 : i32
        %add3A_290 = arith.constant 0 : i32
        %add3A_291 = arith.addi %mul3A_289, %add3A_290 : i32
        %swap3A_292 = arith.index_cast %add3A_291 : i32 to index
        %swap3A_293 = arith.constant 16 : index
        %swap3A_294 = tpu.vector_load %arg6[%swap3A_292, %swap3A_293] {strides = array<i32>} : memref<128x64xf32, #tpu.memory_space<vmem>>, vector<16xf32>,
        tpu.vector_store %arg6[%swap3A_292, %swap3A_293], %mul3A_287 {strides = array<i32>} : memref<128x64xf32, #tpu.memory_space<vmem>>, vector<16xf32>,
        %mul3A_295 = arith.constant 4 : i32
        %mul3A_296 = arith.muli %add3A_262, %mul3A_295 : i32
        %add3A_297 = arith.constant 0 : i32
        %add3A_298 = arith.addi %mul3A_296, %add3A_297 : i32
        %get3A_299 = arith.index_cast %add3A_298 : i32 to index
        %get3A_300 = arith.constant 32 : index
        %get3A_301 = tpu.vector_load %arg6[%get3A_299, %get3A_300] {strides = array<i32>} : memref<128x64xf32, #tpu.memory_space<vmem>>, vector<16xf32>,
        %mul3A_302 = arith.constant 8.000000e+00 : f32
        %mul3A_303 = vector.broadcast %mul3A_302 : f32 to vector<16xf32>
        %mul3A_304 = arith.mulf %get3A_301, %mul3A_303 : vector<16xf32>
        %mul3A_305 = arith.constant 4 : i32
        %mul3A_306 = arith.muli %add3A_262, %mul3A_305 : i32
        %add3A_307 = arith.constant 0 : i32
        %add3A_308 = arith.addi %mul3A_306, %add3A_307 : i32
        %swap3A_309 = arith.index_cast %add3A_308 : i32 to index
        %swap3A_310 = arith.constant 32 : index
        %swap3A_311 = tpu.vector_load %arg6[%swap3A_309, %swap3A_310] {strides = array<i32>} : memref<128x64xf32, #tpu.memory_space<vmem>>, vector<16xf32>,
        tpu.vector_store %arg6[%swap3A_309, %swap3A_310], %mul3A_304 {strides = array<i32>} : memref<128x64xf32, #tpu.memory_space<vmem>>, vector<16xf32>,
        %mul3A_312 = arith.constant 4 : i32
        %mul3A_313 = arith.muli %add3A_262, %mul3A_312 : i32
        %add3A_314 = arith.constant 0 : i32
        %add3A_315 = arith.addi %mul3A_313, %add3A_314 : i32
        %get3A_316 = arith.index_cast %add3A_315 : i32 to index
        %get3A_317 = arith.constant 48 : index
        %get3A_318 = tpu.vector_load %arg6[%get3A_316, %get3A_317] {strides = array<i32>} : memref<128x64xf32, #tpu.memory_space<vmem>>, vector<16xf32>,
        %mul3A_319 = arith.constant 8.000000e+00 : f32
        %mul3A_320 = vector.broadcast %mul3A_319 : f32 to vector<16xf32>
        %mul3A_321 = arith.mulf %get3A_318, %mul3A_320 : vector<16xf32>
        %mul3A_322 = arith.constant 4 : i32
        %mul3A_323 = arith.muli %add3A_262, %mul3A_322 : i32
        %add3A_324 = arith.constant 0 : i32
        %add3A_325 = arith.addi %mul3A_323, %add3A_324 : i32
        %swap3A_326 = arith.index_cast %add3A_325 : i32 to index
        %swap3A_327 = arith.constant 48 : index
        %swap3A_328 = tpu.vector_load %arg6[%swap3A_326, %swap3A_327] {strides = array<i32>} : memref<128x64xf32, #tpu.memory_space<vmem>>, vector<16xf32>,
        tpu.vector_store %arg6[%swap3A_326, %swap3A_327], %mul3A_321 {strides = array<i32>} : memref<128x64xf32, #tpu.memory_space<vmem>>, vector<16xf32>,
        %mul3A_329 = arith.constant 4 : i32
        %mul3A_330 = arith.muli %add3A_262, %mul3A_329 : i32
        %add3A_331 = arith.constant 1 : i32
        %add3A_332 = arith.addi %mul3A_330, %add3A_331 : i32
        %get3A_333 = arith.index_cast %add3A_332 : i32 to index
        %get3A_334 = arith.constant 0 : index
        %get3A_335 = tpu.vector_load %arg6[%get3A_333, %get3A_334] {strides = array<i32>} : memref<128x64xf32, #tpu.memory_space<vmem>>, vector<16xf32>,
        %mul3A_336 = arith.constant 8.000000e+00 : f32
        %mul3A_337 = vector.broadcast %mul3A_336 : f32 to vector<16xf32>
        %mul3A_338 = arith.mulf %get3A_335, %mul3A_337 : vector<16xf32>
        %mul3A_339 = arith.constant 4 : i32
        %mul3A_340 = arith.muli %add3A_262, %mul3A_339 : i32
        %add3A_341 = arith.constant 1 : i32
        %add3A_342 = arith.addi %mul3A_340, %add3A_341 : i32
        %swap3A_343 = arith.index_cast %add3A_342 : i32 to index
        %swap3A_344 = arith.constant 0 : index
        %swap3A_345 = tpu.vector_load %arg6[%swap3A_343, %swap3A_344] {strides = array<i32>} : memref<128x64xf32, #tpu.memory_space<vmem>>, vector<16xf32>,
        tpu.vector_store %arg6[%swap3A_343, %swap3A_344], %mul3A_338 {strides = array<i32>} : memref<128x64xf32, #tpu.memory_space<vmem>>, vector<16xf32>,
        %mul3A_346 = arith.constant 4 : i32
        %mul3A_347 = arith.muli %add3A_262, %mul3A_346 : i32
        %add3A_348 = arith.constant 1 : i32
        %add3A_349 = arith.addi %mul3A_347, %add3A_348 : i32
        %get3A_350 = arith.index_cast %add3A_349 : i32 to index
        %get3A_351 = arith.constant 16 : index
        %get3A_352 = tpu.vector_load %arg6[%get3A_350, %get3A_351] {strides = array<i32>} : memref<128x64xf32, #tpu.memory_space<vmem>>, vector<16xf32>,
        %mul3A_353 = arith.constant 8.000000e+00 : f32
        %mul3A_354 = vector.broadcast %mul3A_353 : f32 to vector<16xf32>
        %mul3A_355 = arith.mulf %get3A_352, %mul3A_354 : vector<16xf32>
        %mul3A_356 = arith.constant 4 : i32
        %mul3A_357 = arith.muli %add3A_262, %mul3A_356 : i32
        %add3A_358 = arith.constant 1 : i32
        %add3A_359 = arith.addi %mul3A_357, %add3A_358 : i32
        %swap3A_360 = arith.index_cast %add3A_359 : i32 to index
        %swap3A_361 = arith.constant 16 : index
        %swap3A_362 = tpu.vector_load %arg6[%swap3A_360, %swap3A_361] {strides = array<i32>} : memref<128x64xf32, #tpu.memory_space<vmem>>, vector<16xf32>,
        tpu.vector_store %arg6[%swap3A_360, %swap3A_361], %mul3A_355 {strides = array<i32>} : memref<128x64xf32, #tpu.memory_space<vmem>>, vector<16xf32>,
        %mul3A_363 = arith.constant 4 : i32
        %mul3A_364 = arith.muli %add3A_262, %mul3A_363 : i32
        %add3A_365 = arith.constant 1 : i32
        %add3A_366 = arith.addi %mul3A_364, %add3A_365 : i32
        %get3A_367 = arith.index_cast %add3A_366 : i32 to index
        %get3A_368 = arith.constant 32 : index
        %get3A_369 = tpu.vector_load %arg6[%get3A_367, %get3A_368] {strides = array<i32>} : memref<128x64xf32, #tpu.memory_space<vmem>>, vector<16xf32>,
        %mul3A_370 = arith.constant 8.000000e+00 : f32
        %mul3A_371 = vector.broadcast %mul3A_370 : f32 to vector<16xf32>
        %mul3A_372 = arith.mulf %get3A_369, %mul3A_371 : vector<16xf32>
        %mul3A_373 = arith.constant 4 : i32
        %mul3A_374 = arith.muli %add3A_262, %mul3A_373 : i32
        %add3A_375 = arith.constant 1 : i32
        %add3A_376 = arith.addi %mul3A_374, %add3A_375 : i32
        %swap3A_377 = arith.index_cast %add3A_376 : i32 to index
        %swap3A_378 = arith.constant 32 : index
        %swap3A_379 = tpu.vector_load %arg6[%swap3A_377, %swap3A_378] {strides = array<i32>} : memref<128x64xf32, #tpu.memory_space<vmem>>, vector<16xf32>,
        tpu.vector_store %arg6[%swap3A_377, %swap3A_378], %mul3A_372 {strides = array<i32>} : memref<128x64xf32, #tpu.memory_space<vmem>>, vector<16xf32>,
        %mul3A_380 = arith.constant 4 : i32
        %mul3A_381 = arith.muli %add3A_262, %mul3A_380 : i32
        %add3A_382 = arith.constant 1 : i32
        %add3A_383 = arith.addi %mul3A_381, %add3A_382 : i32
        %get3A_384 = arith.index_cast %add3A_383 : i32 to index
        %get3A_385 = arith.constant 48 : index
        %get3A_386 = tpu.vector_load %arg6[%get3A_384, %get3A_385] {strides = array<i32>} : memref<128x64xf32, #tpu.memory_space<vmem>>, vector<16xf32>,
        %mul3A_387 = arith.constant 8.000000e+00 : f32
        %mul3A_388 = vector.broadcast %mul3A_387 : f32 to vector<16xf32>
        %mul3A_389 = arith.mulf %get3A_386, %mul3A_388 : vector<16xf32>
        %mul3A_390 = arith.constant 4 : i32
        %mul3A_391 = arith.muli %add3A_262, %mul3A_390 : i32
        %add3A_392 = arith.constant 1 : i32
        %add3A_393 = arith.addi %mul3A_391, %add3A_392 : i32
        %swap3A_394 = arith.index_cast %add3A_393 : i32 to index
        %swap3A_395 = arith.constant 48 : index
        %swap3A_396 = tpu.vector_load %arg6[%swap3A_394, %swap3A_395] {strides = array<i32>} : memref<128x64xf32, #tpu.memory_space<vmem>>, vector<16xf32>,
        tpu.vector_store %arg6[%swap3A_394, %swap3A_395], %mul3A_389 {strides = array<i32>} : memref<128x64xf32, #tpu.memory_space<vmem>>, vector<16xf32>,
        %mul3A_397 = arith.constant 4 : i32
        %mul3A_398 = arith.muli %add3A_262, %mul3A_397 : i32
        %add3A_399 = arith.constant 2 : i32
        %add3A_400 = arith.addi %mul3A_398, %add3A_399 : i32
        %get3A_401 = arith.index_cast %add3A_400 : i32 to index
        %get3A_402 = arith.constant 0 : index
        %get3A_403 = tpu.vector_load %arg6[%get3A_401, %get3A_402] {strides = array<i32>} : memref<128x64xf32, #tpu.memory_space<vmem>>, vector<16xf32>,
        %mul3A_404 = arith.constant 8.000000e+00 : f32
        %mul3A_405 = vector.broadcast %mul3A_404 : f32 to vector<16xf32>
        %mul3A_406 = arith.mulf %get3A_403, %mul3A_405 : vector<16xf32>
        %mul3A_407 = arith.constant 4 : i32
        %mul3A_408 = arith.muli %add3A_262, %mul3A_407 : i32
        %add3A_409 = arith.constant 2 : i32
        %add3A_410 = arith.addi %mul3A_408, %add3A_409 : i32
        %swap3A_411 = arith.index_cast %add3A_410 : i32 to index
        %swap3A_412 = arith.constant 0 : index
        %swap3A_413 = tpu.vector_load %arg6[%swap3A_411, %swap3A_412] {strides = array<i32>} : memref<128x64xf32, #tpu.memory_space<vmem>>, vector<16xf32>,
        tpu.vector_store %arg6[%swap3A_411, %swap3A_412], %mul3A_406 {strides = array<i32>} : memref<128x64xf32, #tpu.memory_space<vmem>>, vector<16xf32>,
        %mul3A_414 = arith.constant 4 : i32
        %mul3A_415 = arith.muli %add3A_262, %mul3A_414 : i32
        %add3A_416 = arith.constant 2 : i32
        %add3A_417 = arith.addi %mul3A_415, %add3A_416 : i32
        %get3A_418 = arith.index_cast %add3A_417 : i32 to index
        %get3A_419 = arith.constant 16 : index
        %get3A_420 = tpu.vector_load %arg6[%get3A_418, %get3A_419] {strides = array<i32>} : memref<128x64xf32, #tpu.memory_space<vmem>>, vector<16xf32>,
        %mul3A_421 = arith.constant 8.000000e+00 : f32
        %mul3A_422 = vector.broadcast %mul3A_421 : f32 to vector<16xf32>
        %mul3A_423 = arith.mulf %get3A_420, %mul3A_422 : vector<16xf32>
        %mul3A_424 = arith.constant 4 : i32
        %mul3A_425 = arith.muli %add3A_262, %mul3A_424 : i32
        %add3A_426 = arith.constant 2 : i32
        %add3A_427 = arith.addi %mul3A_425, %add3A_426 : i32
        %swap3A_428 = arith.index_cast %add3A_427 : i32 to index
        %swap3A_429 = arith.constant 16 : index
        %swap3A_430 = tpu.vector_load %arg6[%swap3A_428, %swap3A_429] {strides = array<i32>} : memref<128x64xf32, #tpu.memory_space<vmem>>, vector<16xf32>,
        tpu.vector_store %arg6[%swap3A_428, %swap3A_429], %mul3A_423 {strides = array<i32>} : memref<128x64xf32, #tpu.memory_space<vmem>>, vector<16xf32>,
        %mul3A_431 = arith.constant 4 : i32
        %mul3A_432 = arith.muli %add3A_262, %mul3A_431 : i32
        %add3A_433 = arith.constant 2 : i32
        %add3A_434 = arith.addi %mul3A_432, %add3A_433 : i32
        %get3A_435 = arith.index_cast %add3A_434 : i32 to index
        %get3A_436 = arith.constant 32 : index
        %get3A_437 = tpu.vector_load %arg6[%get3A_435, %get3A_436] {strides = array<i32>} : memref<128x64xf32, #tpu.memory_space<vmem>>, vector<16xf32>,
        %mul3A_438 = arith.constant 8.000000e+00 : f32
        %mul3A_439 = vector.broadcast %mul3A_438 : f32 to vector<16xf32>
        %mul3A_440 = arith.mulf %get3A_437, %mul3A_439 : vector<16xf32>
        %mul3A_441 = arith.constant 4 : i32
        %mul3A_442 = arith.muli %add3A_262, %mul3A_441 : i32
        %add3A_443 = arith.constant 2 : i32
        %add3A_444 = arith.addi %mul3A_442, %add3A_443 : i32
        %swap3A_445 = arith.index_cast %add3A_444 : i32 to index
        %swap3A_446 = arith.constant 32 : index
        %swap3A_447 = tpu.vector_load %arg6[%swap3A_445, %swap3A_446] {strides = array<i32>} : memref<128x64xf32, #tpu.memory_space<vmem>>, vector<16xf32>,
        tpu.vector_store %arg6[%swap3A_445, %swap3A_446], %mul3A_440 {strides = array<i32>} : memref<128x64xf32, #tpu.memory_space<vmem>>, vector<16xf32>,
        %mul3A_448 = arith.constant 4 : i32
        %mul3A_449 = arith.muli %add3A_262, %mul3A_448 : i32
        %add3A_450 = arith.constant 2 : i32
        %add3A_451 = arith.addi %mul3A_449, %add3A_450 : i32
        %get3A_452 = arith.index_cast %add3A_451 : i32 to index
        %get3A_453 = arith.constant 48 : index
        %get3A_454 = tpu.vector_load %arg6[%get3A_452, %get3A_453] {strides = array<i32>} : memref<128x64xf32, #tpu.memory_space<vmem>>, vector<16xf32>,
        %mul3A_455 = arith.constant 8.000000e+00 : f32
        %mul3A_456 = vector.broadcast %mul3A_455 : f32 to vector<16xf32>
        %mul3A_457 = arith.mulf %get3A_454, %mul3A_456 : vector<16xf32>
        %mul3A_458 = arith.constant 4 : i32
        %mul3A_459 = arith.muli %add3A_262, %mul3A_458 : i32
        %add3A_460 = arith.constant 2 : i32
        %add3A_461 = arith.addi %mul3A_459, %add3A_460 : i32
        %swap3A_462 = arith.index_cast %add3A_461 : i32 to index
        %swap3A_463 = arith.constant 48 : index
        %swap3A_464 = tpu.vector_load %arg6[%swap3A_462, %swap3A_463] {strides = array<i32>} : memref<128x64xf32, #tpu.memory_space<vmem>>, vector<16xf32>,
        tpu.vector_store %arg6[%swap3A_462, %swap3A_463], %mul3A_457 {strides = array<i32>} : memref<128x64xf32, #tpu.memory_space<vmem>>, vector<16xf32>,
        %mul3A_465 = arith.constant 4 : i32
        %mul3A_466 = arith.muli %add3A_262, %mul3A_465 : i32
        %add3A_467 = arith.constant 3 : i32
        %add3A_468 = arith.addi %mul3A_466, %add3A_467 : i32
        %get3A_469 = arith.index_cast %add3A_468 : i32 to index
        %get3A_470 = arith.constant 0 : index
        %get3A_471 = tpu.vector_load %arg6[%get3A_469, %get3A_470] {strides = array<i32>} : memref<128x64xf32, #tpu.memory_space<vmem>>, vector<16xf32>,
        %mul3A_472 = arith.constant 8.000000e+00 : f32
        %mul3A_473 = vector.broadcast %mul3A_472 : f32 to vector<16xf32>
        %mul3A_474 = arith.mulf %get3A_471, %mul3A_473 : vector<16xf32>
        %mul3A_475 = arith.constant 4 : i32
        %mul3A_476 = arith.muli %add3A_262, %mul3A_475 : i32
        %add3A_477 = arith.constant 3 : i32
        %add3A_478 = arith.addi %mul3A_476, %add3A_477 : i32
        %swap3A_479 = arith.index_cast %add3A_478 : i32 to index
        %swap3A_480 = arith.constant 0 : index
        %swap3A_481 = tpu.vector_load %arg6[%swap3A_479, %swap3A_480] {strides = array<i32>} : memref<128x64xf32, #tpu.memory_space<vmem>>, vector<16xf32>,
        tpu.vector_store %arg6[%swap3A_479, %swap3A_480], %mul3A_474 {strides = array<i32>} : memref<128x64xf32, #tpu.memory_space<vmem>>, vector<16xf32>,
        %mul3A_482 = arith.constant 4 : i32
        %mul3A_483 = arith.muli %add3A_262, %mul3A_482 : i32
        %add3A_484 = arith.constant 3 : i32
        %add3A_485 = arith.addi %mul3A_483, %add3A_484 : i32
        %get3A_486 = arith.index_cast %add3A_485 : i32 to index
        %get3A_487 = arith.constant 16 : index
        %get3A_488 = tpu.vector_load %arg6[%get3A_486, %get3A_487] {strides = array<i32>} : memref<128x64xf32, #tpu.memory_space<vmem>>, vector<16xf32>,
        %mul3A_489 = arith.constant 8.000000e+00 : f32
        %mul3A_490 = vector.broadcast %mul3A_489 : f32 to vector<16xf32>
        %mul3A_491 = arith.mulf %get3A_488, %mul3A_490 : vector<16xf32>
        %mul3A_492 = arith.constant 4 : i32
        %mul3A_493 = arith.muli %add3A_262, %mul3A_492 : i32
        %add3A_494 = arith.constant 3 : i32
        %add3A_495 = arith.addi %mul3A_493, %add3A_494 : i32
        %swap3A_496 = arith.index_cast %add3A_495 : i32 to index
        %swap3A_497 = arith.constant 16 : index
        %swap3A_498 = tpu.vector_load %arg6[%swap3A_496, %swap3A_497] {strides = array<i32>} : memref<128x64xf32, #tpu.memory_space<vmem>>, vector<16xf32>,
        tpu.vector_store %arg6[%swap3A_496, %swap3A_497], %mul3A_491 {strides = array<i32>} : memref<128x64xf32, #tpu.memory_space<vmem>>, vector<16xf32>,
        %mul3A_499 = arith.constant 4 : i32
        %mul3A_500 = arith.muli %add3A_262, %mul3A_499 : i32
        %add3A_501 = arith.constant 3 : i32
        %add3A_502 = arith.addi %mul3A_500, %add3A_501 : i32
        %get3A_503 = arith.index_cast %add3A_502 : i32 to index
        %get3A_504 = arith.constant 32 : index
        %get3A_505 = tpu.vector_load %arg6[%get3A_503, %get3A_504] {strides = array<i32>} : memref<128x64xf32, #tpu.memory_space<vmem>>, vector<16xf32>,
        %mul3A_506 = arith.constant 8.000000e+00 : f32
        %mul3A_507 = vector.broadcast %mul3A_506 : f32 to vector<16xf32>
        %mul3A_508 = arith.mulf %get3A_505, %mul3A_507 : vector<16xf32>
        %mul3A_509 = arith.constant 4 : i32
        %mul3A_510 = arith.muli %add3A_262, %mul3A_509 : i32
        %add3A_511 = arith.constant 3 : i32
        %add3A_512 = arith.addi %mul3A_510, %add3A_511 : i32
        %swap3A_513 = arith.index_cast %add3A_512 : i32 to index
        %swap3A_514 = arith.constant 32 : index
        %swap3A_515 = tpu.vector_load %arg6[%swap3A_513, %swap3A_514] {strides = array<i32>} : memref<128x64xf32, #tpu.memory_space<vmem>>, vector<16xf32>,
        tpu.vector_store %arg6[%swap3A_513, %swap3A_514], %mul3A_508 {strides = array<i32>} : memref<128x64xf32, #tpu.memory_space<vmem>>, vector<16xf32>,
        %mul3A_516 = arith.constant 4 : i32
        %mul3A_517 = arith.muli %add3A_262, %mul3A_516 : i32
        %add3A_518 = arith.constant 3 : i32
        %add3A_519 = arith.addi %mul3A_517, %add3A_518 : i32
        %get3A_520 = arith.index_cast %add3A_519 : i32 to index
        %get3A_521 = arith.constant 48 : index
        %get3A_522 = tpu.vector_load %arg6[%get3A_520, %get3A_521] {strides = array<i32>} : memref<128x64xf32, #tpu.memory_space<vmem>>, vector<16xf32>,
        %mul3A_523 = arith.constant 8.000000e+00 : f32
        %mul3A_524 = vector.broadcast %mul3A_523 : f32 to vector<16xf32>
        %mul3A_525 = arith.mulf %get3A_522, %mul3A_524 : vector<16xf32>
        %mul3A_526 = arith.constant 4 : i32
        %mul3A_527 = arith.muli %add3A_262, %mul3A_526 : i32
        %add3A_528 = arith.constant 3 : i32
        %add3A_529 = arith.addi %mul3A_527, %add3A_528 : i32
        %swap3A_530 = arith.index_cast %add3A_529 : i32 to index
        %swap3A_531 = arith.constant 48 : index
        %swap3A_532 = tpu.vector_load %arg6[%swap3A_530, %swap3A_531] {strides = array<i32>} : memref<128x64xf32, #tpu.memory_space<vmem>>, vector<16xf32>,
        tpu.vector_store %arg6[%swap3A_530, %swap3A_531], %mul3A_525 {strides = array<i32>} : memref<128x64xf32, #tpu.memory_space<vmem>>, vector<16xf32>,
      }
      %scan3A_130 = arith.constant 32 : i32
      %mul3A_131 = arith.constant 128 : i32
      %mul3A_132 = arith.muli %add3A_119, %mul3A_131 : i32
      %add3A_133 = arith.addi %mul3A_2, %mul3A_132 : i32
      %dma_start3A_134 = arith.constant 0 : i32
      %dma_start3A_135 = tpu.memref_slice %arg4[%add3A_133, %dma_start3A_134] : memref<819200x64xf32, #tpu.memory_space<hbm>> -> memref<128x64xf32, #tpu.memory_space<hbm>>
      %dma_start3A_136 = arith.constant 0 : i32
      %dma_start3A_137 = tpu.memref_slice %arg4[%add3A_133, %dma_start3A_136] : memref<819200x64xf32, #tpu.memory_space<hbm>> -> memref<128x64xf32, #tpu.memory_space<hbm>>
      tpu.enqueue_dma source(%arg6 : memref<128x64xf32, #tpu.memory_space<vmem>>) target(%dma_start3A_137 : memref<128x64xf32, #tpu.memory_space<hbm>>) target_semaphore(%arg14 : memref<!tpu.dma_semaphore, #tpu.memory_space<semaphore_mem>>)
      %mul3A_138 = arith.constant 128 : i32
      %mul3A_139 = arith.muli %add3A_119, %mul3A_138 : i32
      %add3A_140 = arith.addi %mul3A_2, %mul3A_139 : i32
      %dma_wait3A_141 = arith.constant 0 : i32
      %dma_wait3A_142 = tpu.memref_slice %arg4[%add3A_140, %dma_wait3A_141] : memref<819200x64xf32, #tpu.memory_space<hbm>> -> memref<128x64xf32, #tpu.memory_space<hbm>>
      %dma_wait3A_143 = arith.constant 0 : i32
      %dma_wait3A_144 = tpu.memref_slice %arg4[%add3A_140, %dma_wait3A_143] : memref<819200x64xf32, #tpu.memory_space<hbm>> -> memref<128x64xf32, #tpu.memory_space<hbm>>
      tpu.wait_dma2 semaphore(%arg14 : memref<!tpu.dma_semaphore, #tpu.memory_space<semaphore_mem>>) src(%arg6 : memref<128x64xf32, #tpu.memory_space<vmem>>) dst(%dma_wait3A_144 : memref<128x64xf32, #tpu.memory_space<hbm>>)
      %add3A_145 = arith.constant 4 : i32
      %add3A_146 = arith.addi %add3A_119, %add3A_145 : i32
      %mul3A_147 = arith.constant 128 : i32
      %mul3A_148 = arith.muli %add3A_146, %mul3A_147 : i32
      %dma_start3A_149 = tpu.memref_slice %arg5[%mul3A_148] : memref<25600xi32, #tpu.memory_space<vmem>> -> memref<128xi32, #tpu.memory_space<vmem>>
      %dma_start3A_150 = arith.constant 0 : i32
      %dma_start3A_151 = arith.constant 0 : i32
      %dma_start3A_152 = tpu.memref_slice %arg3[%dma_start3A_150, %dma_start3A_151] : memref<1000000x64xf32, #tpu.memory_space<hbm>> -> memref<1000000x64xf32, #tpu.memory_space<hbm>>
      tpu.enqueue_indirect_dma source(%dma_start3A_152 : memref<1000000x64xf32, #tpu.memory_space<hbm>>) target(%arg6 : memref<128x64xf32, #tpu.memory_space<vmem>>) offsets(%dma_start3A_149 : memref<128xi32, #tpu.memory_space<vmem>>) semaphore(%arg10 : memref<!tpu.dma_semaphore, #tpu.memory_space<semaphore_mem>>)
      %add3A_153 = arith.constant 1 : i32
      %add3A_154 = arith.addi %add3A_117, %add3A_153 : i32
      %mul3A_155 = arith.constant 128 : i32
      %mul3A_156 = arith.muli %add3A_154, %mul3A_155 : i32
      %dma_wait3A_157 = tpu.memref_slice %arg5[%mul3A_156] : memref<25600xi32, #tpu.memory_space<vmem>> -> memref<128xi32, #tpu.memory_space<vmem>>
      %dma_wait3A_158 = arith.constant 0 : i32
      %dma_wait3A_159 = arith.constant 0 : i32
      %dma_wait3A_160 = tpu.memref_slice %arg3[%dma_wait3A_158, %dma_wait3A_159] : memref<1000000x64xf32, #tpu.memory_space<hbm>> -> memref<1000000x64xf32, #tpu.memory_space<hbm>>
      tpu.wait_indirect_dma semaphore(%arg11 : memref<!tpu.dma_semaphore, #tpu.memory_space<semaphore_mem>>) src(%dma_wait3A_160 : memref<1000000x64xf32, #tpu.memory_space<hbm>>) dst(%arg7 : memref<128x64xf32, #tpu.memory_space<vmem>>)
      %scan3A_161 = arith.constant 0 : i32
      %scan3A_162 = arith.constant 32 : i32
      %scan3A_163 = arith.addi %scan3A_161, %scan3A_162 : i32
      %scan3A_164 = arith.constant 1 : i32
      scf.for %scan3A_258 = %scan3A_161 to %scan3A_163 step %scan3A_164  : i32 {
        %mul3A_259 = arith.constant 1 : i32
        %mul3A_260 = arith.muli %scan3A_258, %mul3A_259 : i32
        %add3A_261 = arith.constant 0 : i32
        %add3A_262 = arith.addi %add3A_261, %mul3A_260 : i32
        %mul3A_263 = arith.constant 4 : i32
        %mul3A_264 = arith.muli %add3A_262, %mul3A_263 : i32
        %add3A_265 = arith.constant 0 : i32
        %add3A_266 = arith.addi %mul3A_264, %add3A_265 : i32
        %get3A = arith.index_cast %add3A_266 : i32 to index
        %get3A_267 = arith.constant 0 : index
        %get3A_268 = tpu.vector_load %arg7[%get3A, %get3A_267] {strides = array<i32>} : memref<128x64xf32, #tpu.memory_space<vmem>>, vector<16xf32>,
        %mul3A_269 = arith.constant 8.000000e+00 : f32
        %mul3A_270 = vector.broadcast %mul3A_269 : f32 to vector<16xf32>
        %mul3A_271 = arith.mulf %get3A_268, %mul3A_270 : vector<16xf32>
        %mul3A_272 = arith.constant 4 : i32
        %mul3A_273 = arith.muli %add3A_262, %mul3A_272 : i32
        %add3A_274 = arith.constant 0 : i32
        %add3A_275 = arith.addi %mul3A_273, %add3A_274 : i32
        %swap3A = arith.index_cast %add3A_275 : i32 to index
        %swap3A_276 = arith.constant 0 : index
        %swap3A_277 = tpu.vector_load %arg7[%swap3A, %swap3A_276] {strides = array<i32>} : memref<128x64xf32, #tpu.memory_space<vmem>>, vector<16xf32>,
        tpu.vector_store %arg7[%swap3A, %swap3A_276], %mul3A_271 {strides = array<i32>} : memref<128x64xf32, #tpu.memory_space<vmem>>, vector<16xf32>,
        %mul3A_278 = arith.constant 4 : i32
        %mul3A_279 = arith.muli %add3A_262, %mul3A_278 : i32
        %add3A_280 = arith.constant 0 : i32
        %add3A_281 = arith.addi %mul3A_279, %add3A_280 : i32
        %get3A_282 = arith.index_cast %add3A_281 : i32 to index
        %get3A_283 = arith.constant 16 : index
        %get3A_284 = tpu.vector_load %arg7[%get3A_282, %get3A_283] {strides = array<i32>} : memref<128x64xf32, #tpu.memory_space<vmem>>, vector<16xf32>,
        %mul3A_285 = arith.constant 8.000000e+00 : f32
        %mul3A_286 = vector.broadcast %mul3A_285 : f32 to vector<16xf32>
        %mul3A_287 = arith.mulf %get3A_284, %mul3A_286 : vector<16xf32>
        %mul3A_288 = arith.constant 4 : i32
        %mul3A_289 = arith.muli %add3A_262, %mul3A_288 : i32
        %add3A_290 = arith.constant 0 : i32
        %add3A_291 = arith.addi %mul3A_289, %add3A_290 : i32
        %swap3A_292 = arith.index_cast %add3A_291 : i32 to index
        %swap3A_293 = arith.constant 16 : index
        %swap3A_294 = tpu.vector_load %arg7[%swap3A_292, %swap3A_293] {strides = array<i32>} : memref<128x64xf32, #tpu.memory_space<vmem>>, vector<16xf32>,
        tpu.vector_store %arg7[%swap3A_292, %swap3A_293], %mul3A_287 {strides = array<i32>} : memref<128x64xf32, #tpu.memory_space<vmem>>, vector<16xf32>,
        %mul3A_295 = arith.constant 4 : i32
        %mul3A_296 = arith.muli %add3A_262, %mul3A_295 : i32
        %add3A_297 = arith.constant 0 : i32
        %add3A_298 = arith.addi %mul3A_296, %add3A_297 : i32
        %get3A_299 = arith.index_cast %add3A_298 : i32 to index
        %get3A_300 = arith.constant 32 : index
        %get3A_301 = tpu.vector_load %arg7[%get3A_299, %get3A_300] {strides = array<i32>} : memref<128x64xf32, #tpu.memory_space<vmem>>, vector<16xf32>,
        %mul3A_302 = arith.constant 8.000000e+00 : f32
        %mul3A_303 = vector.broadcast %mul3A_302 : f32 to vector<16xf32>
        %mul3A_304 = arith.mulf %get3A_301, %mul3A_303 : vector<16xf32>
        %mul3A_305 = arith.constant 4 : i32
        %mul3A_306 = arith.muli %add3A_262, %mul3A_305 : i32
        %add3A_307 = arith.constant 0 : i32
        %add3A_308 = arith.addi %mul3A_306, %add3A_307 : i32
        %swap3A_309 = arith.index_cast %add3A_308 : i32 to index
        %swap3A_310 = arith.constant 32 : index
        %swap3A_311 = tpu.vector_load %arg7[%swap3A_309, %swap3A_310] {strides = array<i32>} : memref<128x64xf32, #tpu.memory_space<vmem>>, vector<16xf32>,
        tpu.vector_store %arg7[%swap3A_309, %swap3A_310], %mul3A_304 {strides = array<i32>} : memref<128x64xf32, #tpu.memory_space<vmem>>, vector<16xf32>,
        %mul3A_312 = arith.constant 4 : i32
        %mul3A_313 = arith.muli %add3A_262, %mul3A_312 : i32
        %add3A_314 = arith.constant 0 : i32
        %add3A_315 = arith.addi %mul3A_313, %add3A_314 : i32
        %get3A_316 = arith.index_cast %add3A_315 : i32 to index
        %get3A_317 = arith.constant 48 : index
        %get3A_318 = tpu.vector_load %arg7[%get3A_316, %get3A_317] {strides = array<i32>} : memref<128x64xf32, #tpu.memory_space<vmem>>, vector<16xf32>,
        %mul3A_319 = arith.constant 8.000000e+00 : f32
        %mul3A_320 = vector.broadcast %mul3A_319 : f32 to vector<16xf32>
        %mul3A_321 = arith.mulf %get3A_318, %mul3A_320 : vector<16xf32>
        %mul3A_322 = arith.constant 4 : i32
        %mul3A_323 = arith.muli %add3A_262, %mul3A_322 : i32
        %add3A_324 = arith.constant 0 : i32
        %add3A_325 = arith.addi %mul3A_323, %add3A_324 : i32
        %swap3A_326 = arith.index_cast %add3A_325 : i32 to index
        %swap3A_327 = arith.constant 48 : index
        %swap3A_328 = tpu.vector_load %arg7[%swap3A_326, %swap3A_327] {strides = array<i32>} : memref<128x64xf32, #tpu.memory_space<vmem>>, vector<16xf32>,
        tpu.vector_store %arg7[%swap3A_326, %swap3A_327], %mul3A_321 {strides = array<i32>} : memref<128x64xf32, #tpu.memory_space<vmem>>, vector<16xf32>,
        %mul3A_329 = arith.constant 4 : i32
        %mul3A_330 = arith.muli %add3A_262, %mul3A_329 : i32
        %add3A_331 = arith.constant 1 : i32
        %add3A_332 = arith.addi %mul3A_330, %add3A_331 : i32
        %get3A_333 = arith.index_cast %add3A_332 : i32 to index
        %get3A_334 = arith.constant 0 : index
        %get3A_335 = tpu.vector_load %arg7[%get3A_333, %get3A_334] {strides = array<i32>} : memref<128x64xf32, #tpu.memory_space<vmem>>, vector<16xf32>,
        %mul3A_336 = arith.constant 8.000000e+00 : f32
        %mul3A_337 = vector.broadcast %mul3A_336 : f32 to vector<16xf32>
        %mul3A_338 = arith.mulf %get3A_335, %mul3A_337 : vector<16xf32>
        %mul3A_339 = arith.constant 4 : i32
        %mul3A_340 = arith.muli %add3A_262, %mul3A_339 : i32
        %add3A_341 = arith.constant 1 : i32
        %add3A_342 = arith.addi %mul3A_340, %add3A_341 : i32
        %swap3A_343 = arith.index_cast %add3A_342 : i32 to index
        %swap3A_344 = arith.constant 0 : index
        %swap3A_345 = tpu.vector_load %arg7[%swap3A_343, %swap3A_344] {strides = array<i32>} : memref<128x64xf32, #tpu.memory_space<vmem>>, vector<16xf32>,
        tpu.vector_store %arg7[%swap3A_343, %swap3A_344], %mul3A_338 {strides = array<i32>} : memref<128x64xf32, #tpu.memory_space<vmem>>, vector<16xf32>,
        %mul3A_346 = arith.constant 4 : i32
        %mul3A_347 = arith.muli %add3A_262, %mul3A_346 : i32
        %add3A_348 = arith.constant 1 : i32
        %add3A_349 = arith.addi %mul3A_347, %add3A_348 : i32
        %get3A_350 = arith.index_cast %add3A_349 : i32 to index
        %get3A_351 = arith.constant 16 : index
        %get3A_352 = tpu.vector_load %arg7[%get3A_350, %get3A_351] {strides = array<i32>} : memref<128x64xf32, #tpu.memory_space<vmem>>, vector<16xf32>,
        %mul3A_353 = arith.constant 8.000000e+00 : f32
        %mul3A_354 = vector.broadcast %mul3A_353 : f32 to vector<16xf32>
        %mul3A_355 = arith.mulf %get3A_352, %mul3A_354 : vector<16xf32>
        %mul3A_356 = arith.constant 4 : i32
        %mul3A_357 = arith.muli %add3A_262, %mul3A_356 : i32
        %add3A_358 = arith.constant 1 : i32
        %add3A_359 = arith.addi %mul3A_357, %add3A_358 : i32
        %swap3A_360 = arith.index_cast %add3A_359 : i32 to index
        %swap3A_361 = arith.constant 16 : index
        %swap3A_362 = tpu.vector_load %arg7[%swap3A_360, %swap3A_361] {strides = array<i32>} : memref<128x64xf32, #tpu.memory_space<vmem>>, vector<16xf32>,
        tpu.vector_store %arg7[%swap3A_360, %swap3A_361], %mul3A_355 {strides = array<i32>} : memref<128x64xf32, #tpu.memory_space<vmem>>, vector<16xf32>,
        %mul3A_363 = arith.constant 4 : i32
        %mul3A_364 = arith.muli %add3A_262, %mul3A_363 : i32
        %add3A_365 = arith.constant 1 : i32
        %add3A_366 = arith.addi %mul3A_364, %add3A_365 : i32
        %get3A_367 = arith.index_cast %add3A_366 : i32 to index
        %get3A_368 = arith.constant 32 : index
        %get3A_369 = tpu.vector_load %arg7[%get3A_367, %get3A_368] {strides = array<i32>} : memref<128x64xf32, #tpu.memory_space<vmem>>, vector<16xf32>,
        %mul3A_370 = arith.constant 8.000000e+00 : f32
        %mul3A_371 = vector.broadcast %mul3A_370 : f32 to vector<16xf32>
        %mul3A_372 = arith.mulf %get3A_369, %mul3A_371 : vector<16xf32>
        %mul3A_373 = arith.constant 4 : i32
        %mul3A_374 = arith.muli %add3A_262, %mul3A_373 : i32
        %add3A_375 = arith.constant 1 : i32
        %add3A_376 = arith.addi %mul3A_374, %add3A_375 : i32
        %swap3A_377 = arith.index_cast %add3A_376 : i32 to index
        %swap3A_378 = arith.constant 32 : index
        %swap3A_379 = tpu.vector_load %arg7[%swap3A_377, %swap3A_378] {strides = array<i32>} : memref<128x64xf32, #tpu.memory_space<vmem>>, vector<16xf32>,
        tpu.vector_store %arg7[%swap3A_377, %swap3A_378], %mul3A_372 {strides = array<i32>} : memref<128x64xf32, #tpu.memory_space<vmem>>, vector<16xf32>,
        %mul3A_380 = arith.constant 4 : i32
        %mul3A_381 = arith.muli %add3A_262, %mul3A_380 : i32
        %add3A_382 = arith.constant 1 : i32
        %add3A_383 = arith.addi %mul3A_381, %add3A_382 : i32
        %get3A_384 = arith.index_cast %add3A_383 : i32 to index
        %get3A_385 = arith.constant 48 : index
        %get3A_386 = tpu.vector_load %arg7[%get3A_384, %get3A_385] {strides = array<i32>} : memref<128x64xf32, #tpu.memory_space<vmem>>, vector<16xf32>,
        %mul3A_387 = arith.constant 8.000000e+00 : f32
        %mul3A_388 = vector.broadcast %mul3A_387 : f32 to vector<16xf32>
        %mul3A_389 = arith.mulf %get3A_386, %mul3A_388 : vector<16xf32>
        %mul3A_390 = arith.constant 4 : i32
        %mul3A_391 = arith.muli %add3A_262, %mul3A_390 : i32
        %add3A_392 = arith.constant 1 : i32
        %add3A_393 = arith.addi %mul3A_391, %add3A_392 : i32
        %swap3A_394 = arith.index_cast %add3A_393 : i32 to index
        %swap3A_395 = arith.constant 48 : index
        %swap3A_396 = tpu.vector_load %arg7[%swap3A_394, %swap3A_395] {strides = array<i32>} : memref<128x64xf32, #tpu.memory_space<vmem>>, vector<16xf32>,
        tpu.vector_store %arg7[%swap3A_394, %swap3A_395], %mul3A_389 {strides = array<i32>} : memref<128x64xf32, #tpu.memory_space<vmem>>, vector<16xf32>,
        %mul3A_397 = arith.constant 4 : i32
        %mul3A_398 = arith.muli %add3A_262, %mul3A_397 : i32
        %add3A_399 = arith.constant 2 : i32
        %add3A_400 = arith.addi %mul3A_398, %add3A_399 : i32
        %get3A_401 = arith.index_cast %add3A_400 : i32 to index
        %get3A_402 = arith.constant 0 : index
        %get3A_403 = tpu.vector_load %arg7[%get3A_401, %get3A_402] {strides = array<i32>} : memref<128x64xf32, #tpu.memory_space<vmem>>, vector<16xf32>,
        %mul3A_404 = arith.constant 8.000000e+00 : f32
        %mul3A_405 = vector.broadcast %mul3A_404 : f32 to vector<16xf32>
        %mul3A_406 = arith.mulf %get3A_403, %mul3A_405 : vector<16xf32>
        %mul3A_407 = arith.constant 4 : i32
        %mul3A_408 = arith.muli %add3A_262, %mul3A_407 : i32
        %add3A_409 = arith.constant 2 : i32
        %add3A_410 = arith.addi %mul3A_408, %add3A_409 : i32
        %swap3A_411 = arith.index_cast %add3A_410 : i32 to index
        %swap3A_412 = arith.constant 0 : index
        %swap3A_413 = tpu.vector_load %arg7[%swap3A_411, %swap3A_412] {strides = array<i32>} : memref<128x64xf32, #tpu.memory_space<vmem>>, vector<16xf32>,
        tpu.vector_store %arg7[%swap3A_411, %swap3A_412], %mul3A_406 {strides = array<i32>} : memref<128x64xf32, #tpu.memory_space<vmem>>, vector<16xf32>,
        %mul3A_414 = arith.constant 4 : i32
        %mul3A_415 = arith.muli %add3A_262, %mul3A_414 : i32
        %add3A_416 = arith.constant 2 : i32
        %add3A_417 = arith.addi %mul3A_415, %add3A_416 : i32
        %get3A_418 = arith.index_cast %add3A_417 : i32 to index
        %get3A_419 = arith.constant 16 : index
        %get3A_420 = tpu.vector_load %arg7[%get3A_418, %get3A_419] {strides = array<i32>} : memref<128x64xf32, #tpu.memory_space<vmem>>, vector<16xf32>,
        %mul3A_421 = arith.constant 8.000000e+00 : f32
        %mul3A_422 = vector.broadcast %mul3A_421 : f32 to vector<16xf32>
        %mul3A_423 = arith.mulf %get3A_420, %mul3A_422 : vector<16xf32>
        %mul3A_424 = arith.constant 4 : i32
        %mul3A_425 = arith.muli %add3A_262, %mul3A_424 : i32
        %add3A_426 = arith.constant 2 : i32
        %add3A_427 = arith.addi %mul3A_425, %add3A_426 : i32
        %swap3A_428 = arith.index_cast %add3A_427 : i32 to index
        %swap3A_429 = arith.constant 16 : index
        %swap3A_430 = tpu.vector_load %arg7[%swap3A_428, %swap3A_429] {strides = array<i32>} : memref<128x64xf32, #tpu.memory_space<vmem>>, vector<16xf32>,
        tpu.vector_store %arg7[%swap3A_428, %swap3A_429], %mul3A_423 {strides = array<i32>} : memref<128x64xf32, #tpu.memory_space<vmem>>, vector<16xf32>,
        %mul3A_431 = arith.constant 4 : i32
        %mul3A_432 = arith.muli %add3A_262, %mul3A_431 : i32
        %add3A_433 = arith.constant 2 : i32
        %add3A_434 = arith.addi %mul3A_432, %add3A_433 : i32
        %get3A_435 = arith.index_cast %add3A_434 : i32 to index
        %get3A_436 = arith.constant 32 : index
        %get3A_437 = tpu.vector_load %arg7[%get3A_435, %get3A_436] {strides = array<i32>} : memref<128x64xf32, #tpu.memory_space<vmem>>, vector<16xf32>,
        %mul3A_438 = arith.constant 8.000000e+00 : f32
        %mul3A_439 = vector.broadcast %mul3A_438 : f32 to vector<16xf32>
        %mul3A_440 = arith.mulf %get3A_437, %mul3A_439 : vector<16xf32>
        %mul3A_441 = arith.constant 4 : i32
        %mul3A_442 = arith.muli %add3A_262, %mul3A_441 : i32
        %add3A_443 = arith.constant 2 : i32
        %add3A_444 = arith.addi %mul3A_442, %add3A_443 : i32
        %swap3A_445 = arith.index_cast %add3A_444 : i32 to index
        %swap3A_446 = arith.constant 32 : index
        %swap3A_447 = tpu.vector_load %arg7[%swap3A_445, %swap3A_446] {strides = array<i32>} : memref<128x64xf32, #tpu.memory_space<vmem>>, vector<16xf32>,
        tpu.vector_store %arg7[%swap3A_445, %swap3A_446], %mul3A_440 {strides = array<i32>} : memref<128x64xf32, #tpu.memory_space<vmem>>, vector<16xf32>,
        %mul3A_448 = arith.constant 4 : i32
        %mul3A_449 = arith.muli %add3A_262, %mul3A_448 : i32
        %add3A_450 = arith.constant 2 : i32
        %add3A_451 = arith.addi %mul3A_449, %add3A_450 : i32
        %get3A_452 = arith.index_cast %add3A_451 : i32 to index
        %get3A_453 = arith.constant 48 : index
        %get3A_454 = tpu.vector_load %arg7[%get3A_452, %get3A_453] {strides = array<i32>} : memref<128x64xf32, #tpu.memory_space<vmem>>, vector<16xf32>,
        %mul3A_455 = arith.constant 8.000000e+00 : f32
        %mul3A_456 = vector.broadcast %mul3A_455 : f32 to vector<16xf32>
        %mul3A_457 = arith.mulf %get3A_454, %mul3A_456 : vector<16xf32>
        %mul3A_458 = arith.constant 4 : i32
        %mul3A_459 = arith.muli %add3A_262, %mul3A_458 : i32
        %add3A_460 = arith.constant 2 : i32
        %add3A_461 = arith.addi %mul3A_459, %add3A_460 : i32
        %swap3A_462 = arith.index_cast %add3A_461 : i32 to index
        %swap3A_463 = arith.constant 48 : index
        %swap3A_464 = tpu.vector_load %arg7[%swap3A_462, %swap3A_463] {strides = array<i32>} : memref<128x64xf32, #tpu.memory_space<vmem>>, vector<16xf32>,
        tpu.vector_store %arg7[%swap3A_462, %swap3A_463], %mul3A_457 {strides = array<i32>} : memref<128x64xf32, #tpu.memory_space<vmem>>, vector<16xf32>,
        %mul3A_465 = arith.constant 4 : i32
        %mul3A_466 = arith.muli %add3A_262, %mul3A_465 : i32
        %add3A_467 = arith.constant 3 : i32
        %add3A_468 = arith.addi %mul3A_466, %add3A_467 : i32
        %get3A_469 = arith.index_cast %add3A_468 : i32 to index
        %get3A_470 = arith.constant 0 : index
        %get3A_471 = tpu.vector_load %arg7[%get3A_469, %get3A_470] {strides = array<i32>} : memref<128x64xf32, #tpu.memory_space<vmem>>, vector<16xf32>,
        %mul3A_472 = arith.constant 8.000000e+00 : f32
        %mul3A_473 = vector.broadcast %mul3A_472 : f32 to vector<16xf32>
        %mul3A_474 = arith.mulf %get3A_471, %mul3A_473 : vector<16xf32>
        %mul3A_475 = arith.constant 4 : i32
        %mul3A_476 = arith.muli %add3A_262, %mul3A_475 : i32
        %add3A_477 = arith.constant 3 : i32
        %add3A_478 = arith.addi %mul3A_476, %add3A_477 : i32
        %swap3A_479 = arith.index_cast %add3A_478 : i32 to index
        %swap3A_480 = arith.constant 0 : index
        %swap3A_481 = tpu.vector_load %arg7[%swap3A_479, %swap3A_480] {strides = array<i32>} : memref<128x64xf32, #tpu.memory_space<vmem>>, vector<16xf32>,
        tpu.vector_store %arg7[%swap3A_479, %swap3A_480], %mul3A_474 {strides = array<i32>} : memref<128x64xf32, #tpu.memory_space<vmem>>, vector<16xf32>,
        %mul3A_482 = arith.constant 4 : i32
        %mul3A_483 = arith.muli %add3A_262, %mul3A_482 : i32
        %add3A_484 = arith.constant 3 : i32
        %add3A_485 = arith.addi %mul3A_483, %add3A_484 : i32
        %get3A_486 = arith.index_cast %add3A_485 : i32 to index
        %get3A_487 = arith.constant 16 : index
        %get3A_488 = tpu.vector_load %arg7[%get3A_486, %get3A_487] {strides = array<i32>} : memref<128x64xf32, #tpu.memory_space<vmem>>, vector<16xf32>,
        %mul3A_489 = arith.constant 8.000000e+00 : f32
        %mul3A_490 = vector.broadcast %mul3A_489 : f32 to vector<16xf32>
        %mul3A_491 = arith.mulf %get3A_488, %mul3A_490 : vector<16xf32>
        %mul3A_492 = arith.constant 4 : i32
        %mul3A_493 = arith.muli %add3A_262, %mul3A_492 : i32
        %add3A_494 = arith.constant 3 : i32
        %add3A_495 = arith.addi %mul3A_493, %add3A_494 : i32
        %swap3A_496 = arith.index_cast %add3A_495 : i32 to index
        %swap3A_497 = arith.constant 16 : index
        %swap3A_498 = tpu.vector_load %arg7[%swap3A_496, %swap3A_497] {strides = array<i32>} : memref<128x64xf32, #tpu.memory_space<vmem>>, vector<16xf32>,
        tpu.vector_store %arg7[%swap3A_496, %swap3A_497], %mul3A_491 {strides = array<i32>} : memref<128x64xf32, #tpu.memory_space<vmem>>, vector<16xf32>,
        %mul3A_499 = arith.constant 4 : i32
        %mul3A_500 = arith.muli %add3A_262, %mul3A_499 : i32
        %add3A_501 = arith.constant 3 : i32
        %add3A_502 = arith.addi %mul3A_500, %add3A_501 : i32
        %get3A_503 = arith.index_cast %add3A_502 : i32 to index
        %get3A_504 = arith.constant 32 : index
        %get3A_505 = tpu.vector_load %arg7[%get3A_503, %get3A_504] {strides = array<i32>} : memref<128x64xf32, #tpu.memory_space<vmem>>, vector<16xf32>,
        %mul3A_506 = arith.constant 8.000000e+00 : f32
        %mul3A_507 = vector.broadcast %mul3A_506 : f32 to vector<16xf32>
        %mul3A_508 = arith.mulf %get3A_505, %mul3A_507 : vector<16xf32>
        %mul3A_509 = arith.constant 4 : i32
        %mul3A_510 = arith.muli %add3A_262, %mul3A_509 : i32
        %add3A_511 = arith.constant 3 : i32
        %add3A_512 = arith.addi %mul3A_510, %add3A_511 : i32
        %swap3A_513 = arith.index_cast %add3A_512 : i32 to index
        %swap3A_514 = arith.constant 32 : index
        %swap3A_515 = tpu.vector_load %arg7[%swap3A_513, %swap3A_514] {strides = array<i32>} : memref<128x64xf32, #tpu.memory_space<vmem>>, vector<16xf32>,
        tpu.vector_store %arg7[%swap3A_513, %swap3A_514], %mul3A_508 {strides = array<i32>} : memref<128x64xf32, #tpu.memory_space<vmem>>, vector<16xf32>,
        %mul3A_516 = arith.constant 4 : i32
        %mul3A_517 = arith.muli %add3A_262, %mul3A_516 : i32
        %add3A_518 = arith.constant 3 : i32
        %add3A_519 = arith.addi %mul3A_517, %add3A_518 : i32
        %get3A_520 = arith.index_cast %add3A_519 : i32 to index
        %get3A_521 = arith.constant 48 : index
        %get3A_522 = tpu.vector_load %arg7[%get3A_520, %get3A_521] {strides = array<i32>} : memref<128x64xf32, #tpu.memory_space<vmem>>, vector<16xf32>,
        %mul3A_523 = arith.constant 8.000000e+00 : f32
        %mul3A_524 = vector.broadcast %mul3A_523 : f32 to vector<16xf32>
        %mul3A_525 = arith.mulf %get3A_522, %mul3A_524 : vector<16xf32>
        %mul3A_526 = arith.constant 4 : i32
        %mul3A_527 = arith.muli %add3A_262, %mul3A_526 : i32
        %add3A_528 = arith.constant 3 : i32
        %add3A_529 = arith.addi %mul3A_527, %add3A_528 : i32
        %swap3A_530 = arith.index_cast %add3A_529 : i32 to index
        %swap3A_531 = arith.constant 48 : index
        %swap3A_532 = tpu.vector_load %arg7[%swap3A_530, %swap3A_531] {strides = array<i32>} : memref<128x64xf32, #tpu.memory_space<vmem>>, vector<16xf32>,
        tpu.vector_store %arg7[%swap3A_530, %swap3A_531], %mul3A_525 {strides = array<i32>} : memref<128x64xf32, #tpu.memory_space<vmem>>, vector<16xf32>,
      }
      %scan3A_165 = arith.constant 32 : i32
      %mul3A_166 = arith.constant 128 : i32
      %mul3A_167 = arith.muli %add3A_154, %mul3A_166 : i32
      %add3A_168 = arith.addi %mul3A_2, %mul3A_167 : i32
      %dma_start3A_169 = arith.constant 0 : i32
      %dma_start3A_170 = tpu.memref_slice %arg4[%add3A_168, %dma_start3A_169] : memref<819200x64xf32, #tpu.memory_space<hbm>> -> memref<128x64xf32, #tpu.memory_space<hbm>>
      %dma_start3A_171 = arith.constant 0 : i32
      %dma_start3A_172 = tpu.memref_slice %arg4[%add3A_168, %dma_start3A_171] : memref<819200x64xf32, #tpu.memory_space<hbm>> -> memref<128x64xf32, #tpu.memory_space<hbm>>
      tpu.enqueue_dma source(%arg7 : memref<128x64xf32, #tpu.memory_space<vmem>>) target(%dma_start3A_172 : memref<128x64xf32, #tpu.memory_space<hbm>>) target_semaphore(%arg15 : memref<!tpu.dma_semaphore, #tpu.memory_space<semaphore_mem>>)
      %mul3A_173 = arith.constant 128 : i32
      %mul3A_174 = arith.muli %add3A_154, %mul3A_173 : i32
      %add3A_175 = arith.addi %mul3A_2, %mul3A_174 : i32
      %dma_wait3A_176 = arith.constant 0 : i32
      %dma_wait3A_177 = tpu.memref_slice %arg4[%add3A_175, %dma_wait3A_176] : memref<819200x64xf32, #tpu.memory_space<hbm>> -> memref<128x64xf32, #tpu.memory_space<hbm>>
      %dma_wait3A_178 = arith.constant 0 : i32
      %dma_wait3A_179 = tpu.memref_slice %arg4[%add3A_175, %dma_wait3A_178] : memref<819200x64xf32, #tpu.memory_space<hbm>> -> memref<128x64xf32, #tpu.memory_space<hbm>>
      tpu.wait_dma2 semaphore(%arg15 : memref<!tpu.dma_semaphore, #tpu.memory_space<semaphore_mem>>) src(%arg7 : memref<128x64xf32, #tpu.memory_space<vmem>>) dst(%dma_wait3A_179 : memref<128x64xf32, #tpu.memory_space<hbm>>)
      %add3A_180 = arith.constant 4 : i32
      %add3A_181 = arith.addi %add3A_154, %add3A_180 : i32
      %mul3A_182 = arith.constant 128 : i32
      %mul3A_183 = arith.muli %add3A_181, %mul3A_182 : i32
      %dma_start3A_184 = tpu.memref_slice %arg5[%mul3A_183] : memref<25600xi32, #tpu.memory_space<vmem>> -> memref<128xi32, #tpu.memory_space<vmem>>
      %dma_start3A_185 = arith.constant 0 : i32
      %dma_start3A_186 = arith.constant 0 : i32
      %dma_start3A_187 = tpu.memref_slice %arg3[%dma_start3A_185, %dma_start3A_186] : memref<1000000x64xf32, #tpu.memory_space<hbm>> -> memref<1000000x64xf32, #tpu.memory_space<hbm>>
      tpu.enqueue_indirect_dma source(%dma_start3A_187 : memref<1000000x64xf32, #tpu.memory_space<hbm>>) target(%arg7 : memref<128x64xf32, #tpu.memory_space<vmem>>) offsets(%dma_start3A_184 : memref<128xi32, #tpu.memory_space<vmem>>) semaphore(%arg11 : memref<!tpu.dma_semaphore, #tpu.memory_space<semaphore_mem>>)
      %add3A_188 = arith.constant 2 : i32
      %add3A_189 = arith.addi %add3A_117, %add3A_188 : i32
      %mul3A_190 = arith.constant 128 : i32
      %mul3A_191 = arith.muli %add3A_189, %mul3A_190 : i32
      %dma_wait3A_192 = tpu.memref_slice %arg5[%mul3A_191] : memref<25600xi32, #tpu.memory_space<vmem>> -> memref<128xi32, #tpu.memory_space<vmem>>
      %dma_wait3A_193 = arith.constant 0 : i32
      %dma_wait3A_194 = arith.constant 0 : i32
      %dma_wait3A_195 = tpu.memref_slice %arg3[%dma_wait3A_193, %dma_wait3A_194] : memref<1000000x64xf32, #tpu.memory_space<hbm>> -> memref<1000000x64xf32, #tpu.memory_space<hbm>>
      tpu.wait_indirect_dma semaphore(%arg12 : memref<!tpu.dma_semaphore, #tpu.memory_space<semaphore_mem>>) src(%dma_wait3A_195 : memref<1000000x64xf32, #tpu.memory_space<hbm>>) dst(%arg8 : memref<128x64xf32, #tpu.memory_space<vmem>>)
      %scan3A_196 = arith.constant 0 : i32
      %scan3A_197 = arith.constant 32 : i32
      %scan3A_198 = arith.addi %scan3A_196, %scan3A_197 : i32
      %scan3A_199 = arith.constant 1 : i32
      scf.for %scan3A_258 = %scan3A_196 to %scan3A_198 step %scan3A_199  : i32 {
        %mul3A_259 = arith.constant 1 : i32
        %mul3A_260 = arith.muli %scan3A_258, %mul3A_259 : i32
        %add3A_261 = arith.constant 0 : i32
        %add3A_262 = arith.addi %add3A_261, %mul3A_260 : i32
        %mul3A_263 = arith.constant 4 : i32
        %mul3A_264 = arith.muli %add3A_262, %mul3A_263 : i32
        %add3A_265 = arith.constant 0 : i32
        %add3A_266 = arith.addi %mul3A_264, %add3A_265 : i32
        %get3A = arith.index_cast %add3A_266 : i32 to index
        %get3A_267 = arith.constant 0 : index
        %get3A_268 = tpu.vector_load %arg8[%get3A, %get3A_267] {strides = array<i32>} : memref<128x64xf32, #tpu.memory_space<vmem>>, vector<16xf32>,
        %mul3A_269 = arith.constant 8.000000e+00 : f32
        %mul3A_270 = vector.broadcast %mul3A_269 : f32 to vector<16xf32>
        %mul3A_271 = arith.mulf %get3A_268, %mul3A_270 : vector<16xf32>
        %mul3A_272 = arith.constant 4 : i32
        %mul3A_273 = arith.muli %add3A_262, %mul3A_272 : i32
        %add3A_274 = arith.constant 0 : i32
        %add3A_275 = arith.addi %mul3A_273, %add3A_274 : i32
        %swap3A = arith.index_cast %add3A_275 : i32 to index
        %swap3A_276 = arith.constant 0 : index
        %swap3A_277 = tpu.vector_load %arg8[%swap3A, %swap3A_276] {strides = array<i32>} : memref<128x64xf32, #tpu.memory_space<vmem>>, vector<16xf32>,
        tpu.vector_store %arg8[%swap3A, %swap3A_276], %mul3A_271 {strides = array<i32>} : memref<128x64xf32, #tpu.memory_space<vmem>>, vector<16xf32>,
        %mul3A_278 = arith.constant 4 : i32
        %mul3A_279 = arith.muli %add3A_262, %mul3A_278 : i32
        %add3A_280 = arith.constant 0 : i32
        %add3A_281 = arith.addi %mul3A_279, %add3A_280 : i32
        %get3A_282 = arith.index_cast %add3A_281 : i32 to index
        %get3A_283 = arith.constant 16 : index
        %get3A_284 = tpu.vector_load %arg8[%get3A_282, %get3A_283] {strides = array<i32>} : memref<128x64xf32, #tpu.memory_space<vmem>>, vector<16xf32>,
        %mul3A_285 = arith.constant 8.000000e+00 : f32
        %mul3A_286 = vector.broadcast %mul3A_285 : f32 to vector<16xf32>
        %mul3A_287 = arith.mulf %get3A_284, %mul3A_286 : vector<16xf32>
        %mul3A_288 = arith.constant 4 : i32
        %mul3A_289 = arith.muli %add3A_262, %mul3A_288 : i32
        %add3A_290 = arith.constant 0 : i32
        %add3A_291 = arith.addi %mul3A_289, %add3A_290 : i32
        %swap3A_292 = arith.index_cast %add3A_291 : i32 to index
        %swap3A_293 = arith.constant 16 : index
        %swap3A_294 = tpu.vector_load %arg8[%swap3A_292, %swap3A_293] {strides = array<i32>} : memref<128x64xf32, #tpu.memory_space<vmem>>, vector<16xf32>,
        tpu.vector_store %arg8[%swap3A_292, %swap3A_293], %mul3A_287 {strides = array<i32>} : memref<128x64xf32, #tpu.memory_space<vmem>>, vector<16xf32>,
        %mul3A_295 = arith.constant 4 : i32
        %mul3A_296 = arith.muli %add3A_262, %mul3A_295 : i32
        %add3A_297 = arith.constant 0 : i32
        %add3A_298 = arith.addi %mul3A_296, %add3A_297 : i32
        %get3A_299 = arith.index_cast %add3A_298 : i32 to index
        %get3A_300 = arith.constant 32 : index
        %get3A_301 = tpu.vector_load %arg8[%get3A_299, %get3A_300] {strides = array<i32>} : memref<128x64xf32, #tpu.memory_space<vmem>>, vector<16xf32>,
        %mul3A_302 = arith.constant 8.000000e+00 : f32
        %mul3A_303 = vector.broadcast %mul3A_302 : f32 to vector<16xf32>
        %mul3A_304 = arith.mulf %get3A_301, %mul3A_303 : vector<16xf32>
        %mul3A_305 = arith.constant 4 : i32
        %mul3A_306 = arith.muli %add3A_262, %mul3A_305 : i32
        %add3A_307 = arith.constant 0 : i32
        %add3A_308 = arith.addi %mul3A_306, %add3A_307 : i32
        %swap3A_309 = arith.index_cast %add3A_308 : i32 to index
        %swap3A_310 = arith.constant 32 : index
        %swap3A_311 = tpu.vector_load %arg8[%swap3A_309, %swap3A_310] {strides = array<i32>} : memref<128x64xf32, #tpu.memory_space<vmem>>, vector<16xf32>,
        tpu.vector_store %arg8[%swap3A_309, %swap3A_310], %mul3A_304 {strides = array<i32>} : memref<128x64xf32, #tpu.memory_space<vmem>>, vector<16xf32>,
        %mul3A_312 = arith.constant 4 : i32
        %mul3A_313 = arith.muli %add3A_262, %mul3A_312 : i32
        %add3A_314 = arith.constant 0 : i32
        %add3A_315 = arith.addi %mul3A_313, %add3A_314 : i32
        %get3A_316 = arith.index_cast %add3A_315 : i32 to index
        %get3A_317 = arith.constant 48 : index
        %get3A_318 = tpu.vector_load %arg8[%get3A_316, %get3A_317] {strides = array<i32>} : memref<128x64xf32, #tpu.memory_space<vmem>>, vector<16xf32>,
        %mul3A_319 = arith.constant 8.000000e+00 : f32
        %mul3A_320 = vector.broadcast %mul3A_319 : f32 to vector<16xf32>
        %mul3A_321 = arith.mulf %get3A_318, %mul3A_320 : vector<16xf32>
        %mul3A_322 = arith.constant 4 : i32
        %mul3A_323 = arith.muli %add3A_262, %mul3A_322 : i32
        %add3A_324 = arith.constant 0 : i32
        %add3A_325 = arith.addi %mul3A_323, %add3A_324 : i32
        %swap3A_326 = arith.index_cast %add3A_325 : i32 to index
        %swap3A_327 = arith.constant 48 : index
        %swap3A_328 = tpu.vector_load %arg8[%swap3A_326, %swap3A_327] {strides = array<i32>} : memref<128x64xf32, #tpu.memory_space<vmem>>, vector<16xf32>,
        tpu.vector_store %arg8[%swap3A_326, %swap3A_327], %mul3A_321 {strides = array<i32>} : memref<128x64xf32, #tpu.memory_space<vmem>>, vector<16xf32>,
        %mul3A_329 = arith.constant 4 : i32
        %mul3A_330 = arith.muli %add3A_262, %mul3A_329 : i32
        %add3A_331 = arith.constant 1 : i32
        %add3A_332 = arith.addi %mul3A_330, %add3A_331 : i32
        %get3A_333 = arith.index_cast %add3A_332 : i32 to index
        %get3A_334 = arith.constant 0 : index
        %get3A_335 = tpu.vector_load %arg8[%get3A_333, %get3A_334] {strides = array<i32>} : memref<128x64xf32, #tpu.memory_space<vmem>>, vector<16xf32>,
        %mul3A_336 = arith.constant 8.000000e+00 : f32
        %mul3A_337 = vector.broadcast %mul3A_336 : f32 to vector<16xf32>
        %mul3A_338 = arith.mulf %get3A_335, %mul3A_337 : vector<16xf32>
        %mul3A_339 = arith.constant 4 : i32
        %mul3A_340 = arith.muli %add3A_262, %mul3A_339 : i32
        %add3A_341 = arith.constant 1 : i32
        %add3A_342 = arith.addi %mul3A_340, %add3A_341 : i32
        %swap3A_343 = arith.index_cast %add3A_342 : i32 to index
        %swap3A_344 = arith.constant 0 : index
        %swap3A_345 = tpu.vector_load %arg8[%swap3A_343, %swap3A_344] {strides = array<i32>} : memref<128x64xf32, #tpu.memory_space<vmem>>, vector<16xf32>,
        tpu.vector_store %arg8[%swap3A_343, %swap3A_344], %mul3A_338 {strides = array<i32>} : memref<128x64xf32, #tpu.memory_space<vmem>>, vector<16xf32>,
        %mul3A_346 = arith.constant 4 : i32
        %mul3A_347 = arith.muli %add3A_262, %mul3A_346 : i32
        %add3A_348 = arith.constant 1 : i32
        %add3A_349 = arith.addi %mul3A_347, %add3A_348 : i32
        %get3A_350 = arith.index_cast %add3A_349 : i32 to index
        %get3A_351 = arith.constant 16 : index
        %get3A_352 = tpu.vector_load %arg8[%get3A_350, %get3A_351] {strides = array<i32>} : memref<128x64xf32, #tpu.memory_space<vmem>>, vector<16xf32>,
        %mul3A_353 = arith.constant 8.000000e+00 : f32
        %mul3A_354 = vector.broadcast %mul3A_353 : f32 to vector<16xf32>
        %mul3A_355 = arith.mulf %get3A_352, %mul3A_354 : vector<16xf32>
        %mul3A_356 = arith.constant 4 : i32
        %mul3A_357 = arith.muli %add3A_262, %mul3A_356 : i32
        %add3A_358 = arith.constant 1 : i32
        %add3A_359 = arith.addi %mul3A_357, %add3A_358 : i32
        %swap3A_360 = arith.index_cast %add3A_359 : i32 to index
        %swap3A_361 = arith.constant 16 : index
        %swap3A_362 = tpu.vector_load %arg8[%swap3A_360, %swap3A_361] {strides = array<i32>} : memref<128x64xf32, #tpu.memory_space<vmem>>, vector<16xf32>,
        tpu.vector_store %arg8[%swap3A_360, %swap3A_361], %mul3A_355 {strides = array<i32>} : memref<128x64xf32, #tpu.memory_space<vmem>>, vector<16xf32>,
        %mul3A_363 = arith.constant 4 : i32
        %mul3A_364 = arith.muli %add3A_262, %mul3A_363 : i32
        %add3A_365 = arith.constant 1 : i32
        %add3A_366 = arith.addi %mul3A_364, %add3A_365 : i32
        %get3A_367 = arith.index_cast %add3A_366 : i32 to index
        %get3A_368 = arith.constant 32 : index
        %get3A_369 = tpu.vector_load %arg8[%get3A_367, %get3A_368] {strides = array<i32>} : memref<128x64xf32, #tpu.memory_space<vmem>>, vector<16xf32>,
        %mul3A_370 = arith.constant 8.000000e+00 : f32
        %mul3A_371 = vector.broadcast %mul3A_370 : f32 to vector<16xf32>
        %mul3A_372 = arith.mulf %get3A_369, %mul3A_371 : vector<16xf32>
        %mul3A_373 = arith.constant 4 : i32
        %mul3A_374 = arith.muli %add3A_262, %mul3A_373 : i32
        %add3A_375 = arith.constant 1 : i32
        %add3A_376 = arith.addi %mul3A_374, %add3A_375 : i32
        %swap3A_377 = arith.index_cast %add3A_376 : i32 to index
        %swap3A_378 = arith.constant 32 : index
        %swap3A_379 = tpu.vector_load %arg8[%swap3A_377, %swap3A_378] {strides = array<i32>} : memref<128x64xf32, #tpu.memory_space<vmem>>, vector<16xf32>,
        tpu.vector_store %arg8[%swap3A_377, %swap3A_378], %mul3A_372 {strides = array<i32>} : memref<128x64xf32, #tpu.memory_space<vmem>>, vector<16xf32>,
        %mul3A_380 = arith.constant 4 : i32
        %mul3A_381 = arith.muli %add3A_262, %mul3A_380 : i32
        %add3A_382 = arith.constant 1 : i32
        %add3A_383 = arith.addi %mul3A_381, %add3A_382 : i32
        %get3A_384 = arith.index_cast %add3A_383 : i32 to index
        %get3A_385 = arith.constant 48 : index
        %get3A_386 = tpu.vector_load %arg8[%get3A_384, %get3A_385] {strides = array<i32>} : memref<128x64xf32, #tpu.memory_space<vmem>>, vector<16xf32>,
        %mul3A_387 = arith.constant 8.000000e+00 : f32
        %mul3A_388 = vector.broadcast %mul3A_387 : f32 to vector<16xf32>
        %mul3A_389 = arith.mulf %get3A_386, %mul3A_388 : vector<16xf32>
        %mul3A_390 = arith.constant 4 : i32
        %mul3A_391 = arith.muli %add3A_262, %mul3A_390 : i32
        %add3A_392 = arith.constant 1 : i32
        %add3A_393 = arith.addi %mul3A_391, %add3A_392 : i32
        %swap3A_394 = arith.index_cast %add3A_393 : i32 to index
        %swap3A_395 = arith.constant 48 : index
        %swap3A_396 = tpu.vector_load %arg8[%swap3A_394, %swap3A_395] {strides = array<i32>} : memref<128x64xf32, #tpu.memory_space<vmem>>, vector<16xf32>,
        tpu.vector_store %arg8[%swap3A_394, %swap3A_395], %mul3A_389 {strides = array<i32>} : memref<128x64xf32, #tpu.memory_space<vmem>>, vector<16xf32>,
        %mul3A_397 = arith.constant 4 : i32
        %mul3A_398 = arith.muli %add3A_262, %mul3A_397 : i32
        %add3A_399 = arith.constant 2 : i32
        %add3A_400 = arith.addi %mul3A_398, %add3A_399 : i32
        %get3A_401 = arith.index_cast %add3A_400 : i32 to index
        %get3A_402 = arith.constant 0 : index
        %get3A_403 = tpu.vector_load %arg8[%get3A_401, %get3A_402] {strides = array<i32>} : memref<128x64xf32, #tpu.memory_space<vmem>>, vector<16xf32>,
        %mul3A_404 = arith.constant 8.000000e+00 : f32
        %mul3A_405 = vector.broadcast %mul3A_404 : f32 to vector<16xf32>
        %mul3A_406 = arith.mulf %get3A_403, %mul3A_405 : vector<16xf32>
        %mul3A_407 = arith.constant 4 : i32
        %mul3A_408 = arith.muli %add3A_262, %mul3A_407 : i32
        %add3A_409 = arith.constant 2 : i32
        %add3A_410 = arith.addi %mul3A_408, %add3A_409 : i32
        %swap3A_411 = arith.index_cast %add3A_410 : i32 to index
        %swap3A_412 = arith.constant 0 : index
        %swap3A_413 = tpu.vector_load %arg8[%swap3A_411, %swap3A_412] {strides = array<i32>} : memref<128x64xf32, #tpu.memory_space<vmem>>, vector<16xf32>,
        tpu.vector_store %arg8[%swap3A_411, %swap3A_412], %mul3A_406 {strides = array<i32>} : memref<128x64xf32, #tpu.memory_space<vmem>>, vector<16xf32>,
        %mul3A_414 = arith.constant 4 : i32
        %mul3A_415 = arith.muli %add3A_262, %mul3A_414 : i32
        %add3A_416 = arith.constant 2 : i32
        %add3A_417 = arith.addi %mul3A_415, %add3A_416 : i32
        %get3A_418 = arith.index_cast %add3A_417 : i32 to index
        %get3A_419 = arith.constant 16 : index
        %get3A_420 = tpu.vector_load %arg8[%get3A_418, %get3A_419] {strides = array<i32>} : memref<128x64xf32, #tpu.memory_space<vmem>>, vector<16xf32>,
        %mul3A_421 = arith.constant 8.000000e+00 : f32
        %mul3A_422 = vector.broadcast %mul3A_421 : f32 to vector<16xf32>
        %mul3A_423 = arith.mulf %get3A_420, %mul3A_422 : vector<16xf32>
        %mul3A_424 = arith.constant 4 : i32
        %mul3A_425 = arith.muli %add3A_262, %mul3A_424 : i32
        %add3A_426 = arith.constant 2 : i32
        %add3A_427 = arith.addi %mul3A_425, %add3A_426 : i32
        %swap3A_428 = arith.index_cast %add3A_427 : i32 to index
        %swap3A_429 = arith.constant 16 : index
        %swap3A_430 = tpu.vector_load %arg8[%swap3A_428, %swap3A_429] {strides = array<i32>} : memref<128x64xf32, #tpu.memory_space<vmem>>, vector<16xf32>,
        tpu.vector_store %arg8[%swap3A_428, %swap3A_429], %mul3A_423 {strides = array<i32>} : memref<128x64xf32, #tpu.memory_space<vmem>>, vector<16xf32>,
        %mul3A_431 = arith.constant 4 : i32
        %mul3A_432 = arith.muli %add3A_262, %mul3A_431 : i32
        %add3A_433 = arith.constant 2 : i32
        %add3A_434 = arith.addi %mul3A_432, %add3A_433 : i32
        %get3A_435 = arith.index_cast %add3A_434 : i32 to index
        %get3A_436 = arith.constant 32 : index
        %get3A_437 = tpu.vector_load %arg8[%get3A_435, %get3A_436] {strides = array<i32>} : memref<128x64xf32, #tpu.memory_space<vmem>>, vector<16xf32>,
        %mul3A_438 = arith.constant 8.000000e+00 : f32
        %mul3A_439 = vector.broadcast %mul3A_438 : f32 to vector<16xf32>
        %mul3A_440 = arith.mulf %get3A_437, %mul3A_439 : vector<16xf32>
        %mul3A_441 = arith.constant 4 : i32
        %mul3A_442 = arith.muli %add3A_262, %mul3A_441 : i32
        %add3A_443 = arith.constant 2 : i32
        %add3A_444 = arith.addi %mul3A_442, %add3A_443 : i32
        %swap3A_445 = arith.index_cast %add3A_444 : i32 to index
        %swap3A_446 = arith.constant 32 : index
        %swap3A_447 = tpu.vector_load %arg8[%swap3A_445, %swap3A_446] {strides = array<i32>} : memref<128x64xf32, #tpu.memory_space<vmem>>, vector<16xf32>,
        tpu.vector_store %arg8[%swap3A_445, %swap3A_446], %mul3A_440 {strides = array<i32>} : memref<128x64xf32, #tpu.memory_space<vmem>>, vector<16xf32>,
        %mul3A_448 = arith.constant 4 : i32
        %mul3A_449 = arith.muli %add3A_262, %mul3A_448 : i32
        %add3A_450 = arith.constant 2 : i32
        %add3A_451 = arith.addi %mul3A_449, %add3A_450 : i32
        %get3A_452 = arith.index_cast %add3A_451 : i32 to index
        %get3A_453 = arith.constant 48 : index
        %get3A_454 = tpu.vector_load %arg8[%get3A_452, %get3A_453] {strides = array<i32>} : memref<128x64xf32, #tpu.memory_space<vmem>>, vector<16xf32>,
        %mul3A_455 = arith.constant 8.000000e+00 : f32
        %mul3A_456 = vector.broadcast %mul3A_455 : f32 to vector<16xf32>
        %mul3A_457 = arith.mulf %get3A_454, %mul3A_456 : vector<16xf32>
        %mul3A_458 = arith.constant 4 : i32
        %mul3A_459 = arith.muli %add3A_262, %mul3A_458 : i32
        %add3A_460 = arith.constant 2 : i32
        %add3A_461 = arith.addi %mul3A_459, %add3A_460 : i32
        %swap3A_462 = arith.index_cast %add3A_461 : i32 to index
        %swap3A_463 = arith.constant 48 : index
        %swap3A_464 = tpu.vector_load %arg8[%swap3A_462, %swap3A_463] {strides = array<i32>} : memref<128x64xf32, #tpu.memory_space<vmem>>, vector<16xf32>,
        tpu.vector_store %arg8[%swap3A_462, %swap3A_463], %mul3A_457 {strides = array<i32>} : memref<128x64xf32, #tpu.memory_space<vmem>>, vector<16xf32>,
        %mul3A_465 = arith.constant 4 : i32
        %mul3A_466 = arith.muli %add3A_262, %mul3A_465 : i32
        %add3A_467 = arith.constant 3 : i32
        %add3A_468 = arith.addi %mul3A_466, %add3A_467 : i32
        %get3A_469 = arith.index_cast %add3A_468 : i32 to index
        %get3A_470 = arith.constant 0 : index
        %get3A_471 = tpu.vector_load %arg8[%get3A_469, %get3A_470] {strides = array<i32>} : memref<128x64xf32, #tpu.memory_space<vmem>>, vector<16xf32>,
        %mul3A_472 = arith.constant 8.000000e+00 : f32
        %mul3A_473 = vector.broadcast %mul3A_472 : f32 to vector<16xf32>
        %mul3A_474 = arith.mulf %get3A_471, %mul3A_473 : vector<16xf32>
        %mul3A_475 = arith.constant 4 : i32
        %mul3A_476 = arith.muli %add3A_262, %mul3A_475 : i32
        %add3A_477 = arith.constant 3 : i32
        %add3A_478 = arith.addi %mul3A_476, %add3A_477 : i32
        %swap3A_479 = arith.index_cast %add3A_478 : i32 to index
        %swap3A_480 = arith.constant 0 : index
        %swap3A_481 = tpu.vector_load %arg8[%swap3A_479, %swap3A_480] {strides = array<i32>} : memref<128x64xf32, #tpu.memory_space<vmem>>, vector<16xf32>,
        tpu.vector_store %arg8[%swap3A_479, %swap3A_480], %mul3A_474 {strides = array<i32>} : memref<128x64xf32, #tpu.memory_space<vmem>>, vector<16xf32>,
        %mul3A_482 = arith.constant 4 : i32
        %mul3A_483 = arith.muli %add3A_262, %mul3A_482 : i32
        %add3A_484 = arith.constant 3 : i32
        %add3A_485 = arith.addi %mul3A_483, %add3A_484 : i32
        %get3A_486 = arith.index_cast %add3A_485 : i32 to index
        %get3A_487 = arith.constant 16 : index
        %get3A_488 = tpu.vector_load %arg8[%get3A_486, %get3A_487] {strides = array<i32>} : memref<128x64xf32, #tpu.memory_space<vmem>>, vector<16xf32>,
        %mul3A_489 = arith.constant 8.000000e+00 : f32
        %mul3A_490 = vector.broadcast %mul3A_489 : f32 to vector<16xf32>
        %mul3A_491 = arith.mulf %get3A_488, %mul3A_490 : vector<16xf32>
        %mul3A_492 = arith.constant 4 : i32
        %mul3A_493 = arith.muli %add3A_262, %mul3A_492 : i32
        %add3A_494 = arith.constant 3 : i32
        %add3A_495 = arith.addi %mul3A_493, %add3A_494 : i32
        %swap3A_496 = arith.index_cast %add3A_495 : i32 to index
        %swap3A_497 = arith.constant 16 : index
        %swap3A_498 = tpu.vector_load %arg8[%swap3A_496, %swap3A_497] {strides = array<i32>} : memref<128x64xf32, #tpu.memory_space<vmem>>, vector<16xf32>,
        tpu.vector_store %arg8[%swap3A_496, %swap3A_497], %mul3A_491 {strides = array<i32>} : memref<128x64xf32, #tpu.memory_space<vmem>>, vector<16xf32>,
        %mul3A_499 = arith.constant 4 : i32
        %mul3A_500 = arith.muli %add3A_262, %mul3A_499 : i32
        %add3A_501 = arith.constant 3 : i32
        %add3A_502 = arith.addi %mul3A_500, %add3A_501 : i32
        %get3A_503 = arith.index_cast %add3A_502 : i32 to index
        %get3A_504 = arith.constant 32 : index
        %get3A_505 = tpu.vector_load %arg8[%get3A_503, %get3A_504] {strides = array<i32>} : memref<128x64xf32, #tpu.memory_space<vmem>>, vector<16xf32>,
        %mul3A_506 = arith.constant 8.000000e+00 : f32
        %mul3A_507 = vector.broadcast %mul3A_506 : f32 to vector<16xf32>
        %mul3A_508 = arith.mulf %get3A_505, %mul3A_507 : vector<16xf32>
        %mul3A_509 = arith.constant 4 : i32
        %mul3A_510 = arith.muli %add3A_262, %mul3A_509 : i32
        %add3A_511 = arith.constant 3 : i32
        %add3A_512 = arith.addi %mul3A_510, %add3A_511 : i32
        %swap3A_513 = arith.index_cast %add3A_512 : i32 to index
        %swap3A_514 = arith.constant 32 : index
        %swap3A_515 = tpu.vector_load %arg8[%swap3A_513, %swap3A_514] {strides = array<i32>} : memref<128x64xf32, #tpu.memory_space<vmem>>, vector<16xf32>,
        tpu.vector_store %arg8[%swap3A_513, %swap3A_514], %mul3A_508 {strides = array<i32>} : memref<128x64xf32, #tpu.memory_space<vmem>>, vector<16xf32>,
        %mul3A_516 = arith.constant 4 : i32
        %mul3A_517 = arith.muli %add3A_262, %mul3A_516 : i32
        %add3A_518 = arith.constant 3 : i32
        %add3A_519 = arith.addi %mul3A_517, %add3A_518 : i32
        %get3A_520 = arith.index_cast %add3A_519 : i32 to index
        %get3A_521 = arith.constant 48 : index
        %get3A_522 = tpu.vector_load %arg8[%get3A_520, %get3A_521] {strides = array<i32>} : memref<128x64xf32, #tpu.memory_space<vmem>>, vector<16xf32>,
        %mul3A_523 = arith.constant 8.000000e+00 : f32
        %mul3A_524 = vector.broadcast %mul3A_523 : f32 to vector<16xf32>
        %mul3A_525 = arith.mulf %get3A_522, %mul3A_524 : vector<16xf32>
        %mul3A_526 = arith.constant 4 : i32
        %mul3A_527 = arith.muli %add3A_262, %mul3A_526 : i32
        %add3A_528 = arith.constant 3 : i32
        %add3A_529 = arith.addi %mul3A_527, %add3A_528 : i32
        %swap3A_530 = arith.index_cast %add3A_529 : i32 to index
        %swap3A_531 = arith.constant 48 : index
        %swap3A_532 = tpu.vector_load %arg8[%swap3A_530, %swap3A_531] {strides = array<i32>} : memref<128x64xf32, #tpu.memory_space<vmem>>, vector<16xf32>,
        tpu.vector_store %arg8[%swap3A_530, %swap3A_531], %mul3A_525 {strides = array<i32>} : memref<128x64xf32, #tpu.memory_space<vmem>>, vector<16xf32>,
      }
      %scan3A_200 = arith.constant 32 : i32
      %mul3A_201 = arith.constant 128 : i32
      %mul3A_202 = arith.muli %add3A_189, %mul3A_201 : i32
      %add3A_203 = arith.addi %mul3A_2, %mul3A_202 : i32
      %dma_start3A_204 = arith.constant 0 : i32
      %dma_start3A_205 = tpu.memref_slice %arg4[%add3A_203, %dma_start3A_204] : memref<819200x64xf32, #tpu.memory_space<hbm>> -> memref<128x64xf32, #tpu.memory_space<hbm>>
      %dma_start3A_206 = arith.constant 0 : i32
      %dma_start3A_207 = tpu.memref_slice %arg4[%add3A_203, %dma_start3A_206] : memref<819200x64xf32, #tpu.memory_space<hbm>> -> memref<128x64xf32, #tpu.memory_space<hbm>>
      tpu.enqueue_dma source(%arg8 : memref<128x64xf32, #tpu.memory_space<vmem>>) target(%dma_start3A_207 : memref<128x64xf32, #tpu.memory_space<hbm>>) target_semaphore(%arg16 : memref<!tpu.dma_semaphore, #tpu.memory_space<semaphore_mem>>)
      %mul3A_208 = arith.constant 128 : i32
      %mul3A_209 = arith.muli %add3A_189, %mul3A_208 : i32
      %add3A_210 = arith.addi %mul3A_2, %mul3A_209 : i32
      %dma_wait3A_211 = arith.constant 0 : i32
      %dma_wait3A_212 = tpu.memref_slice %arg4[%add3A_210, %dma_wait3A_211] : memref<819200x64xf32, #tpu.memory_space<hbm>> -> memref<128x64xf32, #tpu.memory_space<hbm>>
      %dma_wait3A_213 = arith.constant 0 : i32
      %dma_wait3A_214 = tpu.memref_slice %arg4[%add3A_210, %dma_wait3A_213] : memref<819200x64xf32, #tpu.memory_space<hbm>> -> memref<128x64xf32, #tpu.memory_space<hbm>>
      tpu.wait_dma2 semaphore(%arg16 : memref<!tpu.dma_semaphore, #tpu.memory_space<semaphore_mem>>) src(%arg8 : memref<128x64xf32, #tpu.memory_space<vmem>>) dst(%dma_wait3A_214 : memref<128x64xf32, #tpu.memory_space<hbm>>)
      %add3A_215 = arith.constant 4 : i32
      %add3A_216 = arith.addi %add3A_189, %add3A_215 : i32
      %mul3A_217 = arith.constant 128 : i32
      %mul3A_218 = arith.muli %add3A_216, %mul3A_217 : i32
      %dma_start3A_219 = tpu.memref_slice %arg5[%mul3A_218] : memref<25600xi32, #tpu.memory_space<vmem>> -> memref<128xi32, #tpu.memory_space<vmem>>
      %dma_start3A_220 = arith.constant 0 : i32
      %dma_start3A_221 = arith.constant 0 : i32
      %dma_start3A_222 = tpu.memref_slice %arg3[%dma_start3A_220, %dma_start3A_221] : memref<1000000x64xf32, #tpu.memory_space<hbm>> -> memref<1000000x64xf32, #tpu.memory_space<hbm>>
      tpu.enqueue_indirect_dma source(%dma_start3A_222 : memref<1000000x64xf32, #tpu.memory_space<hbm>>) target(%arg8 : memref<128x64xf32, #tpu.memory_space<vmem>>) offsets(%dma_start3A_219 : memref<128xi32, #tpu.memory_space<vmem>>) semaphore(%arg12 : memref<!tpu.dma_semaphore, #tpu.memory_space<semaphore_mem>>)
      %add3A_223 = arith.constant 3 : i32
      %add3A_224 = arith.addi %add3A_117, %add3A_223 : i32
      %mul3A_225 = arith.constant 128 : i32
      %mul3A_226 = arith.muli %add3A_224, %mul3A_225 : i32
      %dma_wait3A_227 = tpu.memref_slice %arg5[%mul3A_226] : memref<25600xi32, #tpu.memory_space<vmem>> -> memref<128xi32, #tpu.memory_space<vmem>>
      %dma_wait3A_228 = arith.constant 0 : i32
      %dma_wait3A_229 = arith.constant 0 : i32
      %dma_wait3A_230 = tpu.memref_slice %arg3[%dma_wait3A_228, %dma_wait3A_229] : memref<1000000x64xf32, #tpu.memory_space<hbm>> -> memref<1000000x64xf32, #tpu.memory_space<hbm>>
      tpu.wait_indirect_dma semaphore(%arg13 : memref<!tpu.dma_semaphore, #tpu.memory_space<semaphore_mem>>) src(%dma_wait3A_230 : memref<1000000x64xf32, #tpu.memory_space<hbm>>) dst(%arg9 : memref<128x64xf32, #tpu.memory_space<vmem>>)
      %scan3A_231 = arith.constant 0 : i32
      %scan3A_232 = arith.constant 32 : i32
      %scan3A_233 = arith.addi %scan3A_231, %scan3A_232 : i32
      %scan3A_234 = arith.constant 1 : i32
      scf.for %scan3A_258 = %scan3A_231 to %scan3A_233 step %scan3A_234  : i32 {
        %mul3A_259 = arith.constant 1 : i32
        %mul3A_260 = arith.muli %scan3A_258, %mul3A_259 : i32
        %add3A_261 = arith.constant 0 : i32
        %add3A_262 = arith.addi %add3A_261, %mul3A_260 : i32
        %mul3A_263 = arith.constant 4 : i32
        %mul3A_264 = arith.muli %add3A_262, %mul3A_263 : i32
        %add3A_265 = arith.constant 0 : i32
        %add3A_266 = arith.addi %mul3A_264, %add3A_265 : i32
        %get3A = arith.index_cast %add3A_266 : i32 to index
        %get3A_267 = arith.constant 0 : index
        %get3A_268 = tpu.vector_load %arg9[%get3A, %get3A_267] {strides = array<i32>} : memref<128x64xf32, #tpu.memory_space<vmem>>, vector<16xf32>,
        %mul3A_269 = arith.constant 8.000000e+00 : f32
        %mul3A_270 = vector.broadcast %mul3A_269 : f32 to vector<16xf32>
        %mul3A_271 = arith.mulf %get3A_268, %mul3A_270 : vector<16xf32>
        %mul3A_272 = arith.constant 4 : i32
        %mul3A_273 = arith.muli %add3A_262, %mul3A_272 : i32
        %add3A_274 = arith.constant 0 : i32
        %add3A_275 = arith.addi %mul3A_273, %add3A_274 : i32
        %swap3A = arith.index_cast %add3A_275 : i32 to index
        %swap3A_276 = arith.constant 0 : index
        %swap3A_277 = tpu.vector_load %arg9[%swap3A, %swap3A_276] {strides = array<i32>} : memref<128x64xf32, #tpu.memory_space<vmem>>, vector<16xf32>,
        tpu.vector_store %arg9[%swap3A, %swap3A_276], %mul3A_271 {strides = array<i32>} : memref<128x64xf32, #tpu.memory_space<vmem>>, vector<16xf32>,
        %mul3A_278 = arith.constant 4 : i32
        %mul3A_279 = arith.muli %add3A_262, %mul3A_278 : i32
        %add3A_280 = arith.constant 0 : i32
        %add3A_281 = arith.addi %mul3A_279, %add3A_280 : i32
        %get3A_282 = arith.index_cast %add3A_281 : i32 to index
        %get3A_283 = arith.constant 16 : index
        %get3A_284 = tpu.vector_load %arg9[%get3A_282, %get3A_283] {strides = array<i32>} : memref<128x64xf32, #tpu.memory_space<vmem>>, vector<16xf32>,
        %mul3A_285 = arith.constant 8.000000e+00 : f32
        %mul3A_286 = vector.broadcast %mul3A_285 : f32 to vector<16xf32>
        %mul3A_287 = arith.mulf %get3A_284, %mul3A_286 : vector<16xf32>
        %mul3A_288 = arith.constant 4 : i32
        %mul3A_289 = arith.muli %add3A_262, %mul3A_288 : i32
        %add3A_290 = arith.constant 0 : i32
        %add3A_291 = arith.addi %mul3A_289, %add3A_290 : i32
        %swap3A_292 = arith.index_cast %add3A_291 : i32 to index
        %swap3A_293 = arith.constant 16 : index
        %swap3A_294 = tpu.vector_load %arg9[%swap3A_292, %swap3A_293] {strides = array<i32>} : memref<128x64xf32, #tpu.memory_space<vmem>>, vector<16xf32>,
        tpu.vector_store %arg9[%swap3A_292, %swap3A_293], %mul3A_287 {strides = array<i32>} : memref<128x64xf32, #tpu.memory_space<vmem>>, vector<16xf32>,
        %mul3A_295 = arith.constant 4 : i32
        %mul3A_296 = arith.muli %add3A_262, %mul3A_295 : i32
        %add3A_297 = arith.constant 0 : i32
        %add3A_298 = arith.addi %mul3A_296, %add3A_297 : i32
        %get3A_299 = arith.index_cast %add3A_298 : i32 to index
        %get3A_300 = arith.constant 32 : index
        %get3A_301 = tpu.vector_load %arg9[%get3A_299, %get3A_300] {strides = array<i32>} : memref<128x64xf32, #tpu.memory_space<vmem>>, vector<16xf32>,
        %mul3A_302 = arith.constant 8.000000e+00 : f32
        %mul3A_303 = vector.broadcast %mul3A_302 : f32 to vector<16xf32>
        %mul3A_304 = arith.mulf %get3A_301, %mul3A_303 : vector<16xf32>
        %mul3A_305 = arith.constant 4 : i32
        %mul3A_306 = arith.muli %add3A_262, %mul3A_305 : i32
        %add3A_307 = arith.constant 0 : i32
        %add3A_308 = arith.addi %mul3A_306, %add3A_307 : i32
        %swap3A_309 = arith.index_cast %add3A_308 : i32 to index
        %swap3A_310 = arith.constant 32 : index
        %swap3A_311 = tpu.vector_load %arg9[%swap3A_309, %swap3A_310] {strides = array<i32>} : memref<128x64xf32, #tpu.memory_space<vmem>>, vector<16xf32>,
        tpu.vector_store %arg9[%swap3A_309, %swap3A_310], %mul3A_304 {strides = array<i32>} : memref<128x64xf32, #tpu.memory_space<vmem>>, vector<16xf32>,
        %mul3A_312 = arith.constant 4 : i32
        %mul3A_313 = arith.muli %add3A_262, %mul3A_312 : i32
        %add3A_314 = arith.constant 0 : i32
        %add3A_315 = arith.addi %mul3A_313, %add3A_314 : i32
        %get3A_316 = arith.index_cast %add3A_315 : i32 to index
        %get3A_317 = arith.constant 48 : index
        %get3A_318 = tpu.vector_load %arg9[%get3A_316, %get3A_317] {strides = array<i32>} : memref<128x64xf32, #tpu.memory_space<vmem>>, vector<16xf32>,
        %mul3A_319 = arith.constant 8.000000e+00 : f32
        %mul3A_320 = vector.broadcast %mul3A_319 : f32 to vector<16xf32>
        %mul3A_321 = arith.mulf %get3A_318, %mul3A_320 : vector<16xf32>
        %mul3A_322 = arith.constant 4 : i32
        %mul3A_323 = arith.muli %add3A_262, %mul3A_322 : i32
        %add3A_324 = arith.constant 0 : i32
        %add3A_325 = arith.addi %mul3A_323, %add3A_324 : i32
        %swap3A_326 = arith.index_cast %add3A_325 : i32 to index
        %swap3A_327 = arith.constant 48 : index
        %swap3A_328 = tpu.vector_load %arg9[%swap3A_326, %swap3A_327] {strides = array<i32>} : memref<128x64xf32, #tpu.memory_space<vmem>>, vector<16xf32>,
        tpu.vector_store %arg9[%swap3A_326, %swap3A_327], %mul3A_321 {strides = array<i32>} : memref<128x64xf32, #tpu.memory_space<vmem>>, vector<16xf32>,
        %mul3A_329 = arith.constant 4 : i32
        %mul3A_330 = arith.muli %add3A_262, %mul3A_329 : i32
        %add3A_331 = arith.constant 1 : i32
        %add3A_332 = arith.addi %mul3A_330, %add3A_331 : i32
        %get3A_333 = arith.index_cast %add3A_332 : i32 to index
        %get3A_334 = arith.constant 0 : index
        %get3A_335 = tpu.vector_load %arg9[%get3A_333, %get3A_334] {strides = array<i32>} : memref<128x64xf32, #tpu.memory_space<vmem>>, vector<16xf32>,
        %mul3A_336 = arith.constant 8.000000e+00 : f32
        %mul3A_337 = vector.broadcast %mul3A_336 : f32 to vector<16xf32>
        %mul3A_338 = arith.mulf %get3A_335, %mul3A_337 : vector<16xf32>
        %mul3A_339 = arith.constant 4 : i32
        %mul3A_340 = arith.muli %add3A_262, %mul3A_339 : i32
        %add3A_341 = arith.constant 1 : i32
        %add3A_342 = arith.addi %mul3A_340, %add3A_341 : i32
        %swap3A_343 = arith.index_cast %add3A_342 : i32 to index
        %swap3A_344 = arith.constant 0 : index
        %swap3A_345 = tpu.vector_load %arg9[%swap3A_343, %swap3A_344] {strides = array<i32>} : memref<128x64xf32, #tpu.memory_space<vmem>>, vector<16xf32>,
        tpu.vector_store %arg9[%swap3A_343, %swap3A_344], %mul3A_338 {strides = array<i32>} : memref<128x64xf32, #tpu.memory_space<vmem>>, vector<16xf32>,
        %mul3A_346 = arith.constant 4 : i32
        %mul3A_347 = arith.muli %add3A_262, %mul3A_346 : i32
        %add3A_348 = arith.constant 1 : i32
        %add3A_349 = arith.addi %mul3A_347, %add3A_348 : i32
        %get3A_350 = arith.index_cast %add3A_349 : i32 to index
        %get3A_351 = arith.constant 16 : index
        %get3A_352 = tpu.vector_load %arg9[%get3A_350, %get3A_351] {strides = array<i32>} : memref<128x64xf32, #tpu.memory_space<vmem>>, vector<16xf32>,
        %mul3A_353 = arith.constant 8.000000e+00 : f32
        %mul3A_354 = vector.broadcast %mul3A_353 : f32 to vector<16xf32>
        %mul3A_355 = arith.mulf %get3A_352, %mul3A_354 : vector<16xf32>
        %mul3A_356 = arith.constant 4 : i32
        %mul3A_357 = arith.muli %add3A_262, %mul3A_356 : i32
        %add3A_358 = arith.constant 1 : i32
        %add3A_359 = arith.addi %mul3A_357, %add3A_358 : i32
        %swap3A_360 = arith.index_cast %add3A_359 : i32 to index
        %swap3A_361 = arith.constant 16 : index
        %swap3A_362 = tpu.vector_load %arg9[%swap3A_360, %swap3A_361] {strides = array<i32>} : memref<128x64xf32, #tpu.memory_space<vmem>>, vector<16xf32>,
        tpu.vector_store %arg9[%swap3A_360, %swap3A_361], %mul3A_355 {strides = array<i32>} : memref<128x64xf32, #tpu.memory_space<vmem>>, vector<16xf32>,
        %mul3A_363 = arith.constant 4 : i32
        %mul3A_364 = arith.muli %add3A_262, %mul3A_363 : i32
        %add3A_365 = arith.constant 1 : i32
        %add3A_366 = arith.addi %mul3A_364, %add3A_365 : i32
        %get3A_367 = arith.index_cast %add3A_366 : i32 to index
        %get3A_368 = arith.constant 32 : index
        %get3A_369 = tpu.vector_load %arg9[%get3A_367, %get3A_368] {strides = array<i32>} : memref<128x64xf32, #tpu.memory_space<vmem>>, vector<16xf32>,
        %mul3A_370 = arith.constant 8.000000e+00 : f32
        %mul3A_371 = vector.broadcast %mul3A_370 : f32 to vector<16xf32>
        %mul3A_372 = arith.mulf %get3A_369, %mul3A_371 : vector<16xf32>
        %mul3A_373 = arith.constant 4 : i32
        %mul3A_374 = arith.muli %add3A_262, %mul3A_373 : i32
        %add3A_375 = arith.constant 1 : i32
        %add3A_376 = arith.addi %mul3A_374, %add3A_375 : i32
        %swap3A_377 = arith.index_cast %add3A_376 : i32 to index
        %swap3A_378 = arith.constant 32 : index
        %swap3A_379 = tpu.vector_load %arg9[%swap3A_377, %swap3A_378] {strides = array<i32>} : memref<128x64xf32, #tpu.memory_space<vmem>>, vector<16xf32>,
        tpu.vector_store %arg9[%swap3A_377, %swap3A_378], %mul3A_372 {strides = array<i32>} : memref<128x64xf32, #tpu.memory_space<vmem>>, vector<16xf32>,
        %mul3A_380 = arith.constant 4 : i32
        %mul3A_381 = arith.muli %add3A_262, %mul3A_380 : i32
        %add3A_382 = arith.constant 1 : i32
        %add3A_383 = arith.addi %mul3A_381, %add3A_382 : i32
        %get3A_384 = arith.index_cast %add3A_383 : i32 to index
        %get3A_385 = arith.constant 48 : index
        %get3A_386 = tpu.vector_load %arg9[%get3A_384, %get3A_385] {strides = array<i32>} : memref<128x64xf32, #tpu.memory_space<vmem>>, vector<16xf32>,
        %mul3A_387 = arith.constant 8.000000e+00 : f32
        %mul3A_388 = vector.broadcast %mul3A_387 : f32 to vector<16xf32>
        %mul3A_389 = arith.mulf %get3A_386, %mul3A_388 : vector<16xf32>
        %mul3A_390 = arith.constant 4 : i32
        %mul3A_391 = arith.muli %add3A_262, %mul3A_390 : i32
        %add3A_392 = arith.constant 1 : i32
        %add3A_393 = arith.addi %mul3A_391, %add3A_392 : i32
        %swap3A_394 = arith.index_cast %add3A_393 : i32 to index
        %swap3A_395 = arith.constant 48 : index
        %swap3A_396 = tpu.vector_load %arg9[%swap3A_394, %swap3A_395] {strides = array<i32>} : memref<128x64xf32, #tpu.memory_space<vmem>>, vector<16xf32>,
        tpu.vector_store %arg9[%swap3A_394, %swap3A_395], %mul3A_389 {strides = array<i32>} : memref<128x64xf32, #tpu.memory_space<vmem>>, vector<16xf32>,
        %mul3A_397 = arith.constant 4 : i32
        %mul3A_398 = arith.muli %add3A_262, %mul3A_397 : i32
        %add3A_399 = arith.constant 2 : i32
        %add3A_400 = arith.addi %mul3A_398, %add3A_399 : i32
        %get3A_401 = arith.index_cast %add3A_400 : i32 to index
        %get3A_402 = arith.constant 0 : index
        %get3A_403 = tpu.vector_load %arg9[%get3A_401, %get3A_402] {strides = array<i32>} : memref<128x64xf32, #tpu.memory_space<vmem>>, vector<16xf32>,
        %mul3A_404 = arith.constant 8.000000e+00 : f32
        %mul3A_405 = vector.broadcast %mul3A_404 : f32 to vector<16xf32>
        %mul3A_406 = arith.mulf %get3A_403, %mul3A_405 : vector<16xf32>
        %mul3A_407 = arith.constant 4 : i32
        %mul3A_408 = arith.muli %add3A_262, %mul3A_407 : i32
        %add3A_409 = arith.constant 2 : i32
        %add3A_410 = arith.addi %mul3A_408, %add3A_409 : i32
        %swap3A_411 = arith.index_cast %add3A_410 : i32 to index
        %swap3A_412 = arith.constant 0 : index
        %swap3A_413 = tpu.vector_load %arg9[%swap3A_411, %swap3A_412] {strides = array<i32>} : memref<128x64xf32, #tpu.memory_space<vmem>>, vector<16xf32>,
        tpu.vector_store %arg9[%swap3A_411, %swap3A_412], %mul3A_406 {strides = array<i32>} : memref<128x64xf32, #tpu.memory_space<vmem>>, vector<16xf32>,
        %mul3A_414 = arith.constant 4 : i32
        %mul3A_415 = arith.muli %add3A_262, %mul3A_414 : i32
        %add3A_416 = arith.constant 2 : i32
        %add3A_417 = arith.addi %mul3A_415, %add3A_416 : i32
        %get3A_418 = arith.index_cast %add3A_417 : i32 to index
        %get3A_419 = arith.constant 16 : index
        %get3A_420 = tpu.vector_load %arg9[%get3A_418, %get3A_419] {strides = array<i32>} : memref<128x64xf32, #tpu.memory_space<vmem>>, vector<16xf32>,
        %mul3A_421 = arith.constant 8.000000e+00 : f32
        %mul3A_422 = vector.broadcast %mul3A_421 : f32 to vector<16xf32>
        %mul3A_423 = arith.mulf %get3A_420, %mul3A_422 : vector<16xf32>
        %mul3A_424 = arith.constant 4 : i32
        %mul3A_425 = arith.muli %add3A_262, %mul3A_424 : i32
        %add3A_426 = arith.constant 2 : i32
        %add3A_427 = arith.addi %mul3A_425, %add3A_426 : i32
        %swap3A_428 = arith.index_cast %add3A_427 : i32 to index
        %swap3A_429 = arith.constant 16 : index
        %swap3A_430 = tpu.vector_load %arg9[%swap3A_428, %swap3A_429] {strides = array<i32>} : memref<128x64xf32, #tpu.memory_space<vmem>>, vector<16xf32>,
        tpu.vector_store %arg9[%swap3A_428, %swap3A_429], %mul3A_423 {strides = array<i32>} : memref<128x64xf32, #tpu.memory_space<vmem>>, vector<16xf32>,
        %mul3A_431 = arith.constant 4 : i32
        %mul3A_432 = arith.muli %add3A_262, %mul3A_431 : i32
        %add3A_433 = arith.constant 2 : i32
        %add3A_434 = arith.addi %mul3A_432, %add3A_433 : i32
        %get3A_435 = arith.index_cast %add3A_434 : i32 to index
        %get3A_436 = arith.constant 32 : index
        %get3A_437 = tpu.vector_load %arg9[%get3A_435, %get3A_436] {strides = array<i32>} : memref<128x64xf32, #tpu.memory_space<vmem>>, vector<16xf32>,
        %mul3A_438 = arith.constant 8.000000e+00 : f32
        %mul3A_439 = vector.broadcast %mul3A_438 : f32 to vector<16xf32>
        %mul3A_440 = arith.mulf %get3A_437, %mul3A_439 : vector<16xf32>
        %mul3A_441 = arith.constant 4 : i32
        %mul3A_442 = arith.muli %add3A_262, %mul3A_441 : i32
        %add3A_443 = arith.constant 2 : i32
        %add3A_444 = arith.addi %mul3A_442, %add3A_443 : i32
        %swap3A_445 = arith.index_cast %add3A_444 : i32 to index
        %swap3A_446 = arith.constant 32 : index
        %swap3A_447 = tpu.vector_load %arg9[%swap3A_445, %swap3A_446] {strides = array<i32>} : memref<128x64xf32, #tpu.memory_space<vmem>>, vector<16xf32>,
        tpu.vector_store %arg9[%swap3A_445, %swap3A_446], %mul3A_440 {strides = array<i32>} : memref<128x64xf32, #tpu.memory_space<vmem>>, vector<16xf32>,
        %mul3A_448 = arith.constant 4 : i32
        %mul3A_449 = arith.muli %add3A_262, %mul3A_448 : i32
        %add3A_450 = arith.constant 2 : i32
        %add3A_451 = arith.addi %mul3A_449, %add3A_450 : i32
        %get3A_452 = arith.index_cast %add3A_451 : i32 to index
        %get3A_453 = arith.constant 48 : index
        %get3A_454 = tpu.vector_load %arg9[%get3A_452, %get3A_453] {strides = array<i32>} : memref<128x64xf32, #tpu.memory_space<vmem>>, vector<16xf32>,
        %mul3A_455 = arith.constant 8.000000e+00 : f32
        %mul3A_456 = vector.broadcast %mul3A_455 : f32 to vector<16xf32>
        %mul3A_457 = arith.mulf %get3A_454, %mul3A_456 : vector<16xf32>
        %mul3A_458 = arith.constant 4 : i32
        %mul3A_459 = arith.muli %add3A_262, %mul3A_458 : i32
        %add3A_460 = arith.constant 2 : i32
        %add3A_461 = arith.addi %mul3A_459, %add3A_460 : i32
        %swap3A_462 = arith.index_cast %add3A_461 : i32 to index
        %swap3A_463 = arith.constant 48 : index
        %swap3A_464 = tpu.vector_load %arg9[%swap3A_462, %swap3A_463] {strides = array<i32>} : memref<128x64xf32, #tpu.memory_space<vmem>>, vector<16xf32>,
        tpu.vector_store %arg9[%swap3A_462, %swap3A_463], %mul3A_457 {strides = array<i32>} : memref<128x64xf32, #tpu.memory_space<vmem>>, vector<16xf32>,
        %mul3A_465 = arith.constant 4 : i32
        %mul3A_466 = arith.muli %add3A_262, %mul3A_465 : i32
        %add3A_467 = arith.constant 3 : i32
        %add3A_468 = arith.addi %mul3A_466, %add3A_467 : i32
        %get3A_469 = arith.index_cast %add3A_468 : i32 to index
        %get3A_470 = arith.constant 0 : index
        %get3A_471 = tpu.vector_load %arg9[%get3A_469, %get3A_470] {strides = array<i32>} : memref<128x64xf32, #tpu.memory_space<vmem>>, vector<16xf32>,
        %mul3A_472 = arith.constant 8.000000e+00 : f32
        %mul3A_473 = vector.broadcast %mul3A_472 : f32 to vector<16xf32>
        %mul3A_474 = arith.mulf %get3A_471, %mul3A_473 : vector<16xf32>
        %mul3A_475 = arith.constant 4 : i32
        %mul3A_476 = arith.muli %add3A_262, %mul3A_475 : i32
        %add3A_477 = arith.constant 3 : i32
        %add3A_478 = arith.addi %mul3A_476, %add3A_477 : i32
        %swap3A_479 = arith.index_cast %add3A_478 : i32 to index
        %swap3A_480 = arith.constant 0 : index
        %swap3A_481 = tpu.vector_load %arg9[%swap3A_479, %swap3A_480] {strides = array<i32>} : memref<128x64xf32, #tpu.memory_space<vmem>>, vector<16xf32>,
        tpu.vector_store %arg9[%swap3A_479, %swap3A_480], %mul3A_474 {strides = array<i32>} : memref<128x64xf32, #tpu.memory_space<vmem>>, vector<16xf32>,
        %mul3A_482 = arith.constant 4 : i32
        %mul3A_483 = arith.muli %add3A_262, %mul3A_482 : i32
        %add3A_484 = arith.constant 3 : i32
        %add3A_485 = arith.addi %mul3A_483, %add3A_484 : i32
        %get3A_486 = arith.index_cast %add3A_485 : i32 to index
        %get3A_487 = arith.constant 16 : index
        %get3A_488 = tpu.vector_load %arg9[%get3A_486, %get3A_487] {strides = array<i32>} : memref<128x64xf32, #tpu.memory_space<vmem>>, vector<16xf32>,
        %mul3A_489 = arith.constant 8.000000e+00 : f32
        %mul3A_490 = vector.broadcast %mul3A_489 : f32 to vector<16xf32>
        %mul3A_491 = arith.mulf %get3A_488, %mul3A_490 : vector<16xf32>
        %mul3A_492 = arith.constant 4 : i32
        %mul3A_493 = arith.muli %add3A_262, %mul3A_492 : i32
        %add3A_494 = arith.constant 3 : i32
        %add3A_495 = arith.addi %mul3A_493, %add3A_494 : i32
        %swap3A_496 = arith.index_cast %add3A_495 : i32 to index
        %swap3A_497 = arith.constant 16 : index
        %swap3A_498 = tpu.vector_load %arg9[%swap3A_496, %swap3A_497] {strides = array<i32>} : memref<128x64xf32, #tpu.memory_space<vmem>>, vector<16xf32>,
        tpu.vector_store %arg9[%swap3A_496, %swap3A_497], %mul3A_491 {strides = array<i32>} : memref<128x64xf32, #tpu.memory_space<vmem>>, vector<16xf32>,
        %mul3A_499 = arith.constant 4 : i32
        %mul3A_500 = arith.muli %add3A_262, %mul3A_499 : i32
        %add3A_501 = arith.constant 3 : i32
        %add3A_502 = arith.addi %mul3A_500, %add3A_501 : i32
        %get3A_503 = arith.index_cast %add3A_502 : i32 to index
        %get3A_504 = arith.constant 32 : index
        %get3A_505 = tpu.vector_load %arg9[%get3A_503, %get3A_504] {strides = array<i32>} : memref<128x64xf32, #tpu.memory_space<vmem>>, vector<16xf32>,
        %mul3A_506 = arith.constant 8.000000e+00 : f32
        %mul3A_507 = vector.broadcast %mul3A_506 : f32 to vector<16xf32>
        %mul3A_508 = arith.mulf %get3A_505, %mul3A_507 : vector<16xf32>
        %mul3A_509 = arith.constant 4 : i32
        %mul3A_510 = arith.muli %add3A_262, %mul3A_509 : i32
        %add3A_511 = arith.constant 3 : i32
        %add3A_512 = arith.addi %mul3A_510, %add3A_511 : i32
        %swap3A_513 = arith.index_cast %add3A_512 : i32 to index
        %swap3A_514 = arith.constant 32 : index
        %swap3A_515 = tpu.vector_load %arg9[%swap3A_513, %swap3A_514] {strides = array<i32>} : memref<128x64xf32, #tpu.memory_space<vmem>>, vector<16xf32>,
        tpu.vector_store %arg9[%swap3A_513, %swap3A_514], %mul3A_508 {strides = array<i32>} : memref<128x64xf32, #tpu.memory_space<vmem>>, vector<16xf32>,
        %mul3A_516 = arith.constant 4 : i32
        %mul3A_517 = arith.muli %add3A_262, %mul3A_516 : i32
        %add3A_518 = arith.constant 3 : i32
        %add3A_519 = arith.addi %mul3A_517, %add3A_518 : i32
        %get3A_520 = arith.index_cast %add3A_519 : i32 to index
        %get3A_521 = arith.constant 48 : index
        %get3A_522 = tpu.vector_load %arg9[%get3A_520, %get3A_521] {strides = array<i32>} : memref<128x64xf32, #tpu.memory_space<vmem>>, vector<16xf32>,
        %mul3A_523 = arith.constant 8.000000e+00 : f32
        %mul3A_524 = vector.broadcast %mul3A_523 : f32 to vector<16xf32>
        %mul3A_525 = arith.mulf %get3A_522, %mul3A_524 : vector<16xf32>
        %mul3A_526 = arith.constant 4 : i32
        %mul3A_527 = arith.muli %add3A_262, %mul3A_526 : i32
        %add3A_528 = arith.constant 3 : i32
        %add3A_529 = arith.addi %mul3A_527, %add3A_528 : i32
        %swap3A_530 = arith.index_cast %add3A_529 : i32 to index
        %swap3A_531 = arith.constant 48 : index
        %swap3A_532 = tpu.vector_load %arg9[%swap3A_530, %swap3A_531] {strides = array<i32>} : memref<128x64xf32, #tpu.memory_space<vmem>>, vector<16xf32>,
        tpu.vector_store %arg9[%swap3A_530, %swap3A_531], %mul3A_525 {strides = array<i32>} : memref<128x64xf32, #tpu.memory_space<vmem>>, vector<16xf32>,
      }
      %scan3A_235 = arith.constant 32 : i32
      %mul3A_236 = arith.constant 128 : i32
      %mul3A_237 = arith.muli %add3A_224, %mul3A_236 : i32
      %add3A_238 = arith.addi %mul3A_2, %mul3A_237 : i32
      %dma_start3A_239 = arith.constant 0 : i32
      %dma_start3A_240 = tpu.memref_slice %arg4[%add3A_238, %dma_start3A_239] : memref<819200x64xf32, #tpu.memory_space<hbm>> -> memref<128x64xf32, #tpu.memory_space<hbm>>
      %dma_start3A_241 = arith.constant 0 : i32
      %dma_start3A_242 = tpu.memref_slice %arg4[%add3A_238, %dma_start3A_241] : memref<819200x64xf32, #tpu.memory_space<hbm>> -> memref<128x64xf32, #tpu.memory_space<hbm>>
      tpu.enqueue_dma source(%arg9 : memref<128x64xf32, #tpu.memory_space<vmem>>) target(%dma_start3A_242 : memref<128x64xf32, #tpu.memory_space<hbm>>) target_semaphore(%arg17 : memref<!tpu.dma_semaphore, #tpu.memory_space<semaphore_mem>>)
      %mul3A_243 = arith.constant 128 : i32
      %mul3A_244 = arith.muli %add3A_224, %mul3A_243 : i32
      %add3A_245 = arith.addi %mul3A_2, %mul3A_244 : i32
      %dma_wait3A_246 = arith.constant 0 : i32
      %dma_wait3A_247 = tpu.memref_slice %arg4[%add3A_245, %dma_wait3A_246] : memref<819200x64xf32, #tpu.memory_space<hbm>> -> memref<128x64xf32, #tpu.memory_space<hbm>>
      %dma_wait3A_248 = arith.constant 0 : i32
      %dma_wait3A_249 = tpu.memref_slice %arg4[%add3A_245, %dma_wait3A_248] : memref<819200x64xf32, #tpu.memory_space<hbm>> -> memref<128x64xf32, #tpu.memory_space<hbm>>
      tpu.wait_dma2 semaphore(%arg17 : memref<!tpu.dma_semaphore, #tpu.memory_space<semaphore_mem>>) src(%arg9 : memref<128x64xf32, #tpu.memory_space<vmem>>) dst(%dma_wait3A_249 : memref<128x64xf32, #tpu.memory_space<hbm>>)
      %add3A_250 = arith.constant 4 : i32
      %add3A_251 = arith.addi %add3A_224, %add3A_250 : i32
      %mul3A_252 = arith.constant 128 : i32
      %mul3A_253 = arith.muli %add3A_251, %mul3A_252 : i32
      %dma_start3A_254 = tpu.memref_slice %arg5[%mul3A_253] : memref<25600xi32, #tpu.memory_space<vmem>> -> memref<128xi32, #tpu.memory_space<vmem>>
      %dma_start3A_255 = arith.constant 0 : i32
      %dma_start3A_256 = arith.constant 0 : i32
      %dma_start3A_257 = tpu.memref_slice %arg3[%dma_start3A_255, %dma_start3A_256] : memref<1000000x64xf32, #tpu.memory_space<hbm>> -> memref<1000000x64xf32, #tpu.memory_space<hbm>>
      tpu.enqueue_indirect_dma source(%dma_start3A_257 : memref<1000000x64xf32, #tpu.memory_space<hbm>>) target(%arg9 : memref<128x64xf32, #tpu.memory_space<vmem>>) offsets(%dma_start3A_254 : memref<128xi32, #tpu.memory_space<vmem>>) semaphore(%arg13 : memref<!tpu.dma_semaphore, #tpu.memory_space<semaphore_mem>>)
    }
    %scan3A_25 = arith.constant 49 : i32
    %dma_wait3A = arith.constant 25088 : i32
    %dma_wait3A_26 = tpu.memref_slice %arg5[%dma_wait3A] : memref<25600xi32, #tpu.memory_space<vmem>> -> memref<128xi32, #tpu.memory_space<vmem>>
    %dma_wait3A_27 = arith.constant 0 : i32
    %dma_wait3A_28 = arith.constant 0 : i32
    %dma_wait3A_29 = tpu.memref_slice %arg3[%dma_wait3A_27, %dma_wait3A_28] : memref<1000000x64xf32, #tpu.memory_space<hbm>> -> memref<1000000x64xf32, #tpu.memory_space<hbm>>
    tpu.wait_indirect_dma semaphore(%arg10 : memref<!tpu.dma_semaphore, #tpu.memory_space<semaphore_mem>>) src(%dma_wait3A_29 : memref<1000000x64xf32, #tpu.memory_space<hbm>>) dst(%arg6 : memref<128x64xf32, #tpu.memory_space<vmem>>)
    %scan3A_30 = arith.constant 0 : i32
    %scan3A_31 = arith.constant 32 : i32
    %scan3A_32 = arith.addi %scan3A_30, %scan3A_31 : i32
    %scan3A_33 = arith.constant 1 : i32
    scf.for %scan3A_113 = %scan3A_30 to %scan3A_32 step %scan3A_33  : i32 {
      %mul3A_114 = arith.constant 1 : i32
      %mul3A_115 = arith.muli %scan3A_113, %mul3A_114 : i32
      %add3A_116 = arith.constant 0 : i32
      %add3A_117 = arith.addi %add3A_116, %mul3A_115 : i32
      %mul3A_118 = arith.constant 4 : i32
      %mul3A_119 = arith.muli %add3A_117, %mul3A_118 : i32
      %add3A_120 = arith.constant 0 : i32
      %add3A_121 = arith.addi %mul3A_119, %add3A_120 : i32
      %get3A = arith.index_cast %add3A_121 : i32 to index
      %get3A_122 = arith.constant 0 : index
      %get3A_123 = tpu.vector_load %arg6[%get3A, %get3A_122] {strides = array<i32>} : memref<128x64xf32, #tpu.memory_space<vmem>>, vector<16xf32>,
      %mul3A_124 = arith.constant 8.000000e+00 : f32
      %mul3A_125 = vector.broadcast %mul3A_124 : f32 to vector<16xf32>
      %mul3A_126 = arith.mulf %get3A_123, %mul3A_125 : vector<16xf32>
      %mul3A_127 = arith.constant 4 : i32
      %mul3A_128 = arith.muli %add3A_117, %mul3A_127 : i32
      %add3A_129 = arith.constant 0 : i32
      %add3A_130 = arith.addi %mul3A_128, %add3A_129 : i32
      %swap3A = arith.index_cast %add3A_130 : i32 to index
      %swap3A_131 = arith.constant 0 : index
      %swap3A_132 = tpu.vector_load %arg6[%swap3A, %swap3A_131] {strides = array<i32>} : memref<128x64xf32, #tpu.memory_space<vmem>>, vector<16xf32>,
      tpu.vector_store %arg6[%swap3A, %swap3A_131], %mul3A_126 {strides = array<i32>} : memref<128x64xf32, #tpu.memory_space<vmem>>, vector<16xf32>,
      %mul3A_133 = arith.constant 4 : i32
      %mul3A_134 = arith.muli %add3A_117, %mul3A_133 : i32
      %add3A_135 = arith.constant 0 : i32
      %add3A_136 = arith.addi %mul3A_134, %add3A_135 : i32
      %get3A_137 = arith.index_cast %add3A_136 : i32 to index
      %get3A_138 = arith.constant 16 : index
      %get3A_139 = tpu.vector_load %arg6[%get3A_137, %get3A_138] {strides = array<i32>} : memref<128x64xf32, #tpu.memory_space<vmem>>, vector<16xf32>,
      %mul3A_140 = arith.constant 8.000000e+00 : f32
      %mul3A_141 = vector.broadcast %mul3A_140 : f32 to vector<16xf32>
      %mul3A_142 = arith.mulf %get3A_139, %mul3A_141 : vector<16xf32>
      %mul3A_143 = arith.constant 4 : i32
      %mul3A_144 = arith.muli %add3A_117, %mul3A_143 : i32
      %add3A_145 = arith.constant 0 : i32
      %add3A_146 = arith.addi %mul3A_144, %add3A_145 : i32
      %swap3A_147 = arith.index_cast %add3A_146 : i32 to index
      %swap3A_148 = arith.constant 16 : index
      %swap3A_149 = tpu.vector_load %arg6[%swap3A_147, %swap3A_148] {strides = array<i32>} : memref<128x64xf32, #tpu.memory_space<vmem>>, vector<16xf32>,
      tpu.vector_store %arg6[%swap3A_147, %swap3A_148], %mul3A_142 {strides = array<i32>} : memref<128x64xf32, #tpu.memory_space<vmem>>, vector<16xf32>,
      %mul3A_150 = arith.constant 4 : i32
      %mul3A_151 = arith.muli %add3A_117, %mul3A_150 : i32
      %add3A_152 = arith.constant 0 : i32
      %add3A_153 = arith.addi %mul3A_151, %add3A_152 : i32
      %get3A_154 = arith.index_cast %add3A_153 : i32 to index
      %get3A_155 = arith.constant 32 : index
      %get3A_156 = tpu.vector_load %arg6[%get3A_154, %get3A_155] {strides = array<i32>} : memref<128x64xf32, #tpu.memory_space<vmem>>, vector<16xf32>,
      %mul3A_157 = arith.constant 8.000000e+00 : f32
      %mul3A_158 = vector.broadcast %mul3A_157 : f32 to vector<16xf32>
      %mul3A_159 = arith.mulf %get3A_156, %mul3A_158 : vector<16xf32>
      %mul3A_160 = arith.constant 4 : i32
      %mul3A_161 = arith.muli %add3A_117, %mul3A_160 : i32
      %add3A_162 = arith.constant 0 : i32
      %add3A_163 = arith.addi %mul3A_161, %add3A_162 : i32
      %swap3A_164 = arith.index_cast %add3A_163 : i32 to index
      %swap3A_165 = arith.constant 32 : index
      %swap3A_166 = tpu.vector_load %arg6[%swap3A_164, %swap3A_165] {strides = array<i32>} : memref<128x64xf32, #tpu.memory_space<vmem>>, vector<16xf32>,
      tpu.vector_store %arg6[%swap3A_164, %swap3A_165], %mul3A_159 {strides = array<i32>} : memref<128x64xf32, #tpu.memory_space<vmem>>, vector<16xf32>,
      %mul3A_167 = arith.constant 4 : i32
      %mul3A_168 = arith.muli %add3A_117, %mul3A_167 : i32
      %add3A_169 = arith.constant 0 : i32
      %add3A_170 = arith.addi %mul3A_168, %add3A_169 : i32
      %get3A_171 = arith.index_cast %add3A_170 : i32 to index
      %get3A_172 = arith.constant 48 : index
      %get3A_173 = tpu.vector_load %arg6[%get3A_171, %get3A_172] {strides = array<i32>} : memref<128x64xf32, #tpu.memory_space<vmem>>, vector<16xf32>,
      %mul3A_174 = arith.constant 8.000000e+00 : f32
      %mul3A_175 = vector.broadcast %mul3A_174 : f32 to vector<16xf32>
      %mul3A_176 = arith.mulf %get3A_173, %mul3A_175 : vector<16xf32>
      %mul3A_177 = arith.constant 4 : i32
      %mul3A_178 = arith.muli %add3A_117, %mul3A_177 : i32
      %add3A_179 = arith.constant 0 : i32
      %add3A_180 = arith.addi %mul3A_178, %add3A_179 : i32
      %swap3A_181 = arith.index_cast %add3A_180 : i32 to index
      %swap3A_182 = arith.constant 48 : index
      %swap3A_183 = tpu.vector_load %arg6[%swap3A_181, %swap3A_182] {strides = array<i32>} : memref<128x64xf32, #tpu.memory_space<vmem>>, vector<16xf32>,
      tpu.vector_store %arg6[%swap3A_181, %swap3A_182], %mul3A_176 {strides = array<i32>} : memref<128x64xf32, #tpu.memory_space<vmem>>, vector<16xf32>,
      %mul3A_184 = arith.constant 4 : i32
      %mul3A_185 = arith.muli %add3A_117, %mul3A_184 : i32
      %add3A_186 = arith.constant 1 : i32
      %add3A_187 = arith.addi %mul3A_185, %add3A_186 : i32
      %get3A_188 = arith.index_cast %add3A_187 : i32 to index
      %get3A_189 = arith.constant 0 : index
      %get3A_190 = tpu.vector_load %arg6[%get3A_188, %get3A_189] {strides = array<i32>} : memref<128x64xf32, #tpu.memory_space<vmem>>, vector<16xf32>,
      %mul3A_191 = arith.constant 8.000000e+00 : f32
      %mul3A_192 = vector.broadcast %mul3A_191 : f32 to vector<16xf32>
      %mul3A_193 = arith.mulf %get3A_190, %mul3A_192 : vector<16xf32>
      %mul3A_194 = arith.constant 4 : i32
      %mul3A_195 = arith.muli %add3A_117, %mul3A_194 : i32
      %add3A_196 = arith.constant 1 : i32
      %add3A_197 = arith.addi %mul3A_195, %add3A_196 : i32
      %swap3A_198 = arith.index_cast %add3A_197 : i32 to index
      %swap3A_199 = arith.constant 0 : index
      %swap3A_200 = tpu.vector_load %arg6[%swap3A_198, %swap3A_199] {strides = array<i32>} : memref<128x64xf32, #tpu.memory_space<vmem>>, vector<16xf32>,
      tpu.vector_store %arg6[%swap3A_198, %swap3A_199], %mul3A_193 {strides = array<i32>} : memref<128x64xf32, #tpu.memory_space<vmem>>, vector<16xf32>,
      %mul3A_201 = arith.constant 4 : i32
      %mul3A_202 = arith.muli %add3A_117, %mul3A_201 : i32
      %add3A_203 = arith.constant 1 : i32
      %add3A_204 = arith.addi %mul3A_202, %add3A_203 : i32
      %get3A_205 = arith.index_cast %add3A_204 : i32 to index
      %get3A_206 = arith.constant 16 : index
      %get3A_207 = tpu.vector_load %arg6[%get3A_205, %get3A_206] {strides = array<i32>} : memref<128x64xf32, #tpu.memory_space<vmem>>, vector<16xf32>,
      %mul3A_208 = arith.constant 8.000000e+00 : f32
      %mul3A_209 = vector.broadcast %mul3A_208 : f32 to vector<16xf32>
      %mul3A_210 = arith.mulf %get3A_207, %mul3A_209 : vector<16xf32>
      %mul3A_211 = arith.constant 4 : i32
      %mul3A_212 = arith.muli %add3A_117, %mul3A_211 : i32
      %add3A_213 = arith.constant 1 : i32
      %add3A_214 = arith.addi %mul3A_212, %add3A_213 : i32
      %swap3A_215 = arith.index_cast %add3A_214 : i32 to index
      %swap3A_216 = arith.constant 16 : index
      %swap3A_217 = tpu.vector_load %arg6[%swap3A_215, %swap3A_216] {strides = array<i32>} : memref<128x64xf32, #tpu.memory_space<vmem>>, vector<16xf32>,
      tpu.vector_store %arg6[%swap3A_215, %swap3A_216], %mul3A_210 {strides = array<i32>} : memref<128x64xf32, #tpu.memory_space<vmem>>, vector<16xf32>,
      %mul3A_218 = arith.constant 4 : i32
      %mul3A_219 = arith.muli %add3A_117, %mul3A_218 : i32
      %add3A_220 = arith.constant 1 : i32
      %add3A_221 = arith.addi %mul3A_219, %add3A_220 : i32
      %get3A_222 = arith.index_cast %add3A_221 : i32 to index
      %get3A_223 = arith.constant 32 : index
      %get3A_224 = tpu.vector_load %arg6[%get3A_222, %get3A_223] {strides = array<i32>} : memref<128x64xf32, #tpu.memory_space<vmem>>, vector<16xf32>,
      %mul3A_225 = arith.constant 8.000000e+00 : f32
      %mul3A_226 = vector.broadcast %mul3A_225 : f32 to vector<16xf32>
      %mul3A_227 = arith.mulf %get3A_224, %mul3A_226 : vector<16xf32>
      %mul3A_228 = arith.constant 4 : i32
      %mul3A_229 = arith.muli %add3A_117, %mul3A_228 : i32
      %add3A_230 = arith.constant 1 : i32
      %add3A_231 = arith.addi %mul3A_229, %add3A_230 : i32
      %swap3A_232 = arith.index_cast %add3A_231 : i32 to index
      %swap3A_233 = arith.constant 32 : index
      %swap3A_234 = tpu.vector_load %arg6[%swap3A_232, %swap3A_233] {strides = array<i32>} : memref<128x64xf32, #tpu.memory_space<vmem>>, vector<16xf32>,
      tpu.vector_store %arg6[%swap3A_232, %swap3A_233], %mul3A_227 {strides = array<i32>} : memref<128x64xf32, #tpu.memory_space<vmem>>, vector<16xf32>,
      %mul3A_235 = arith.constant 4 : i32
      %mul3A_236 = arith.muli %add3A_117, %mul3A_235 : i32
      %add3A_237 = arith.constant 1 : i32
      %add3A_238 = arith.addi %mul3A_236, %add3A_237 : i32
      %get3A_239 = arith.index_cast %add3A_238 : i32 to index
      %get3A_240 = arith.constant 48 : index
      %get3A_241 = tpu.vector_load %arg6[%get3A_239, %get3A_240] {strides = array<i32>} : memref<128x64xf32, #tpu.memory_space<vmem>>, vector<16xf32>,
      %mul3A_242 = arith.constant 8.000000e+00 : f32
      %mul3A_243 = vector.broadcast %mul3A_242 : f32 to vector<16xf32>
      %mul3A_244 = arith.mulf %get3A_241, %mul3A_243 : vector<16xf32>
      %mul3A_245 = arith.constant 4 : i32
      %mul3A_246 = arith.muli %add3A_117, %mul3A_245 : i32
      %add3A_247 = arith.constant 1 : i32
      %add3A_248 = arith.addi %mul3A_246, %add3A_247 : i32
      %swap3A_249 = arith.index_cast %add3A_248 : i32 to index
      %swap3A_250 = arith.constant 48 : index
      %swap3A_251 = tpu.vector_load %arg6[%swap3A_249, %swap3A_250] {strides = array<i32>} : memref<128x64xf32, #tpu.memory_space<vmem>>, vector<16xf32>,
      tpu.vector_store %arg6[%swap3A_249, %swap3A_250], %mul3A_244 {strides = array<i32>} : memref<128x64xf32, #tpu.memory_space<vmem>>, vector<16xf32>,
      %mul3A_252 = arith.constant 4 : i32
      %mul3A_253 = arith.muli %add3A_117, %mul3A_252 : i32
      %add3A_254 = arith.constant 2 : i32
      %add3A_255 = arith.addi %mul3A_253, %add3A_254 : i32
      %get3A_256 = arith.index_cast %add3A_255 : i32 to index
      %get3A_257 = arith.constant 0 : index
      %get3A_258 = tpu.vector_load %arg6[%get3A_256, %get3A_257] {strides = array<i32>} : memref<128x64xf32, #tpu.memory_space<vmem>>, vector<16xf32>,
      %mul3A_259 = arith.constant 8.000000e+00 : f32
      %mul3A_260 = vector.broadcast %mul3A_259 : f32 to vector<16xf32>
      %mul3A_261 = arith.mulf %get3A_258, %mul3A_260 : vector<16xf32>
      %mul3A_262 = arith.constant 4 : i32
      %mul3A_263 = arith.muli %add3A_117, %mul3A_262 : i32
      %add3A_264 = arith.constant 2 : i32
      %add3A_265 = arith.addi %mul3A_263, %add3A_264 : i32
      %swap3A_266 = arith.index_cast %add3A_265 : i32 to index
      %swap3A_267 = arith.constant 0 : index
      %swap3A_268 = tpu.vector_load %arg6[%swap3A_266, %swap3A_267] {strides = array<i32>} : memref<128x64xf32, #tpu.memory_space<vmem>>, vector<16xf32>,
      tpu.vector_store %arg6[%swap3A_266, %swap3A_267], %mul3A_261 {strides = array<i32>} : memref<128x64xf32, #tpu.memory_space<vmem>>, vector<16xf32>,
      %mul3A_269 = arith.constant 4 : i32
      %mul3A_270 = arith.muli %add3A_117, %mul3A_269 : i32
      %add3A_271 = arith.constant 2 : i32
      %add3A_272 = arith.addi %mul3A_270, %add3A_271 : i32
      %get3A_273 = arith.index_cast %add3A_272 : i32 to index
      %get3A_274 = arith.constant 16 : index
      %get3A_275 = tpu.vector_load %arg6[%get3A_273, %get3A_274] {strides = array<i32>} : memref<128x64xf32, #tpu.memory_space<vmem>>, vector<16xf32>,
      %mul3A_276 = arith.constant 8.000000e+00 : f32
      %mul3A_277 = vector.broadcast %mul3A_276 : f32 to vector<16xf32>
      %mul3A_278 = arith.mulf %get3A_275, %mul3A_277 : vector<16xf32>
      %mul3A_279 = arith.constant 4 : i32
      %mul3A_280 = arith.muli %add3A_117, %mul3A_279 : i32
      %add3A_281 = arith.constant 2 : i32
      %add3A_282 = arith.addi %mul3A_280, %add3A_281 : i32
      %swap3A_283 = arith.index_cast %add3A_282 : i32 to index
      %swap3A_284 = arith.constant 16 : index
      %swap3A_285 = tpu.vector_load %arg6[%swap3A_283, %swap3A_284] {strides = array<i32>} : memref<128x64xf32, #tpu.memory_space<vmem>>, vector<16xf32>,
      tpu.vector_store %arg6[%swap3A_283, %swap3A_284], %mul3A_278 {strides = array<i32>} : memref<128x64xf32, #tpu.memory_space<vmem>>, vector<16xf32>,
      %mul3A_286 = arith.constant 4 : i32
      %mul3A_287 = arith.muli %add3A_117, %mul3A_286 : i32
      %add3A_288 = arith.constant 2 : i32
      %add3A_289 = arith.addi %mul3A_287, %add3A_288 : i32
      %get3A_290 = arith.index_cast %add3A_289 : i32 to index
      %get3A_291 = arith.constant 32 : index
      %get3A_292 = tpu.vector_load %arg6[%get3A_290, %get3A_291] {strides = array<i32>} : memref<128x64xf32, #tpu.memory_space<vmem>>, vector<16xf32>,
      %mul3A_293 = arith.constant 8.000000e+00 : f32
      %mul3A_294 = vector.broadcast %mul3A_293 : f32 to vector<16xf32>
      %mul3A_295 = arith.mulf %get3A_292, %mul3A_294 : vector<16xf32>
      %mul3A_296 = arith.constant 4 : i32
      %mul3A_297 = arith.muli %add3A_117, %mul3A_296 : i32
      %add3A_298 = arith.constant 2 : i32
      %add3A_299 = arith.addi %mul3A_297, %add3A_298 : i32
      %swap3A_300 = arith.index_cast %add3A_299 : i32 to index
      %swap3A_301 = arith.constant 32 : index
      %swap3A_302 = tpu.vector_load %arg6[%swap3A_300, %swap3A_301] {strides = array<i32>} : memref<128x64xf32, #tpu.memory_space<vmem>>, vector<16xf32>,
      tpu.vector_store %arg6[%swap3A_300, %swap3A_301], %mul3A_295 {strides = array<i32>} : memref<128x64xf32, #tpu.memory_space<vmem>>, vector<16xf32>,
      %mul3A_303 = arith.constant 4 : i32
      %mul3A_304 = arith.muli %add3A_117, %mul3A_303 : i32
      %add3A_305 = arith.constant 2 : i32
      %add3A_306 = arith.addi %mul3A_304, %add3A_305 : i32
      %get3A_307 = arith.index_cast %add3A_306 : i32 to index
      %get3A_308 = arith.constant 48 : index
      %get3A_309 = tpu.vector_load %arg6[%get3A_307, %get3A_308] {strides = array<i32>} : memref<128x64xf32, #tpu.memory_space<vmem>>, vector<16xf32>,
      %mul3A_310 = arith.constant 8.000000e+00 : f32
      %mul3A_311 = vector.broadcast %mul3A_310 : f32 to vector<16xf32>
      %mul3A_312 = arith.mulf %get3A_309, %mul3A_311 : vector<16xf32>
      %mul3A_313 = arith.constant 4 : i32
      %mul3A_314 = arith.muli %add3A_117, %mul3A_313 : i32
      %add3A_315 = arith.constant 2 : i32
      %add3A_316 = arith.addi %mul3A_314, %add3A_315 : i32
      %swap3A_317 = arith.index_cast %add3A_316 : i32 to index
      %swap3A_318 = arith.constant 48 : index
      %swap3A_319 = tpu.vector_load %arg6[%swap3A_317, %swap3A_318] {strides = array<i32>} : memref<128x64xf32, #tpu.memory_space<vmem>>, vector<16xf32>,
      tpu.vector_store %arg6[%swap3A_317, %swap3A_318], %mul3A_312 {strides = array<i32>} : memref<128x64xf32, #tpu.memory_space<vmem>>, vector<16xf32>,
      %mul3A_320 = arith.constant 4 : i32
      %mul3A_321 = arith.muli %add3A_117, %mul3A_320 : i32
      %add3A_322 = arith.constant 3 : i32
      %add3A_323 = arith.addi %mul3A_321, %add3A_322 : i32
      %get3A_324 = arith.index_cast %add3A_323 : i32 to index
      %get3A_325 = arith.constant 0 : index
      %get3A_326 = tpu.vector_load %arg6[%get3A_324, %get3A_325] {strides = array<i32>} : memref<128x64xf32, #tpu.memory_space<vmem>>, vector<16xf32>,
      %mul3A_327 = arith.constant 8.000000e+00 : f32
      %mul3A_328 = vector.broadcast %mul3A_327 : f32 to vector<16xf32>
      %mul3A_329 = arith.mulf %get3A_326, %mul3A_328 : vector<16xf32>
      %mul3A_330 = arith.constant 4 : i32
      %mul3A_331 = arith.muli %add3A_117, %mul3A_330 : i32
      %add3A_332 = arith.constant 3 : i32
      %add3A_333 = arith.addi %mul3A_331, %add3A_332 : i32
      %swap3A_334 = arith.index_cast %add3A_333 : i32 to index
      %swap3A_335 = arith.constant 0 : index
      %swap3A_336 = tpu.vector_load %arg6[%swap3A_334, %swap3A_335] {strides = array<i32>} : memref<128x64xf32, #tpu.memory_space<vmem>>, vector<16xf32>,
      tpu.vector_store %arg6[%swap3A_334, %swap3A_335], %mul3A_329 {strides = array<i32>} : memref<128x64xf32, #tpu.memory_space<vmem>>, vector<16xf32>,
      %mul3A_337 = arith.constant 4 : i32
      %mul3A_338 = arith.muli %add3A_117, %mul3A_337 : i32
      %add3A_339 = arith.constant 3 : i32
      %add3A_340 = arith.addi %mul3A_338, %add3A_339 : i32
      %get3A_341 = arith.index_cast %add3A_340 : i32 to index
      %get3A_342 = arith.constant 16 : index
      %get3A_343 = tpu.vector_load %arg6[%get3A_341, %get3A_342] {strides = array<i32>} : memref<128x64xf32, #tpu.memory_space<vmem>>, vector<16xf32>,
      %mul3A_344 = arith.constant 8.000000e+00 : f32
      %mul3A_345 = vector.broadcast %mul3A_344 : f32 to vector<16xf32>
      %mul3A_346 = arith.mulf %get3A_343, %mul3A_345 : vector<16xf32>
      %mul3A_347 = arith.constant 4 : i32
      %mul3A_348 = arith.muli %add3A_117, %mul3A_347 : i32
      %add3A_349 = arith.constant 3 : i32
      %add3A_350 = arith.addi %mul3A_348, %add3A_349 : i32
      %swap3A_351 = arith.index_cast %add3A_350 : i32 to index
      %swap3A_352 = arith.constant 16 : index
      %swap3A_353 = tpu.vector_load %arg6[%swap3A_351, %swap3A_352] {strides = array<i32>} : memref<128x64xf32, #tpu.memory_space<vmem>>, vector<16xf32>,
      tpu.vector_store %arg6[%swap3A_351, %swap3A_352], %mul3A_346 {strides = array<i32>} : memref<128x64xf32, #tpu.memory_space<vmem>>, vector<16xf32>,
      %mul3A_354 = arith.constant 4 : i32
      %mul3A_355 = arith.muli %add3A_117, %mul3A_354 : i32
      %add3A_356 = arith.constant 3 : i32
      %add3A_357 = arith.addi %mul3A_355, %add3A_356 : i32
      %get3A_358 = arith.index_cast %add3A_357 : i32 to index
      %get3A_359 = arith.constant 32 : index
      %get3A_360 = tpu.vector_load %arg6[%get3A_358, %get3A_359] {strides = array<i32>} : memref<128x64xf32, #tpu.memory_space<vmem>>, vector<16xf32>,
      %mul3A_361 = arith.constant 8.000000e+00 : f32
      %mul3A_362 = vector.broadcast %mul3A_361 : f32 to vector<16xf32>
      %mul3A_363 = arith.mulf %get3A_360, %mul3A_362 : vector<16xf32>
      %mul3A_364 = arith.constant 4 : i32
      %mul3A_365 = arith.muli %add3A_117, %mul3A_364 : i32
      %add3A_366 = arith.constant 3 : i32
      %add3A_367 = arith.addi %mul3A_365, %add3A_366 : i32
      %swap3A_368 = arith.index_cast %add3A_367 : i32 to index
      %swap3A_369 = arith.constant 32 : index
      %swap3A_370 = tpu.vector_load %arg6[%swap3A_368, %swap3A_369] {strides = array<i32>} : memref<128x64xf32, #tpu.memory_space<vmem>>, vector<16xf32>,
      tpu.vector_store %arg6[%swap3A_368, %swap3A_369], %mul3A_363 {strides = array<i32>} : memref<128x64xf32, #tpu.memory_space<vmem>>, vector<16xf32>,
      %mul3A_371 = arith.constant 4 : i32
      %mul3A_372 = arith.muli %add3A_117, %mul3A_371 : i32
      %add3A_373 = arith.constant 3 : i32
      %add3A_374 = arith.addi %mul3A_372, %add3A_373 : i32
      %get3A_375 = arith.index_cast %add3A_374 : i32 to index
      %get3A_376 = arith.constant 48 : index
      %get3A_377 = tpu.vector_load %arg6[%get3A_375, %get3A_376] {strides = array<i32>} : memref<128x64xf32, #tpu.memory_space<vmem>>, vector<16xf32>,
      %mul3A_378 = arith.constant 8.000000e+00 : f32
      %mul3A_379 = vector.broadcast %mul3A_378 : f32 to vector<16xf32>
      %mul3A_380 = arith.mulf %get3A_377, %mul3A_379 : vector<16xf32>
      %mul3A_381 = arith.constant 4 : i32
      %mul3A_382 = arith.muli %add3A_117, %mul3A_381 : i32
      %add3A_383 = arith.constant 3 : i32
      %add3A_384 = arith.addi %mul3A_382, %add3A_383 : i32
      %swap3A_385 = arith.index_cast %add3A_384 : i32 to index
      %swap3A_386 = arith.constant 48 : index
      %swap3A_387 = tpu.vector_load %arg6[%swap3A_385, %swap3A_386] {strides = array<i32>} : memref<128x64xf32, #tpu.memory_space<vmem>>, vector<16xf32>,
      tpu.vector_store %arg6[%swap3A_385, %swap3A_386], %mul3A_380 {strides = array<i32>} : memref<128x64xf32, #tpu.memory_space<vmem>>, vector<16xf32>,
    }
    %scan3A_34 = arith.constant 32 : i32
    %add3A_35 = arith.constant 25088 : i32
    %add3A_36 = arith.addi %mul3A_2, %add3A_35 : i32
    %dma_start3A_37 = arith.constant 0 : i32
    %dma_start3A_38 = tpu.memref_slice %arg4[%add3A_36, %dma_start3A_37] : memref<819200x64xf32, #tpu.memory_space<hbm>> -> memref<128x64xf32, #tpu.memory_space<hbm>>
    %dma_start3A_39 = arith.constant 0 : i32
    %dma_start3A_40 = tpu.memref_slice %arg4[%add3A_36, %dma_start3A_39] : memref<819200x64xf32, #tpu.memory_space<hbm>> -> memref<128x64xf32, #tpu.memory_space<hbm>>
    tpu.enqueue_dma source(%arg6 : memref<128x64xf32, #tpu.memory_space<vmem>>) target(%dma_start3A_40 : memref<128x64xf32, #tpu.memory_space<hbm>>) target_semaphore(%arg14 : memref<!tpu.dma_semaphore, #tpu.memory_space<semaphore_mem>>)
    %add3A_41 = arith.constant 25088 : i32
    %add3A_42 = arith.addi %mul3A_2, %add3A_41 : i32
    %dma_wait3A_43 = arith.constant 0 : i32
    %dma_wait3A_44 = tpu.memref_slice %arg4[%add3A_42, %dma_wait3A_43] : memref<819200x64xf32, #tpu.memory_space<hbm>> -> memref<128x64xf32, #tpu.memory_space<hbm>>
    %dma_wait3A_45 = arith.constant 0 : i32
    %dma_wait3A_46 = tpu.memref_slice %arg4[%add3A_42, %dma_wait3A_45] : memref<819200x64xf32, #tpu.memory_space<hbm>> -> memref<128x64xf32, #tpu.memory_space<hbm>>
    tpu.wait_dma2 semaphore(%arg14 : memref<!tpu.dma_semaphore, #tpu.memory_space<semaphore_mem>>) src(%arg6 : memref<128x64xf32, #tpu.memory_space<vmem>>) dst(%dma_wait3A_46 : memref<128x64xf32, #tpu.memory_space<hbm>>)
    %dma_wait3A_47 = arith.constant 25216 : i32
    %dma_wait3A_48 = tpu.memref_slice %arg5[%dma_wait3A_47] : memref<25600xi32, #tpu.memory_space<vmem>> -> memref<128xi32, #tpu.memory_space<vmem>>
    %dma_wait3A_49 = arith.constant 0 : i32
    %dma_wait3A_50 = arith.constant 0 : i32
    %dma_wait3A_51 = tpu.memref_slice %arg3[%dma_wait3A_49, %dma_wait3A_50] : memref<1000000x64xf32, #tpu.memory_space<hbm>> -> memref<1000000x64xf32, #tpu.memory_space<hbm>>
    tpu.wait_indirect_dma semaphore(%arg11 : memref<!tpu.dma_semaphore, #tpu.memory_space<semaphore_mem>>) src(%dma_wait3A_51 : memref<1000000x64xf32, #tpu.memory_space<hbm>>) dst(%arg7 : memref<128x64xf32, #tpu.memory_space<vmem>>)
    %scan3A_52 = arith.constant 0 : i32
    %scan3A_53 = arith.constant 32 : i32
    %scan3A_54 = arith.addi %scan3A_52, %scan3A_53 : i32
    %scan3A_55 = arith.constant 1 : i32
    scf.for %scan3A_113 = %scan3A_52 to %scan3A_54 step %scan3A_55  : i32 {
      %mul3A_114 = arith.constant 1 : i32
      %mul3A_115 = arith.muli %scan3A_113, %mul3A_114 : i32
      %add3A_116 = arith.constant 0 : i32
      %add3A_117 = arith.addi %add3A_116, %mul3A_115 : i32
      %mul3A_118 = arith.constant 4 : i32
      %mul3A_119 = arith.muli %add3A_117, %mul3A_118 : i32
      %add3A_120 = arith.constant 0 : i32
      %add3A_121 = arith.addi %mul3A_119, %add3A_120 : i32
      %get3A = arith.index_cast %add3A_121 : i32 to index
      %get3A_122 = arith.constant 0 : index
      %get3A_123 = tpu.vector_load %arg7[%get3A, %get3A_122] {strides = array<i32>} : memref<128x64xf32, #tpu.memory_space<vmem>>, vector<16xf32>,
      %mul3A_124 = arith.constant 8.000000e+00 : f32
      %mul3A_125 = vector.broadcast %mul3A_124 : f32 to vector<16xf32>
      %mul3A_126 = arith.mulf %get3A_123, %mul3A_125 : vector<16xf32>
      %mul3A_127 = arith.constant 4 : i32
      %mul3A_128 = arith.muli %add3A_117, %mul3A_127 : i32
      %add3A_129 = arith.constant 0 : i32
      %add3A_130 = arith.addi %mul3A_128, %add3A_129 : i32
      %swap3A = arith.index_cast %add3A_130 : i32 to index
      %swap3A_131 = arith.constant 0 : index
      %swap3A_132 = tpu.vector_load %arg7[%swap3A, %swap3A_131] {strides = array<i32>} : memref<128x64xf32, #tpu.memory_space<vmem>>, vector<16xf32>,
      tpu.vector_store %arg7[%swap3A, %swap3A_131], %mul3A_126 {strides = array<i32>} : memref<128x64xf32, #tpu.memory_space<vmem>>, vector<16xf32>,
      %mul3A_133 = arith.constant 4 : i32
      %mul3A_134 = arith.muli %add3A_117, %mul3A_133 : i32
      %add3A_135 = arith.constant 0 : i32
      %add3A_136 = arith.addi %mul3A_134, %add3A_135 : i32
      %get3A_137 = arith.index_cast %add3A_136 : i32 to index
      %get3A_138 = arith.constant 16 : index
      %get3A_139 = tpu.vector_load %arg7[%get3A_137, %get3A_138] {strides = array<i32>} : memref<128x64xf32, #tpu.memory_space<vmem>>, vector<16xf32>,
      %mul3A_140 = arith.constant 8.000000e+00 : f32
      %mul3A_141 = vector.broadcast %mul3A_140 : f32 to vector<16xf32>
      %mul3A_142 = arith.mulf %get3A_139, %mul3A_141 : vector<16xf32>
      %mul3A_143 = arith.constant 4 : i32
      %mul3A_144 = arith.muli %add3A_117, %mul3A_143 : i32
      %add3A_145 = arith.constant 0 : i32
      %add3A_146 = arith.addi %mul3A_144, %add3A_145 : i32
      %swap3A_147 = arith.index_cast %add3A_146 : i32 to index
      %swap3A_148 = arith.constant 16 : index
      %swap3A_149 = tpu.vector_load %arg7[%swap3A_147, %swap3A_148] {strides = array<i32>} : memref<128x64xf32, #tpu.memory_space<vmem>>, vector<16xf32>,
      tpu.vector_store %arg7[%swap3A_147, %swap3A_148], %mul3A_142 {strides = array<i32>} : memref<128x64xf32, #tpu.memory_space<vmem>>, vector<16xf32>,
      %mul3A_150 = arith.constant 4 : i32
      %mul3A_151 = arith.muli %add3A_117, %mul3A_150 : i32
      %add3A_152 = arith.constant 0 : i32
      %add3A_153 = arith.addi %mul3A_151, %add3A_152 : i32
      %get3A_154 = arith.index_cast %add3A_153 : i32 to index
      %get3A_155 = arith.constant 32 : index
      %get3A_156 = tpu.vector_load %arg7[%get3A_154, %get3A_155] {strides = array<i32>} : memref<128x64xf32, #tpu.memory_space<vmem>>, vector<16xf32>,
      %mul3A_157 = arith.constant 8.000000e+00 : f32
      %mul3A_158 = vector.broadcast %mul3A_157 : f32 to vector<16xf32>
      %mul3A_159 = arith.mulf %get3A_156, %mul3A_158 : vector<16xf32>
      %mul3A_160 = arith.constant 4 : i32
      %mul3A_161 = arith.muli %add3A_117, %mul3A_160 : i32
      %add3A_162 = arith.constant 0 : i32
      %add3A_163 = arith.addi %mul3A_161, %add3A_162 : i32
      %swap3A_164 = arith.index_cast %add3A_163 : i32 to index
      %swap3A_165 = arith.constant 32 : index
      %swap3A_166 = tpu.vector_load %arg7[%swap3A_164, %swap3A_165] {strides = array<i32>} : memref<128x64xf32, #tpu.memory_space<vmem>>, vector<16xf32>,
      tpu.vector_store %arg7[%swap3A_164, %swap3A_165], %mul3A_159 {strides = array<i32>} : memref<128x64xf32, #tpu.memory_space<vmem>>, vector<16xf32>,
      %mul3A_167 = arith.constant 4 : i32
      %mul3A_168 = arith.muli %add3A_117, %mul3A_167 : i32
      %add3A_169 = arith.constant 0 : i32
      %add3A_170 = arith.addi %mul3A_168, %add3A_169 : i32
      %get3A_171 = arith.index_cast %add3A_170 : i32 to index
      %get3A_172 = arith.constant 48 : index
      %get3A_173 = tpu.vector_load %arg7[%get3A_171, %get3A_172] {strides = array<i32>} : memref<128x64xf32, #tpu.memory_space<vmem>>, vector<16xf32>,
      %mul3A_174 = arith.constant 8.000000e+00 : f32
      %mul3A_175 = vector.broadcast %mul3A_174 : f32 to vector<16xf32>
      %mul3A_176 = arith.mulf %get3A_173, %mul3A_175 : vector<16xf32>
      %mul3A_177 = arith.constant 4 : i32
      %mul3A_178 = arith.muli %add3A_117, %mul3A_177 : i32
      %add3A_179 = arith.constant 0 : i32
      %add3A_180 = arith.addi %mul3A_178, %add3A_179 : i32
      %swap3A_181 = arith.index_cast %add3A_180 : i32 to index
      %swap3A_182 = arith.constant 48 : index
      %swap3A_183 = tpu.vector_load %arg7[%swap3A_181, %swap3A_182] {strides = array<i32>} : memref<128x64xf32, #tpu.memory_space<vmem>>, vector<16xf32>,
      tpu.vector_store %arg7[%swap3A_181, %swap3A_182], %mul3A_176 {strides = array<i32>} : memref<128x64xf32, #tpu.memory_space<vmem>>, vector<16xf32>,
      %mul3A_184 = arith.constant 4 : i32
      %mul3A_185 = arith.muli %add3A_117, %mul3A_184 : i32
      %add3A_186 = arith.constant 1 : i32
      %add3A_187 = arith.addi %mul3A_185, %add3A_186 : i32
      %get3A_188 = arith.index_cast %add3A_187 : i32 to index
      %get3A_189 = arith.constant 0 : index
      %get3A_190 = tpu.vector_load %arg7[%get3A_188, %get3A_189] {strides = array<i32>} : memref<128x64xf32, #tpu.memory_space<vmem>>, vector<16xf32>,
      %mul3A_191 = arith.constant 8.000000e+00 : f32
      %mul3A_192 = vector.broadcast %mul3A_191 : f32 to vector<16xf32>
      %mul3A_193 = arith.mulf %get3A_190, %mul3A_192 : vector<16xf32>
      %mul3A_194 = arith.constant 4 : i32
      %mul3A_195 = arith.muli %add3A_117, %mul3A_194 : i32
      %add3A_196 = arith.constant 1 : i32
      %add3A_197 = arith.addi %mul3A_195, %add3A_196 : i32
      %swap3A_198 = arith.index_cast %add3A_197 : i32 to index
      %swap3A_199 = arith.constant 0 : index
      %swap3A_200 = tpu.vector_load %arg7[%swap3A_198, %swap3A_199] {strides = array<i32>} : memref<128x64xf32, #tpu.memory_space<vmem>>, vector<16xf32>,
      tpu.vector_store %arg7[%swap3A_198, %swap3A_199], %mul3A_193 {strides = array<i32>} : memref<128x64xf32, #tpu.memory_space<vmem>>, vector<16xf32>,
      %mul3A_201 = arith.constant 4 : i32
      %mul3A_202 = arith.muli %add3A_117, %mul3A_201 : i32
      %add3A_203 = arith.constant 1 : i32
      %add3A_204 = arith.addi %mul3A_202, %add3A_203 : i32
      %get3A_205 = arith.index_cast %add3A_204 : i32 to index
      %get3A_206 = arith.constant 16 : index
      %get3A_207 = tpu.vector_load %arg7[%get3A_205, %get3A_206] {strides = array<i32>} : memref<128x64xf32, #tpu.memory_space<vmem>>, vector<16xf32>,
      %mul3A_208 = arith.constant 8.000000e+00 : f32
      %mul3A_209 = vector.broadcast %mul3A_208 : f32 to vector<16xf32>
      %mul3A_210 = arith.mulf %get3A_207, %mul3A_209 : vector<16xf32>
      %mul3A_211 = arith.constant 4 : i32
      %mul3A_212 = arith.muli %add3A_117, %mul3A_211 : i32
      %add3A_213 = arith.constant 1 : i32
      %add3A_214 = arith.addi %mul3A_212, %add3A_213 : i32
      %swap3A_215 = arith.index_cast %add3A_214 : i32 to index
      %swap3A_216 = arith.constant 16 : index
      %swap3A_217 = tpu.vector_load %arg7[%swap3A_215, %swap3A_216] {strides = array<i32>} : memref<128x64xf32, #tpu.memory_space<vmem>>, vector<16xf32>,
      tpu.vector_store %arg7[%swap3A_215, %swap3A_216], %mul3A_210 {strides = array<i32>} : memref<128x64xf32, #tpu.memory_space<vmem>>, vector<16xf32>,
      %mul3A_218 = arith.constant 4 : i32
      %mul3A_219 = arith.muli %add3A_117, %mul3A_218 : i32
      %add3A_220 = arith.constant 1 : i32
      %add3A_221 = arith.addi %mul3A_219, %add3A_220 : i32
      %get3A_222 = arith.index_cast %add3A_221 : i32 to index
      %get3A_223 = arith.constant 32 : index
      %get3A_224 = tpu.vector_load %arg7[%get3A_222, %get3A_223] {strides = array<i32>} : memref<128x64xf32, #tpu.memory_space<vmem>>, vector<16xf32>,
      %mul3A_225 = arith.constant 8.000000e+00 : f32
      %mul3A_226 = vector.broadcast %mul3A_225 : f32 to vector<16xf32>
      %mul3A_227 = arith.mulf %get3A_224, %mul3A_226 : vector<16xf32>
      %mul3A_228 = arith.constant 4 : i32
      %mul3A_229 = arith.muli %add3A_117, %mul3A_228 : i32
      %add3A_230 = arith.constant 1 : i32
      %add3A_231 = arith.addi %mul3A_229, %add3A_230 : i32
      %swap3A_232 = arith.index_cast %add3A_231 : i32 to index
      %swap3A_233 = arith.constant 32 : index
      %swap3A_234 = tpu.vector_load %arg7[%swap3A_232, %swap3A_233] {strides = array<i32>} : memref<128x64xf32, #tpu.memory_space<vmem>>, vector<16xf32>,
      tpu.vector_store %arg7[%swap3A_232, %swap3A_233], %mul3A_227 {strides = array<i32>} : memref<128x64xf32, #tpu.memory_space<vmem>>, vector<16xf32>,
      %mul3A_235 = arith.constant 4 : i32
      %mul3A_236 = arith.muli %add3A_117, %mul3A_235 : i32
      %add3A_237 = arith.constant 1 : i32
      %add3A_238 = arith.addi %mul3A_236, %add3A_237 : i32
      %get3A_239 = arith.index_cast %add3A_238 : i32 to index
      %get3A_240 = arith.constant 48 : index
      %get3A_241 = tpu.vector_load %arg7[%get3A_239, %get3A_240] {strides = array<i32>} : memref<128x64xf32, #tpu.memory_space<vmem>>, vector<16xf32>,
      %mul3A_242 = arith.constant 8.000000e+00 : f32
      %mul3A_243 = vector.broadcast %mul3A_242 : f32 to vector<16xf32>
      %mul3A_244 = arith.mulf %get3A_241, %mul3A_243 : vector<16xf32>
      %mul3A_245 = arith.constant 4 : i32
      %mul3A_246 = arith.muli %add3A_117, %mul3A_245 : i32
      %add3A_247 = arith.constant 1 : i32
      %add3A_248 = arith.addi %mul3A_246, %add3A_247 : i32
      %swap3A_249 = arith.index_cast %add3A_248 : i32 to index
      %swap3A_250 = arith.constant 48 : index
      %swap3A_251 = tpu.vector_load %arg7[%swap3A_249, %swap3A_250] {strides = array<i32>} : memref<128x64xf32, #tpu.memory_space<vmem>>, vector<16xf32>,
      tpu.vector_store %arg7[%swap3A_249, %swap3A_250], %mul3A_244 {strides = array<i32>} : memref<128x64xf32, #tpu.memory_space<vmem>>, vector<16xf32>,
      %mul3A_252 = arith.constant 4 : i32
      %mul3A_253 = arith.muli %add3A_117, %mul3A_252 : i32
      %add3A_254 = arith.constant 2 : i32
      %add3A_255 = arith.addi %mul3A_253, %add3A_254 : i32
      %get3A_256 = arith.index_cast %add3A_255 : i32 to index
      %get3A_257 = arith.constant 0 : index
      %get3A_258 = tpu.vector_load %arg7[%get3A_256, %get3A_257] {strides = array<i32>} : memref<128x64xf32, #tpu.memory_space<vmem>>, vector<16xf32>,
      %mul3A_259 = arith.constant 8.000000e+00 : f32
      %mul3A_260 = vector.broadcast %mul3A_259 : f32 to vector<16xf32>
      %mul3A_261 = arith.mulf %get3A_258, %mul3A_260 : vector<16xf32>
      %mul3A_262 = arith.constant 4 : i32
      %mul3A_263 = arith.muli %add3A_117, %mul3A_262 : i32
      %add3A_264 = arith.constant 2 : i32
      %add3A_265 = arith.addi %mul3A_263, %add3A_264 : i32
      %swap3A_266 = arith.index_cast %add3A_265 : i32 to index
      %swap3A_267 = arith.constant 0 : index
      %swap3A_268 = tpu.vector_load %arg7[%swap3A_266, %swap3A_267] {strides = array<i32>} : memref<128x64xf32, #tpu.memory_space<vmem>>, vector<16xf32>,
      tpu.vector_store %arg7[%swap3A_266, %swap3A_267], %mul3A_261 {strides = array<i32>} : memref<128x64xf32, #tpu.memory_space<vmem>>, vector<16xf32>,
      %mul3A_269 = arith.constant 4 : i32
      %mul3A_270 = arith.muli %add3A_117, %mul3A_269 : i32
      %add3A_271 = arith.constant 2 : i32
      %add3A_272 = arith.addi %mul3A_270, %add3A_271 : i32
      %get3A_273 = arith.index_cast %add3A_272 : i32 to index
      %get3A_274 = arith.constant 16 : index
      %get3A_275 = tpu.vector_load %arg7[%get3A_273, %get3A_274] {strides = array<i32>} : memref<128x64xf32, #tpu.memory_space<vmem>>, vector<16xf32>,
      %mul3A_276 = arith.constant 8.000000e+00 : f32
      %mul3A_277 = vector.broadcast %mul3A_276 : f32 to vector<16xf32>
      %mul3A_278 = arith.mulf %get3A_275, %mul3A_277 : vector<16xf32>
      %mul3A_279 = arith.constant 4 : i32
      %mul3A_280 = arith.muli %add3A_117, %mul3A_279 : i32
      %add3A_281 = arith.constant 2 : i32
      %add3A_282 = arith.addi %mul3A_280, %add3A_281 : i32
      %swap3A_283 = arith.index_cast %add3A_282 : i32 to index
      %swap3A_284 = arith.constant 16 : index
      %swap3A_285 = tpu.vector_load %arg7[%swap3A_283, %swap3A_284] {strides = array<i32>} : memref<128x64xf32, #tpu.memory_space<vmem>>, vector<16xf32>,
      tpu.vector_store %arg7[%swap3A_283, %swap3A_284], %mul3A_278 {strides = array<i32>} : memref<128x64xf32, #tpu.memory_space<vmem>>, vector<16xf32>,
      %mul3A_286 = arith.constant 4 : i32
      %mul3A_287 = arith.muli %add3A_117, %mul3A_286 : i32
      %add3A_288 = arith.constant 2 : i32
      %add3A_289 = arith.addi %mul3A_287, %add3A_288 : i32
      %get3A_290 = arith.index_cast %add3A_289 : i32 to index
      %get3A_291 = arith.constant 32 : index
      %get3A_292 = tpu.vector_load %arg7[%get3A_290, %get3A_291] {strides = array<i32>} : memref<128x64xf32, #tpu.memory_space<vmem>>, vector<16xf32>,
      %mul3A_293 = arith.constant 8.000000e+00 : f32
      %mul3A_294 = vector.broadcast %mul3A_293 : f32 to vector<16xf32>
      %mul3A_295 = arith.mulf %get3A_292, %mul3A_294 : vector<16xf32>
      %mul3A_296 = arith.constant 4 : i32
      %mul3A_297 = arith.muli %add3A_117, %mul3A_296 : i32
      %add3A_298 = arith.constant 2 : i32
      %add3A_299 = arith.addi %mul3A_297, %add3A_298 : i32
      %swap3A_300 = arith.index_cast %add3A_299 : i32 to index
      %swap3A_301 = arith.constant 32 : index
      %swap3A_302 = tpu.vector_load %arg7[%swap3A_300, %swap3A_301] {strides = array<i32>} : memref<128x64xf32, #tpu.memory_space<vmem>>, vector<16xf32>,
      tpu.vector_store %arg7[%swap3A_300, %swap3A_301], %mul3A_295 {strides = array<i32>} : memref<128x64xf32, #tpu.memory_space<vmem>>, vector<16xf32>,
      %mul3A_303 = arith.constant 4 : i32
      %mul3A_304 = arith.muli %add3A_117, %mul3A_303 : i32
      %add3A_305 = arith.constant 2 : i32
      %add3A_306 = arith.addi %mul3A_304, %add3A_305 : i32
      %get3A_307 = arith.index_cast %add3A_306 : i32 to index
      %get3A_308 = arith.constant 48 : index
      %get3A_309 = tpu.vector_load %arg7[%get3A_307, %get3A_308] {strides = array<i32>} : memref<128x64xf32, #tpu.memory_space<vmem>>, vector<16xf32>,
      %mul3A_310 = arith.constant 8.000000e+00 : f32
      %mul3A_311 = vector.broadcast %mul3A_310 : f32 to vector<16xf32>
      %mul3A_312 = arith.mulf %get3A_309, %mul3A_311 : vector<16xf32>
      %mul3A_313 = arith.constant 4 : i32
      %mul3A_314 = arith.muli %add3A_117, %mul3A_313 : i32
      %add3A_315 = arith.constant 2 : i32
      %add3A_316 = arith.addi %mul3A_314, %add3A_315 : i32
      %swap3A_317 = arith.index_cast %add3A_316 : i32 to index
      %swap3A_318 = arith.constant 48 : index
      %swap3A_319 = tpu.vector_load %arg7[%swap3A_317, %swap3A_318] {strides = array<i32>} : memref<128x64xf32, #tpu.memory_space<vmem>>, vector<16xf32>,
      tpu.vector_store %arg7[%swap3A_317, %swap3A_318], %mul3A_312 {strides = array<i32>} : memref<128x64xf32, #tpu.memory_space<vmem>>, vector<16xf32>,
      %mul3A_320 = arith.constant 4 : i32
      %mul3A_321 = arith.muli %add3A_117, %mul3A_320 : i32
      %add3A_322 = arith.constant 3 : i32
      %add3A_323 = arith.addi %mul3A_321, %add3A_322 : i32
      %get3A_324 = arith.index_cast %add3A_323 : i32 to index
      %get3A_325 = arith.constant 0 : index
      %get3A_326 = tpu.vector_load %arg7[%get3A_324, %get3A_325] {strides = array<i32>} : memref<128x64xf32, #tpu.memory_space<vmem>>, vector<16xf32>,
      %mul3A_327 = arith.constant 8.000000e+00 : f32
      %mul3A_328 = vector.broadcast %mul3A_327 : f32 to vector<16xf32>
      %mul3A_329 = arith.mulf %get3A_326, %mul3A_328 : vector<16xf32>
      %mul3A_330 = arith.constant 4 : i32
      %mul3A_331 = arith.muli %add3A_117, %mul3A_330 : i32
      %add3A_332 = arith.constant 3 : i32
      %add3A_333 = arith.addi %mul3A_331, %add3A_332 : i32
      %swap3A_334 = arith.index_cast %add3A_333 : i32 to index
      %swap3A_335 = arith.constant 0 : index
      %swap3A_336 = tpu.vector_load %arg7[%swap3A_334, %swap3A_335] {strides = array<i32>} : memref<128x64xf32, #tpu.memory_space<vmem>>, vector<16xf32>,
      tpu.vector_store %arg7[%swap3A_334, %swap3A_335], %mul3A_329 {strides = array<i32>} : memref<128x64xf32, #tpu.memory_space<vmem>>, vector<16xf32>,
      %mul3A_337 = arith.constant 4 : i32
      %mul3A_338 = arith.muli %add3A_117, %mul3A_337 : i32
      %add3A_339 = arith.constant 3 : i32
      %add3A_340 = arith.addi %mul3A_338, %add3A_339 : i32
      %get3A_341 = arith.index_cast %add3A_340 : i32 to index
      %get3A_342 = arith.constant 16 : index
      %get3A_343 = tpu.vector_load %arg7[%get3A_341, %get3A_342] {strides = array<i32>} : memref<128x64xf32, #tpu.memory_space<vmem>>, vector<16xf32>,
      %mul3A_344 = arith.constant 8.000000e+00 : f32
      %mul3A_345 = vector.broadcast %mul3A_344 : f32 to vector<16xf32>
      %mul3A_346 = arith.mulf %get3A_343, %mul3A_345 : vector<16xf32>
      %mul3A_347 = arith.constant 4 : i32
      %mul3A_348 = arith.muli %add3A_117, %mul3A_347 : i32
      %add3A_349 = arith.constant 3 : i32
      %add3A_350 = arith.addi %mul3A_348, %add3A_349 : i32
      %swap3A_351 = arith.index_cast %add3A_350 : i32 to index
      %swap3A_352 = arith.constant 16 : index
      %swap3A_353 = tpu.vector_load %arg7[%swap3A_351, %swap3A_352] {strides = array<i32>} : memref<128x64xf32, #tpu.memory_space<vmem>>, vector<16xf32>,
      tpu.vector_store %arg7[%swap3A_351, %swap3A_352], %mul3A_346 {strides = array<i32>} : memref<128x64xf32, #tpu.memory_space<vmem>>, vector<16xf32>,
      %mul3A_354 = arith.constant 4 : i32
      %mul3A_355 = arith.muli %add3A_117, %mul3A_354 : i32
      %add3A_356 = arith.constant 3 : i32
      %add3A_357 = arith.addi %mul3A_355, %add3A_356 : i32
      %get3A_358 = arith.index_cast %add3A_357 : i32 to index
      %get3A_359 = arith.constant 32 : index
      %get3A_360 = tpu.vector_load %arg7[%get3A_358, %get3A_359] {strides = array<i32>} : memref<128x64xf32, #tpu.memory_space<vmem>>, vector<16xf32>,
      %mul3A_361 = arith.constant 8.000000e+00 : f32
      %mul3A_362 = vector.broadcast %mul3A_361 : f32 to vector<16xf32>
      %mul3A_363 = arith.mulf %get3A_360, %mul3A_362 : vector<16xf32>
      %mul3A_364 = arith.constant 4 : i32
      %mul3A_365 = arith.muli %add3A_117, %mul3A_364 : i32
      %add3A_366 = arith.constant 3 : i32
      %add3A_367 = arith.addi %mul3A_365, %add3A_366 : i32
      %swap3A_368 = arith.index_cast %add3A_367 : i32 to index
      %swap3A_369 = arith.constant 32 : index
      %swap3A_370 = tpu.vector_load %arg7[%swap3A_368, %swap3A_369] {strides = array<i32>} : memref<128x64xf32, #tpu.memory_space<vmem>>, vector<16xf32>,
      tpu.vector_store %arg7[%swap3A_368, %swap3A_369], %mul3A_363 {strides = array<i32>} : memref<128x64xf32, #tpu.memory_space<vmem>>, vector<16xf32>,
      %mul3A_371 = arith.constant 4 : i32
      %mul3A_372 = arith.muli %add3A_117, %mul3A_371 : i32
      %add3A_373 = arith.constant 3 : i32
      %add3A_374 = arith.addi %mul3A_372, %add3A_373 : i32
      %get3A_375 = arith.index_cast %add3A_374 : i32 to index
      %get3A_376 = arith.constant 48 : index
      %get3A_377 = tpu.vector_load %arg7[%get3A_375, %get3A_376] {strides = array<i32>} : memref<128x64xf32, #tpu.memory_space<vmem>>, vector<16xf32>,
      %mul3A_378 = arith.constant 8.000000e+00 : f32
      %mul3A_379 = vector.broadcast %mul3A_378 : f32 to vector<16xf32>
      %mul3A_380 = arith.mulf %get3A_377, %mul3A_379 : vector<16xf32>
      %mul3A_381 = arith.constant 4 : i32
      %mul3A_382 = arith.muli %add3A_117, %mul3A_381 : i32
      %add3A_383 = arith.constant 3 : i32
      %add3A_384 = arith.addi %mul3A_382, %add3A_383 : i32
      %swap3A_385 = arith.index_cast %add3A_384 : i32 to index
      %swap3A_386 = arith.constant 48 : index
      %swap3A_387 = tpu.vector_load %arg7[%swap3A_385, %swap3A_386] {strides = array<i32>} : memref<128x64xf32, #tpu.memory_space<vmem>>, vector<16xf32>,
      tpu.vector_store %arg7[%swap3A_385, %swap3A_386], %mul3A_380 {strides = array<i32>} : memref<128x64xf32, #tpu.memory_space<vmem>>, vector<16xf32>,
    }
    %scan3A_56 = arith.constant 32 : i32
    %add3A_57 = arith.constant 25216 : i32
    %add3A_58 = arith.addi %mul3A_2, %add3A_57 : i32
    %dma_start3A_59 = arith.constant 0 : i32
    %dma_start3A_60 = tpu.memref_slice %arg4[%add3A_58, %dma_start3A_59] : memref<819200x64xf32, #tpu.memory_space<hbm>> -> memref<128x64xf32, #tpu.memory_space<hbm>>
    %dma_start3A_61 = arith.constant 0 : i32
    %dma_start3A_62 = tpu.memref_slice %arg4[%add3A_58, %dma_start3A_61] : memref<819200x64xf32, #tpu.memory_space<hbm>> -> memref<128x64xf32, #tpu.memory_space<hbm>>
    tpu.enqueue_dma source(%arg7 : memref<128x64xf32, #tpu.memory_space<vmem>>) target(%dma_start3A_62 : memref<128x64xf32, #tpu.memory_space<hbm>>) target_semaphore(%arg15 : memref<!tpu.dma_semaphore, #tpu.memory_space<semaphore_mem>>)
    %add3A_63 = arith.constant 25216 : i32
    %add3A_64 = arith.addi %mul3A_2, %add3A_63 : i32
    %dma_wait3A_65 = arith.constant 0 : i32
    %dma_wait3A_66 = tpu.memref_slice %arg4[%add3A_64, %dma_wait3A_65] : memref<819200x64xf32, #tpu.memory_space<hbm>> -> memref<128x64xf32, #tpu.memory_space<hbm>>
    %dma_wait3A_67 = arith.constant 0 : i32
    %dma_wait3A_68 = tpu.memref_slice %arg4[%add3A_64, %dma_wait3A_67] : memref<819200x64xf32, #tpu.memory_space<hbm>> -> memref<128x64xf32, #tpu.memory_space<hbm>>
    tpu.wait_dma2 semaphore(%arg15 : memref<!tpu.dma_semaphore, #tpu.memory_space<semaphore_mem>>) src(%arg7 : memref<128x64xf32, #tpu.memory_space<vmem>>) dst(%dma_wait3A_68 : memref<128x64xf32, #tpu.memory_space<hbm>>)
    %dma_wait3A_69 = arith.constant 25344 : i32
    %dma_wait3A_70 = tpu.memref_slice %arg5[%dma_wait3A_69] : memref<25600xi32, #tpu.memory_space<vmem>> -> memref<128xi32, #tpu.memory_space<vmem>>
    %dma_wait3A_71 = arith.constant 0 : i32
    %dma_wait3A_72 = arith.constant 0 : i32
    %dma_wait3A_73 = tpu.memref_slice %arg3[%dma_wait3A_71, %dma_wait3A_72] : memref<1000000x64xf32, #tpu.memory_space<hbm>> -> memref<1000000x64xf32, #tpu.memory_space<hbm>>
    tpu.wait_indirect_dma semaphore(%arg12 : memref<!tpu.dma_semaphore, #tpu.memory_space<semaphore_mem>>) src(%dma_wait3A_73 : memref<1000000x64xf32, #tpu.memory_space<hbm>>) dst(%arg8 : memref<128x64xf32, #tpu.memory_space<vmem>>)
    %scan3A_74 = arith.constant 0 : i32
    %scan3A_75 = arith.constant 32 : i32
    %scan3A_76 = arith.addi %scan3A_74, %scan3A_75 : i32
    %scan3A_77 = arith.constant 1 : i32
    scf.for %scan3A_113 = %scan3A_74 to %scan3A_76 step %scan3A_77  : i32 {
      %mul3A_114 = arith.constant 1 : i32
      %mul3A_115 = arith.muli %scan3A_113, %mul3A_114 : i32
      %add3A_116 = arith.constant 0 : i32
      %add3A_117 = arith.addi %add3A_116, %mul3A_115 : i32
      %mul3A_118 = arith.constant 4 : i32
      %mul3A_119 = arith.muli %add3A_117, %mul3A_118 : i32
      %add3A_120 = arith.constant 0 : i32
      %add3A_121 = arith.addi %mul3A_119, %add3A_120 : i32
      %get3A = arith.index_cast %add3A_121 : i32 to index
      %get3A_122 = arith.constant 0 : index
      %get3A_123 = tpu.vector_load %arg8[%get3A, %get3A_122] {strides = array<i32>} : memref<128x64xf32, #tpu.memory_space<vmem>>, vector<16xf32>,
      %mul3A_124 = arith.constant 8.000000e+00 : f32
      %mul3A_125 = vector.broadcast %mul3A_124 : f32 to vector<16xf32>
      %mul3A_126 = arith.mulf %get3A_123, %mul3A_125 : vector<16xf32>
      %mul3A_127 = arith.constant 4 : i32
      %mul3A_128 = arith.muli %add3A_117, %mul3A_127 : i32
      %add3A_129 = arith.constant 0 : i32
      %add3A_130 = arith.addi %mul3A_128, %add3A_129 : i32
      %swap3A = arith.index_cast %add3A_130 : i32 to index
      %swap3A_131 = arith.constant 0 : index
      %swap3A_132 = tpu.vector_load %arg8[%swap3A, %swap3A_131] {strides = array<i32>} : memref<128x64xf32, #tpu.memory_space<vmem>>, vector<16xf32>,
      tpu.vector_store %arg8[%swap3A, %swap3A_131], %mul3A_126 {strides = array<i32>} : memref<128x64xf32, #tpu.memory_space<vmem>>, vector<16xf32>,
      %mul3A_133 = arith.constant 4 : i32
      %mul3A_134 = arith.muli %add3A_117, %mul3A_133 : i32
      %add3A_135 = arith.constant 0 : i32
      %add3A_136 = arith.addi %mul3A_134, %add3A_135 : i32
      %get3A_137 = arith.index_cast %add3A_136 : i32 to index
      %get3A_138 = arith.constant 16 : index
      %get3A_139 = tpu.vector_load %arg8[%get3A_137, %get3A_138] {strides = array<i32>} : memref<128x64xf32, #tpu.memory_space<vmem>>, vector<16xf32>,
      %mul3A_140 = arith.constant 8.000000e+00 : f32
      %mul3A_141 = vector.broadcast %mul3A_140 : f32 to vector<16xf32>
      %mul3A_142 = arith.mulf %get3A_139, %mul3A_141 : vector<16xf32>
      %mul3A_143 = arith.constant 4 : i32
      %mul3A_144 = arith.muli %add3A_117, %mul3A_143 : i32
      %add3A_145 = arith.constant 0 : i32
      %add3A_146 = arith.addi %mul3A_144, %add3A_145 : i32
      %swap3A_147 = arith.index_cast %add3A_146 : i32 to index
      %swap3A_148 = arith.constant 16 : index
      %swap3A_149 = tpu.vector_load %arg8[%swap3A_147, %swap3A_148] {strides = array<i32>} : memref<128x64xf32, #tpu.memory_space<vmem>>, vector<16xf32>,
      tpu.vector_store %arg8[%swap3A_147, %swap3A_148], %mul3A_142 {strides = array<i32>} : memref<128x64xf32, #tpu.memory_space<vmem>>, vector<16xf32>,
      %mul3A_150 = arith.constant 4 : i32
      %mul3A_151 = arith.muli %add3A_117, %mul3A_150 : i32
      %add3A_152 = arith.constant 0 : i32
      %add3A_153 = arith.addi %mul3A_151, %add3A_152 : i32
      %get3A_154 = arith.index_cast %add3A_153 : i32 to index
      %get3A_155 = arith.constant 32 : index
      %get3A_156 = tpu.vector_load %arg8[%get3A_154, %get3A_155] {strides = array<i32>} : memref<128x64xf32, #tpu.memory_space<vmem>>, vector<16xf32>,
      %mul3A_157 = arith.constant 8.000000e+00 : f32
      %mul3A_158 = vector.broadcast %mul3A_157 : f32 to vector<16xf32>
      %mul3A_159 = arith.mulf %get3A_156, %mul3A_158 : vector<16xf32>
      %mul3A_160 = arith.constant 4 : i32
      %mul3A_161 = arith.muli %add3A_117, %mul3A_160 : i32
      %add3A_162 = arith.constant 0 : i32
      %add3A_163 = arith.addi %mul3A_161, %add3A_162 : i32
      %swap3A_164 = arith.index_cast %add3A_163 : i32 to index
      %swap3A_165 = arith.constant 32 : index
      %swap3A_166 = tpu.vector_load %arg8[%swap3A_164, %swap3A_165] {strides = array<i32>} : memref<128x64xf32, #tpu.memory_space<vmem>>, vector<16xf32>,
      tpu.vector_store %arg8[%swap3A_164, %swap3A_165], %mul3A_159 {strides = array<i32>} : memref<128x64xf32, #tpu.memory_space<vmem>>, vector<16xf32>,
      %mul3A_167 = arith.constant 4 : i32
      %mul3A_168 = arith.muli %add3A_117, %mul3A_167 : i32
      %add3A_169 = arith.constant 0 : i32
      %add3A_170 = arith.addi %mul3A_168, %add3A_169 : i32
      %get3A_171 = arith.index_cast %add3A_170 : i32 to index
      %get3A_172 = arith.constant 48 : index
      %get3A_173 = tpu.vector_load %arg8[%get3A_171, %get3A_172] {strides = array<i32>} : memref<128x64xf32, #tpu.memory_space<vmem>>, vector<16xf32>,
      %mul3A_174 = arith.constant 8.000000e+00 : f32
      %mul3A_175 = vector.broadcast %mul3A_174 : f32 to vector<16xf32>
      %mul3A_176 = arith.mulf %get3A_173, %mul3A_175 : vector<16xf32>
      %mul3A_177 = arith.constant 4 : i32
      %mul3A_178 = arith.muli %add3A_117, %mul3A_177 : i32
      %add3A_179 = arith.constant 0 : i32
      %add3A_180 = arith.addi %mul3A_178, %add3A_179 : i32
      %swap3A_181 = arith.index_cast %add3A_180 : i32 to index
      %swap3A_182 = arith.constant 48 : index
      %swap3A_183 = tpu.vector_load %arg8[%swap3A_181, %swap3A_182] {strides = array<i32>} : memref<128x64xf32, #tpu.memory_space<vmem>>, vector<16xf32>,
      tpu.vector_store %arg8[%swap3A_181, %swap3A_182], %mul3A_176 {strides = array<i32>} : memref<128x64xf32, #tpu.memory_space<vmem>>, vector<16xf32>,
      %mul3A_184 = arith.constant 4 : i32
      %mul3A_185 = arith.muli %add3A_117, %mul3A_184 : i32
      %add3A_186 = arith.constant 1 : i32
      %add3A_187 = arith.addi %mul3A_185, %add3A_186 : i32
      %get3A_188 = arith.index_cast %add3A_187 : i32 to index
      %get3A_189 = arith.constant 0 : index
      %get3A_190 = tpu.vector_load %arg8[%get3A_188, %get3A_189] {strides = array<i32>} : memref<128x64xf32, #tpu.memory_space<vmem>>, vector<16xf32>,
      %mul3A_191 = arith.constant 8.000000e+00 : f32
      %mul3A_192 = vector.broadcast %mul3A_191 : f32 to vector<16xf32>
      %mul3A_193 = arith.mulf %get3A_190, %mul3A_192 : vector<16xf32>
      %mul3A_194 = arith.constant 4 : i32
      %mul3A_195 = arith.muli %add3A_117, %mul3A_194 : i32
      %add3A_196 = arith.constant 1 : i32
      %add3A_197 = arith.addi %mul3A_195, %add3A_196 : i32
      %swap3A_198 = arith.index_cast %add3A_197 : i32 to index
      %swap3A_199 = arith.constant 0 : index
      %swap3A_200 = tpu.vector_load %arg8[%swap3A_198, %swap3A_199] {strides = array<i32>} : memref<128x64xf32, #tpu.memory_space<vmem>>, vector<16xf32>,
      tpu.vector_store %arg8[%swap3A_198, %swap3A_199], %mul3A_193 {strides = array<i32>} : memref<128x64xf32, #tpu.memory_space<vmem>>, vector<16xf32>,
      %mul3A_201 = arith.constant 4 : i32
      %mul3A_202 = arith.muli %add3A_117, %mul3A_201 : i32
      %add3A_203 = arith.constant 1 : i32
      %add3A_204 = arith.addi %mul3A_202, %add3A_203 : i32
      %get3A_205 = arith.index_cast %add3A_204 : i32 to index
      %get3A_206 = arith.constant 16 : index
      %get3A_207 = tpu.vector_load %arg8[%get3A_205, %get3A_206] {strides = array<i32>} : memref<128x64xf32, #tpu.memory_space<vmem>>, vector<16xf32>,
      %mul3A_208 = arith.constant 8.000000e+00 : f32
      %mul3A_209 = vector.broadcast %mul3A_208 : f32 to vector<16xf32>
      %mul3A_210 = arith.mulf %get3A_207, %mul3A_209 : vector<16xf32>
      %mul3A_211 = arith.constant 4 : i32
      %mul3A_212 = arith.muli %add3A_117, %mul3A_211 : i32
      %add3A_213 = arith.constant 1 : i32
      %add3A_214 = arith.addi %mul3A_212, %add3A_213 : i32
      %swap3A_215 = arith.index_cast %add3A_214 : i32 to index
      %swap3A_216 = arith.constant 16 : index
      %swap3A_217 = tpu.vector_load %arg8[%swap3A_215, %swap3A_216] {strides = array<i32>} : memref<128x64xf32, #tpu.memory_space<vmem>>, vector<16xf32>,
      tpu.vector_store %arg8[%swap3A_215, %swap3A_216], %mul3A_210 {strides = array<i32>} : memref<128x64xf32, #tpu.memory_space<vmem>>, vector<16xf32>,
      %mul3A_218 = arith.constant 4 : i32
      %mul3A_219 = arith.muli %add3A_117, %mul3A_218 : i32
      %add3A_220 = arith.constant 1 : i32
      %add3A_221 = arith.addi %mul3A_219, %add3A_220 : i32
      %get3A_222 = arith.index_cast %add3A_221 : i32 to index
      %get3A_223 = arith.constant 32 : index
      %get3A_224 = tpu.vector_load %arg8[%get3A_222, %get3A_223] {strides = array<i32>} : memref<128x64xf32, #tpu.memory_space<vmem>>, vector<16xf32>,
      %mul3A_225 = arith.constant 8.000000e+00 : f32
      %mul3A_226 = vector.broadcast %mul3A_225 : f32 to vector<16xf32>
      %mul3A_227 = arith.mulf %get3A_224, %mul3A_226 : vector<16xf32>
      %mul3A_228 = arith.constant 4 : i32
      %mul3A_229 = arith.muli %add3A_117, %mul3A_228 : i32
      %add3A_230 = arith.constant 1 : i32
      %add3A_231 = arith.addi %mul3A_229, %add3A_230 : i32
      %swap3A_232 = arith.index_cast %add3A_231 : i32 to index
      %swap3A_233 = arith.constant 32 : index
      %swap3A_234 = tpu.vector_load %arg8[%swap3A_232, %swap3A_233] {strides = array<i32>} : memref<128x64xf32, #tpu.memory_space<vmem>>, vector<16xf32>,
      tpu.vector_store %arg8[%swap3A_232, %swap3A_233], %mul3A_227 {strides = array<i32>} : memref<128x64xf32, #tpu.memory_space<vmem>>, vector<16xf32>,
      %mul3A_235 = arith.constant 4 : i32
      %mul3A_236 = arith.muli %add3A_117, %mul3A_235 : i32
      %add3A_237 = arith.constant 1 : i32
      %add3A_238 = arith.addi %mul3A_236, %add3A_237 : i32
      %get3A_239 = arith.index_cast %add3A_238 : i32 to index
      %get3A_240 = arith.constant 48 : index
      %get3A_241 = tpu.vector_load %arg8[%get3A_239, %get3A_240] {strides = array<i32>} : memref<128x64xf32, #tpu.memory_space<vmem>>, vector<16xf32>,
      %mul3A_242 = arith.constant 8.000000e+00 : f32
      %mul3A_243 = vector.broadcast %mul3A_242 : f32 to vector<16xf32>
      %mul3A_244 = arith.mulf %get3A_241, %mul3A_243 : vector<16xf32>
      %mul3A_245 = arith.constant 4 : i32
      %mul3A_246 = arith.muli %add3A_117, %mul3A_245 : i32
      %add3A_247 = arith.constant 1 : i32
      %add3A_248 = arith.addi %mul3A_246, %add3A_247 : i32
      %swap3A_249 = arith.index_cast %add3A_248 : i32 to index
      %swap3A_250 = arith.constant 48 : index
      %swap3A_251 = tpu.vector_load %arg8[%swap3A_249, %swap3A_250] {strides = array<i32>} : memref<128x64xf32, #tpu.memory_space<vmem>>, vector<16xf32>,
      tpu.vector_store %arg8[%swap3A_249, %swap3A_250], %mul3A_244 {strides = array<i32>} : memref<128x64xf32, #tpu.memory_space<vmem>>, vector<16xf32>,
      %mul3A_252 = arith.constant 4 : i32
      %mul3A_253 = arith.muli %add3A_117, %mul3A_252 : i32
      %add3A_254 = arith.constant 2 : i32
      %add3A_255 = arith.addi %mul3A_253, %add3A_254 : i32
      %get3A_256 = arith.index_cast %add3A_255 : i32 to index
      %get3A_257 = arith.constant 0 : index
      %get3A_258 = tpu.vector_load %arg8[%get3A_256, %get3A_257] {strides = array<i32>} : memref<128x64xf32, #tpu.memory_space<vmem>>, vector<16xf32>,
      %mul3A_259 = arith.constant 8.000000e+00 : f32
      %mul3A_260 = vector.broadcast %mul3A_259 : f32 to vector<16xf32>
      %mul3A_261 = arith.mulf %get3A_258, %mul3A_260 : vector<16xf32>
      %mul3A_262 = arith.constant 4 : i32
      %mul3A_263 = arith.muli %add3A_117, %mul3A_262 : i32
      %add3A_264 = arith.constant 2 : i32
      %add3A_265 = arith.addi %mul3A_263, %add3A_264 : i32
      %swap3A_266 = arith.index_cast %add3A_265 : i32 to index
      %swap3A_267 = arith.constant 0 : index
      %swap3A_268 = tpu.vector_load %arg8[%swap3A_266, %swap3A_267] {strides = array<i32>} : memref<128x64xf32, #tpu.memory_space<vmem>>, vector<16xf32>,
      tpu.vector_store %arg8[%swap3A_266, %swap3A_267], %mul3A_261 {strides = array<i32>} : memref<128x64xf32, #tpu.memory_space<vmem>>, vector<16xf32>,
      %mul3A_269 = arith.constant 4 : i32
      %mul3A_270 = arith.muli %add3A_117, %mul3A_269 : i32
      %add3A_271 = arith.constant 2 : i32
      %add3A_272 = arith.addi %mul3A_270, %add3A_271 : i32
      %get3A_273 = arith.index_cast %add3A_272 : i32 to index
      %get3A_274 = arith.constant 16 : index
      %get3A_275 = tpu.vector_load %arg8[%get3A_273, %get3A_274] {strides = array<i32>} : memref<128x64xf32, #tpu.memory_space<vmem>>, vector<16xf32>,
      %mul3A_276 = arith.constant 8.000000e+00 : f32
      %mul3A_277 = vector.broadcast %mul3A_276 : f32 to vector<16xf32>
      %mul3A_278 = arith.mulf %get3A_275, %mul3A_277 : vector<16xf32>
      %mul3A_279 = arith.constant 4 : i32
      %mul3A_280 = arith.muli %add3A_117, %mul3A_279 : i32
      %add3A_281 = arith.constant 2 : i32
      %add3A_282 = arith.addi %mul3A_280, %add3A_281 : i32
      %swap3A_283 = arith.index_cast %add3A_282 : i32 to index
      %swap3A_284 = arith.constant 16 : index
      %swap3A_285 = tpu.vector_load %arg8[%swap3A_283, %swap3A_284] {strides = array<i32>} : memref<128x64xf32, #tpu.memory_space<vmem>>, vector<16xf32>,
      tpu.vector_store %arg8[%swap3A_283, %swap3A_284], %mul3A_278 {strides = array<i32>} : memref<128x64xf32, #tpu.memory_space<vmem>>, vector<16xf32>,
      %mul3A_286 = arith.constant 4 : i32
      %mul3A_287 = arith.muli %add3A_117, %mul3A_286 : i32
      %add3A_288 = arith.constant 2 : i32
      %add3A_289 = arith.addi %mul3A_287, %add3A_288 : i32
      %get3A_290 = arith.index_cast %add3A_289 : i32 to index
      %get3A_291 = arith.constant 32 : index
      %get3A_292 = tpu.vector_load %arg8[%get3A_290, %get3A_291] {strides = array<i32>} : memref<128x64xf32, #tpu.memory_space<vmem>>, vector<16xf32>,
      %mul3A_293 = arith.constant 8.000000e+00 : f32
      %mul3A_294 = vector.broadcast %mul3A_293 : f32 to vector<16xf32>
      %mul3A_295 = arith.mulf %get3A_292, %mul3A_294 : vector<16xf32>
      %mul3A_296 = arith.constant 4 : i32
      %mul3A_297 = arith.muli %add3A_117, %mul3A_296 : i32
      %add3A_298 = arith.constant 2 : i32
      %add3A_299 = arith.addi %mul3A_297, %add3A_298 : i32
      %swap3A_300 = arith.index_cast %add3A_299 : i32 to index
      %swap3A_301 = arith.constant 32 : index
      %swap3A_302 = tpu.vector_load %arg8[%swap3A_300, %swap3A_301] {strides = array<i32>} : memref<128x64xf32, #tpu.memory_space<vmem>>, vector<16xf32>,
      tpu.vector_store %arg8[%swap3A_300, %swap3A_301], %mul3A_295 {strides = array<i32>} : memref<128x64xf32, #tpu.memory_space<vmem>>, vector<16xf32>,
      %mul3A_303 = arith.constant 4 : i32
      %mul3A_304 = arith.muli %add3A_117, %mul3A_303 : i32
      %add3A_305 = arith.constant 2 : i32
      %add3A_306 = arith.addi %mul3A_304, %add3A_305 : i32
      %get3A_307 = arith.index_cast %add3A_306 : i32 to index
      %get3A_308 = arith.constant 48 : index
      %get3A_309 = tpu.vector_load %arg8[%get3A_307, %get3A_308] {strides = array<i32>} : memref<128x64xf32, #tpu.memory_space<vmem>>, vector<16xf32>,
      %mul3A_310 = arith.constant 8.000000e+00 : f32
      %mul3A_311 = vector.broadcast %mul3A_310 : f32 to vector<16xf32>
      %mul3A_312 = arith.mulf %get3A_309, %mul3A_311 : vector<16xf32>
      %mul3A_313 = arith.constant 4 : i32
      %mul3A_314 = arith.muli %add3A_117, %mul3A_313 : i32
      %add3A_315 = arith.constant 2 : i32
      %add3A_316 = arith.addi %mul3A_314, %add3A_315 : i32
      %swap3A_317 = arith.index_cast %add3A_316 : i32 to index
      %swap3A_318 = arith.constant 48 : index
      %swap3A_319 = tpu.vector_load %arg8[%swap3A_317, %swap3A_318] {strides = array<i32>} : memref<128x64xf32, #tpu.memory_space<vmem>>, vector<16xf32>,
      tpu.vector_store %arg8[%swap3A_317, %swap3A_318], %mul3A_312 {strides = array<i32>} : memref<128x64xf32, #tpu.memory_space<vmem>>, vector<16xf32>,
      %mul3A_320 = arith.constant 4 : i32
      %mul3A_321 = arith.muli %add3A_117, %mul3A_320 : i32
      %add3A_322 = arith.constant 3 : i32
      %add3A_323 = arith.addi %mul3A_321, %add3A_322 : i32
      %get3A_324 = arith.index_cast %add3A_323 : i32 to index
      %get3A_325 = arith.constant 0 : index
      %get3A_326 = tpu.vector_load %arg8[%get3A_324, %get3A_325] {strides = array<i32>} : memref<128x64xf32, #tpu.memory_space<vmem>>, vector<16xf32>,
      %mul3A_327 = arith.constant 8.000000e+00 : f32
      %mul3A_328 = vector.broadcast %mul3A_327 : f32 to vector<16xf32>
      %mul3A_329 = arith.mulf %get3A_326, %mul3A_328 : vector<16xf32>
      %mul3A_330 = arith.constant 4 : i32
      %mul3A_331 = arith.muli %add3A_117, %mul3A_330 : i32
      %add3A_332 = arith.constant 3 : i32
      %add3A_333 = arith.addi %mul3A_331, %add3A_332 : i32
      %swap3A_334 = arith.index_cast %add3A_333 : i32 to index
      %swap3A_335 = arith.constant 0 : index
      %swap3A_336 = tpu.vector_load %arg8[%swap3A_334, %swap3A_335] {strides = array<i32>} : memref<128x64xf32, #tpu.memory_space<vmem>>, vector<16xf32>,
      tpu.vector_store %arg8[%swap3A_334, %swap3A_335], %mul3A_329 {strides = array<i32>} : memref<128x64xf32, #tpu.memory_space<vmem>>, vector<16xf32>,
      %mul3A_337 = arith.constant 4 : i32
      %mul3A_338 = arith.muli %add3A_117, %mul3A_337 : i32
      %add3A_339 = arith.constant 3 : i32
      %add3A_340 = arith.addi %mul3A_338, %add3A_339 : i32
      %get3A_341 = arith.index_cast %add3A_340 : i32 to index
      %get3A_342 = arith.constant 16 : index
      %get3A_343 = tpu.vector_load %arg8[%get3A_341, %get3A_342] {strides = array<i32>} : memref<128x64xf32, #tpu.memory_space<vmem>>, vector<16xf32>,
      %mul3A_344 = arith.constant 8.000000e+00 : f32
      %mul3A_345 = vector.broadcast %mul3A_344 : f32 to vector<16xf32>
      %mul3A_346 = arith.mulf %get3A_343, %mul3A_345 : vector<16xf32>
      %mul3A_347 = arith.constant 4 : i32
      %mul3A_348 = arith.muli %add3A_117, %mul3A_347 : i32
      %add3A_349 = arith.constant 3 : i32
      %add3A_350 = arith.addi %mul3A_348, %add3A_349 : i32
      %swap3A_351 = arith.index_cast %add3A_350 : i32 to index
      %swap3A_352 = arith.constant 16 : index
      %swap3A_353 = tpu.vector_load %arg8[%swap3A_351, %swap3A_352] {strides = array<i32>} : memref<128x64xf32, #tpu.memory_space<vmem>>, vector<16xf32>,
      tpu.vector_store %arg8[%swap3A_351, %swap3A_352], %mul3A_346 {strides = array<i32>} : memref<128x64xf32, #tpu.memory_space<vmem>>, vector<16xf32>,
      %mul3A_354 = arith.constant 4 : i32
      %mul3A_355 = arith.muli %add3A_117, %mul3A_354 : i32
      %add3A_356 = arith.constant 3 : i32
      %add3A_357 = arith.addi %mul3A_355, %add3A_356 : i32
      %get3A_358 = arith.index_cast %add3A_357 : i32 to index
      %get3A_359 = arith.constant 32 : index
      %get3A_360 = tpu.vector_load %arg8[%get3A_358, %get3A_359] {strides = array<i32>} : memref<128x64xf32, #tpu.memory_space<vmem>>, vector<16xf32>,
      %mul3A_361 = arith.constant 8.000000e+00 : f32
      %mul3A_362 = vector.broadcast %mul3A_361 : f32 to vector<16xf32>
      %mul3A_363 = arith.mulf %get3A_360, %mul3A_362 : vector<16xf32>
      %mul3A_364 = arith.constant 4 : i32
      %mul3A_365 = arith.muli %add3A_117, %mul3A_364 : i32
      %add3A_366 = arith.constant 3 : i32
      %add3A_367 = arith.addi %mul3A_365, %add3A_366 : i32
      %swap3A_368 = arith.index_cast %add3A_367 : i32 to index
      %swap3A_369 = arith.constant 32 : index
      %swap3A_370 = tpu.vector_load %arg8[%swap3A_368, %swap3A_369] {strides = array<i32>} : memref<128x64xf32, #tpu.memory_space<vmem>>, vector<16xf32>,
      tpu.vector_store %arg8[%swap3A_368, %swap3A_369], %mul3A_363 {strides = array<i32>} : memref<128x64xf32, #tpu.memory_space<vmem>>, vector<16xf32>,
      %mul3A_371 = arith.constant 4 : i32
      %mul3A_372 = arith.muli %add3A_117, %mul3A_371 : i32
      %add3A_373 = arith.constant 3 : i32
      %add3A_374 = arith.addi %mul3A_372, %add3A_373 : i32
      %get3A_375 = arith.index_cast %add3A_374 : i32 to index
      %get3A_376 = arith.constant 48 : index
      %get3A_377 = tpu.vector_load %arg8[%get3A_375, %get3A_376] {strides = array<i32>} : memref<128x64xf32, #tpu.memory_space<vmem>>, vector<16xf32>,
      %mul3A_378 = arith.constant 8.000000e+00 : f32
      %mul3A_379 = vector.broadcast %mul3A_378 : f32 to vector<16xf32>
      %mul3A_380 = arith.mulf %get3A_377, %mul3A_379 : vector<16xf32>
      %mul3A_381 = arith.constant 4 : i32
      %mul3A_382 = arith.muli %add3A_117, %mul3A_381 : i32
      %add3A_383 = arith.constant 3 : i32
      %add3A_384 = arith.addi %mul3A_382, %add3A_383 : i32
      %swap3A_385 = arith.index_cast %add3A_384 : i32 to index
      %swap3A_386 = arith.constant 48 : index
      %swap3A_387 = tpu.vector_load %arg8[%swap3A_385, %swap3A_386] {strides = array<i32>} : memref<128x64xf32, #tpu.memory_space<vmem>>, vector<16xf32>,
      tpu.vector_store %arg8[%swap3A_385, %swap3A_386], %mul3A_380 {strides = array<i32>} : memref<128x64xf32, #tpu.memory_space<vmem>>, vector<16xf32>,
    }
    %scan3A_78 = arith.constant 32 : i32
    %add3A_79 = arith.constant 25344 : i32
    %add3A_80 = arith.addi %mul3A_2, %add3A_79 : i32
    %dma_start3A_81 = arith.constant 0 : i32
    %dma_start3A_82 = tpu.memref_slice %arg4[%add3A_80, %dma_start3A_81] : memref<819200x64xf32, #tpu.memory_space<hbm>> -> memref<128x64xf32, #tpu.memory_space<hbm>>
    %dma_start3A_83 = arith.constant 0 : i32
    %dma_start3A_84 = tpu.memref_slice %arg4[%add3A_80, %dma_start3A_83] : memref<819200x64xf32, #tpu.memory_space<hbm>> -> memref<128x64xf32, #tpu.memory_space<hbm>>
    tpu.enqueue_dma source(%arg8 : memref<128x64xf32, #tpu.memory_space<vmem>>) target(%dma_start3A_84 : memref<128x64xf32, #tpu.memory_space<hbm>>) target_semaphore(%arg16 : memref<!tpu.dma_semaphore, #tpu.memory_space<semaphore_mem>>)
    %add3A_85 = arith.constant 25344 : i32
    %add3A_86 = arith.addi %mul3A_2, %add3A_85 : i32
    %dma_wait3A_87 = arith.constant 0 : i32
    %dma_wait3A_88 = tpu.memref_slice %arg4[%add3A_86, %dma_wait3A_87] : memref<819200x64xf32, #tpu.memory_space<hbm>> -> memref<128x64xf32, #tpu.memory_space<hbm>>
    %dma_wait3A_89 = arith.constant 0 : i32
    %dma_wait3A_90 = tpu.memref_slice %arg4[%add3A_86, %dma_wait3A_89] : memref<819200x64xf32, #tpu.memory_space<hbm>> -> memref<128x64xf32, #tpu.memory_space<hbm>>
    tpu.wait_dma2 semaphore(%arg16 : memref<!tpu.dma_semaphore, #tpu.memory_space<semaphore_mem>>) src(%arg8 : memref<128x64xf32, #tpu.memory_space<vmem>>) dst(%dma_wait3A_90 : memref<128x64xf32, #tpu.memory_space<hbm>>)
    %dma_wait3A_91 = arith.constant 25472 : i32
    %dma_wait3A_92 = tpu.memref_slice %arg5[%dma_wait3A_91] : memref<25600xi32, #tpu.memory_space<vmem>> -> memref<128xi32, #tpu.memory_space<vmem>>
    %dma_wait3A_93 = arith.constant 0 : i32
    %dma_wait3A_94 = arith.constant 0 : i32
    %dma_wait3A_95 = tpu.memref_slice %arg3[%dma_wait3A_93, %dma_wait3A_94] : memref<1000000x64xf32, #tpu.memory_space<hbm>> -> memref<1000000x64xf32, #tpu.memory_space<hbm>>
    tpu.wait_indirect_dma semaphore(%arg13 : memref<!tpu.dma_semaphore, #tpu.memory_space<semaphore_mem>>) src(%dma_wait3A_95 : memref<1000000x64xf32, #tpu.memory_space<hbm>>) dst(%arg9 : memref<128x64xf32, #tpu.memory_space<vmem>>)
    %scan3A_96 = arith.constant 0 : i32
    %scan3A_97 = arith.constant 32 : i32
    %scan3A_98 = arith.addi %scan3A_96, %scan3A_97 : i32
    %scan3A_99 = arith.constant 1 : i32
    scf.for %scan3A_113 = %scan3A_96 to %scan3A_98 step %scan3A_99  : i32 {
      %mul3A_114 = arith.constant 1 : i32
      %mul3A_115 = arith.muli %scan3A_113, %mul3A_114 : i32
      %add3A_116 = arith.constant 0 : i32
      %add3A_117 = arith.addi %add3A_116, %mul3A_115 : i32
      %mul3A_118 = arith.constant 4 : i32
      %mul3A_119 = arith.muli %add3A_117, %mul3A_118 : i32
      %add3A_120 = arith.constant 0 : i32
      %add3A_121 = arith.addi %mul3A_119, %add3A_120 : i32
      %get3A = arith.index_cast %add3A_121 : i32 to index
      %get3A_122 = arith.constant 0 : index
      %get3A_123 = tpu.vector_load %arg9[%get3A, %get3A_122] {strides = array<i32>} : memref<128x64xf32, #tpu.memory_space<vmem>>, vector<16xf32>,
      %mul3A_124 = arith.constant 8.000000e+00 : f32
      %mul3A_125 = vector.broadcast %mul3A_124 : f32 to vector<16xf32>
      %mul3A_126 = arith.mulf %get3A_123, %mul3A_125 : vector<16xf32>
      %mul3A_127 = arith.constant 4 : i32
      %mul3A_128 = arith.muli %add3A_117, %mul3A_127 : i32
      %add3A_129 = arith.constant 0 : i32
      %add3A_130 = arith.addi %mul3A_128, %add3A_129 : i32
      %swap3A = arith.index_cast %add3A_130 : i32 to index
      %swap3A_131 = arith.constant 0 : index
      %swap3A_132 = tpu.vector_load %arg9[%swap3A, %swap3A_131] {strides = array<i32>} : memref<128x64xf32, #tpu.memory_space<vmem>>, vector<16xf32>,
      tpu.vector_store %arg9[%swap3A, %swap3A_131], %mul3A_126 {strides = array<i32>} : memref<128x64xf32, #tpu.memory_space<vmem>>, vector<16xf32>,
      %mul3A_133 = arith.constant 4 : i32
      %mul3A_134 = arith.muli %add3A_117, %mul3A_133 : i32
      %add3A_135 = arith.constant 0 : i32
      %add3A_136 = arith.addi %mul3A_134, %add3A_135 : i32
      %get3A_137 = arith.index_cast %add3A_136 : i32 to index
      %get3A_138 = arith.constant 16 : index
      %get3A_139 = tpu.vector_load %arg9[%get3A_137, %get3A_138] {strides = array<i32>} : memref<128x64xf32, #tpu.memory_space<vmem>>, vector<16xf32>,
      %mul3A_140 = arith.constant 8.000000e+00 : f32
      %mul3A_141 = vector.broadcast %mul3A_140 : f32 to vector<16xf32>
      %mul3A_142 = arith.mulf %get3A_139, %mul3A_141 : vector<16xf32>
      %mul3A_143 = arith.constant 4 : i32
      %mul3A_144 = arith.muli %add3A_117, %mul3A_143 : i32
      %add3A_145 = arith.constant 0 : i32
      %add3A_146 = arith.addi %mul3A_144, %add3A_145 : i32
      %swap3A_147 = arith.index_cast %add3A_146 : i32 to index
      %swap3A_148 = arith.constant 16 : index
      %swap3A_149 = tpu.vector_load %arg9[%swap3A_147, %swap3A_148] {strides = array<i32>} : memref<128x64xf32, #tpu.memory_space<vmem>>, vector<16xf32>,
      tpu.vector_store %arg9[%swap3A_147, %swap3A_148], %mul3A_142 {strides = array<i32>} : memref<128x64xf32, #tpu.memory_space<vmem>>, vector<16xf32>,
      %mul3A_150 = arith.constant 4 : i32
      %mul3A_151 = arith.muli %add3A_117, %mul3A_150 : i32
      %add3A_152 = arith.constant 0 : i32
      %add3A_153 = arith.addi %mul3A_151, %add3A_152 : i32
      %get3A_154 = arith.index_cast %add3A_153 : i32 to index
      %get3A_155 = arith.constant 32 : index
      %get3A_156 = tpu.vector_load %arg9[%get3A_154, %get3A_155] {strides = array<i32>} : memref<128x64xf32, #tpu.memory_space<vmem>>, vector<16xf32>,
      %mul3A_157 = arith.constant 8.000000e+00 : f32
      %mul3A_158 = vector.broadcast %mul3A_157 : f32 to vector<16xf32>
      %mul3A_159 = arith.mulf %get3A_156, %mul3A_158 : vector<16xf32>
      %mul3A_160 = arith.constant 4 : i32
      %mul3A_161 = arith.muli %add3A_117, %mul3A_160 : i32
      %add3A_162 = arith.constant 0 : i32
      %add3A_163 = arith.addi %mul3A_161, %add3A_162 : i32
      %swap3A_164 = arith.index_cast %add3A_163 : i32 to index
      %swap3A_165 = arith.constant 32 : index
      %swap3A_166 = tpu.vector_load %arg9[%swap3A_164, %swap3A_165] {strides = array<i32>} : memref<128x64xf32, #tpu.memory_space<vmem>>, vector<16xf32>,
      tpu.vector_store %arg9[%swap3A_164, %swap3A_165], %mul3A_159 {strides = array<i32>} : memref<128x64xf32, #tpu.memory_space<vmem>>, vector<16xf32>,
      %mul3A_167 = arith.constant 4 : i32
      %mul3A_168 = arith.muli %add3A_117, %mul3A_167 : i32
      %add3A_169 = arith.constant 0 : i32
      %add3A_170 = arith.addi %mul3A_168, %add3A_169 : i32
      %get3A_171 = arith.index_cast %add3A_170 : i32 to index
      %get3A_172 = arith.constant 48 : index
      %get3A_173 = tpu.vector_load %arg9[%get3A_171, %get3A_172] {strides = array<i32>} : memref<128x64xf32, #tpu.memory_space<vmem>>, vector<16xf32>,
      %mul3A_174 = arith.constant 8.000000e+00 : f32
      %mul3A_175 = vector.broadcast %mul3A_174 : f32 to vector<16xf32>
      %mul3A_176 = arith.mulf %get3A_173, %mul3A_175 : vector<16xf32>
      %mul3A_177 = arith.constant 4 : i32
      %mul3A_178 = arith.muli %add3A_117, %mul3A_177 : i32
      %add3A_179 = arith.constant 0 : i32
      %add3A_180 = arith.addi %mul3A_178, %add3A_179 : i32
      %swap3A_181 = arith.index_cast %add3A_180 : i32 to index
      %swap3A_182 = arith.constant 48 : index
      %swap3A_183 = tpu.vector_load %arg9[%swap3A_181, %swap3A_182] {strides = array<i32>} : memref<128x64xf32, #tpu.memory_space<vmem>>, vector<16xf32>,
      tpu.vector_store %arg9[%swap3A_181, %swap3A_182], %mul3A_176 {strides = array<i32>} : memref<128x64xf32, #tpu.memory_space<vmem>>, vector<16xf32>,
      %mul3A_184 = arith.constant 4 : i32
      %mul3A_185 = arith.muli %add3A_117, %mul3A_184 : i32
      %add3A_186 = arith.constant 1 : i32
      %add3A_187 = arith.addi %mul3A_185, %add3A_186 : i32
      %get3A_188 = arith.index_cast %add3A_187 : i32 to index
      %get3A_189 = arith.constant 0 : index
      %get3A_190 = tpu.vector_load %arg9[%get3A_188, %get3A_189] {strides = array<i32>} : memref<128x64xf32, #tpu.memory_space<vmem>>, vector<16xf32>,
      %mul3A_191 = arith.constant 8.000000e+00 : f32
      %mul3A_192 = vector.broadcast %mul3A_191 : f32 to vector<16xf32>
      %mul3A_193 = arith.mulf %get3A_190, %mul3A_192 : vector<16xf32>
      %mul3A_194 = arith.constant 4 : i32
      %mul3A_195 = arith.muli %add3A_117, %mul3A_194 : i32
      %add3A_196 = arith.constant 1 : i32
      %add3A_197 = arith.addi %mul3A_195, %add3A_196 : i32
      %swap3A_198 = arith.index_cast %add3A_197 : i32 to index
      %swap3A_199 = arith.constant 0 : index
      %swap3A_200 = tpu.vector_load %arg9[%swap3A_198, %swap3A_199] {strides = array<i32>} : memref<128x64xf32, #tpu.memory_space<vmem>>, vector<16xf32>,
      tpu.vector_store %arg9[%swap3A_198, %swap3A_199], %mul3A_193 {strides = array<i32>} : memref<128x64xf32, #tpu.memory_space<vmem>>, vector<16xf32>,
      %mul3A_201 = arith.constant 4 : i32
      %mul3A_202 = arith.muli %add3A_117, %mul3A_201 : i32
      %add3A_203 = arith.constant 1 : i32
      %add3A_204 = arith.addi %mul3A_202, %add3A_203 : i32
      %get3A_205 = arith.index_cast %add3A_204 : i32 to index
      %get3A_206 = arith.constant 16 : index
      %get3A_207 = tpu.vector_load %arg9[%get3A_205, %get3A_206] {strides = array<i32>} : memref<128x64xf32, #tpu.memory_space<vmem>>, vector<16xf32>,
      %mul3A_208 = arith.constant 8.000000e+00 : f32
      %mul3A_209 = vector.broadcast %mul3A_208 : f32 to vector<16xf32>
      %mul3A_210 = arith.mulf %get3A_207, %mul3A_209 : vector<16xf32>
      %mul3A_211 = arith.constant 4 : i32
      %mul3A_212 = arith.muli %add3A_117, %mul3A_211 : i32
      %add3A_213 = arith.constant 1 : i32
      %add3A_214 = arith.addi %mul3A_212, %add3A_213 : i32
      %swap3A_215 = arith.index_cast %add3A_214 : i32 to index
      %swap3A_216 = arith.constant 16 : index
      %swap3A_217 = tpu.vector_load %arg9[%swap3A_215, %swap3A_216] {strides = array<i32>} : memref<128x64xf32, #tpu.memory_space<vmem>>, vector<16xf32>,
      tpu.vector_store %arg9[%swap3A_215, %swap3A_216], %mul3A_210 {strides = array<i32>} : memref<128x64xf32, #tpu.memory_space<vmem>>, vector<16xf32>,
      %mul3A_218 = arith.constant 4 : i32
      %mul3A_219 = arith.muli %add3A_117, %mul3A_218 : i32
      %add3A_220 = arith.constant 1 : i32
      %add3A_221 = arith.addi %mul3A_219, %add3A_220 : i32
      %get3A_222 = arith.index_cast %add3A_221 : i32 to index
      %get3A_223 = arith.constant 32 : index
      %get3A_224 = tpu.vector_load %arg9[%get3A_222, %get3A_223] {strides = array<i32>} : memref<128x64xf32, #tpu.memory_space<vmem>>, vector<16xf32>,
      %mul3A_225 = arith.constant 8.000000e+00 : f32
      %mul3A_226 = vector.broadcast %mul3A_225 : f32 to vector<16xf32>
      %mul3A_227 = arith.mulf %get3A_224, %mul3A_226 : vector<16xf32>
      %mul3A_228 = arith.constant 4 : i32
      %mul3A_229 = arith.muli %add3A_117, %mul3A_228 : i32
      %add3A_230 = arith.constant 1 : i32
      %add3A_231 = arith.addi %mul3A_229, %add3A_230 : i32
      %swap3A_232 = arith.index_cast %add3A_231 : i32 to index
      %swap3A_233 = arith.constant 32 : index
      %swap3A_234 = tpu.vector_load %arg9[%swap3A_232, %swap3A_233] {strides = array<i32>} : memref<128x64xf32, #tpu.memory_space<vmem>>, vector<16xf32>,
      tpu.vector_store %arg9[%swap3A_232, %swap3A_233], %mul3A_227 {strides = array<i32>} : memref<128x64xf32, #tpu.memory_space<vmem>>, vector<16xf32>,
      %mul3A_235 = arith.constant 4 : i32
      %mul3A_236 = arith.muli %add3A_117, %mul3A_235 : i32
      %add3A_237 = arith.constant 1 : i32
      %add3A_238 = arith.addi %mul3A_236, %add3A_237 : i32
      %get3A_239 = arith.index_cast %add3A_238 : i32 to index
      %get3A_240 = arith.constant 48 : index
      %get3A_241 = tpu.vector_load %arg9[%get3A_239, %get3A_240] {strides = array<i32>} : memref<128x64xf32, #tpu.memory_space<vmem>>, vector<16xf32>,
      %mul3A_242 = arith.constant 8.000000e+00 : f32
      %mul3A_243 = vector.broadcast %mul3A_242 : f32 to vector<16xf32>
      %mul3A_244 = arith.mulf %get3A_241, %mul3A_243 : vector<16xf32>
      %mul3A_245 = arith.constant 4 : i32
      %mul3A_246 = arith.muli %add3A_117, %mul3A_245 : i32
      %add3A_247 = arith.constant 1 : i32
      %add3A_248 = arith.addi %mul3A_246, %add3A_247 : i32
      %swap3A_249 = arith.index_cast %add3A_248 : i32 to index
      %swap3A_250 = arith.constant 48 : index
      %swap3A_251 = tpu.vector_load %arg9[%swap3A_249, %swap3A_250] {strides = array<i32>} : memref<128x64xf32, #tpu.memory_space<vmem>>, vector<16xf32>,
      tpu.vector_store %arg9[%swap3A_249, %swap3A_250], %mul3A_244 {strides = array<i32>} : memref<128x64xf32, #tpu.memory_space<vmem>>, vector<16xf32>,
      %mul3A_252 = arith.constant 4 : i32
      %mul3A_253 = arith.muli %add3A_117, %mul3A_252 : i32
      %add3A_254 = arith.constant 2 : i32
      %add3A_255 = arith.addi %mul3A_253, %add3A_254 : i32
      %get3A_256 = arith.index_cast %add3A_255 : i32 to index
      %get3A_257 = arith.constant 0 : index
      %get3A_258 = tpu.vector_load %arg9[%get3A_256, %get3A_257] {strides = array<i32>} : memref<128x64xf32, #tpu.memory_space<vmem>>, vector<16xf32>,
      %mul3A_259 = arith.constant 8.000000e+00 : f32
      %mul3A_260 = vector.broadcast %mul3A_259 : f32 to vector<16xf32>
      %mul3A_261 = arith.mulf %get3A_258, %mul3A_260 : vector<16xf32>
      %mul3A_262 = arith.constant 4 : i32
      %mul3A_263 = arith.muli %add3A_117, %mul3A_262 : i32
      %add3A_264 = arith.constant 2 : i32
      %add3A_265 = arith.addi %mul3A_263, %add3A_264 : i32
      %swap3A_266 = arith.index_cast %add3A_265 : i32 to index
      %swap3A_267 = arith.constant 0 : index
      %swap3A_268 = tpu.vector_load %arg9[%swap3A_266, %swap3A_267] {strides = array<i32>} : memref<128x64xf32, #tpu.memory_space<vmem>>, vector<16xf32>,
      tpu.vector_store %arg9[%swap3A_266, %swap3A_267], %mul3A_261 {strides = array<i32>} : memref<128x64xf32, #tpu.memory_space<vmem>>, vector<16xf32>,
      %mul3A_269 = arith.constant 4 : i32
      %mul3A_270 = arith.muli %add3A_117, %mul3A_269 : i32
      %add3A_271 = arith.constant 2 : i32
      %add3A_272 = arith.addi %mul3A_270, %add3A_271 : i32
      %get3A_273 = arith.index_cast %add3A_272 : i32 to index
      %get3A_274 = arith.constant 16 : index
      %get3A_275 = tpu.vector_load %arg9[%get3A_273, %get3A_274] {strides = array<i32>} : memref<128x64xf32, #tpu.memory_space<vmem>>, vector<16xf32>,
      %mul3A_276 = arith.constant 8.000000e+00 : f32
      %mul3A_277 = vector.broadcast %mul3A_276 : f32 to vector<16xf32>
      %mul3A_278 = arith.mulf %get3A_275, %mul3A_277 : vector<16xf32>
      %mul3A_279 = arith.constant 4 : i32
      %mul3A_280 = arith.muli %add3A_117, %mul3A_279 : i32
      %add3A_281 = arith.constant 2 : i32
      %add3A_282 = arith.addi %mul3A_280, %add3A_281 : i32
      %swap3A_283 = arith.index_cast %add3A_282 : i32 to index
      %swap3A_284 = arith.constant 16 : index
      %swap3A_285 = tpu.vector_load %arg9[%swap3A_283, %swap3A_284] {strides = array<i32>} : memref<128x64xf32, #tpu.memory_space<vmem>>, vector<16xf32>,
      tpu.vector_store %arg9[%swap3A_283, %swap3A_284], %mul3A_278 {strides = array<i32>} : memref<128x64xf32, #tpu.memory_space<vmem>>, vector<16xf32>,
      %mul3A_286 = arith.constant 4 : i32
      %mul3A_287 = arith.muli %add3A_117, %mul3A_286 : i32
      %add3A_288 = arith.constant 2 : i32
      %add3A_289 = arith.addi %mul3A_287, %add3A_288 : i32
      %get3A_290 = arith.index_cast %add3A_289 : i32 to index
      %get3A_291 = arith.constant 32 : index
      %get3A_292 = tpu.vector_load %arg9[%get3A_290, %get3A_291] {strides = array<i32>} : memref<128x64xf32, #tpu.memory_space<vmem>>, vector<16xf32>,
      %mul3A_293 = arith.constant 8.000000e+00 : f32
      %mul3A_294 = vector.broadcast %mul3A_293 : f32 to vector<16xf32>
      %mul3A_295 = arith.mulf %get3A_292, %mul3A_294 : vector<16xf32>
      %mul3A_296 = arith.constant 4 : i32
      %mul3A_297 = arith.muli %add3A_117, %mul3A_296 : i32
      %add3A_298 = arith.constant 2 : i32
      %add3A_299 = arith.addi %mul3A_297, %add3A_298 : i32
      %swap3A_300 = arith.index_cast %add3A_299 : i32 to index
      %swap3A_301 = arith.constant 32 : index
      %swap3A_302 = tpu.vector_load %arg9[%swap3A_300, %swap3A_301] {strides = array<i32>} : memref<128x64xf32, #tpu.memory_space<vmem>>, vector<16xf32>,
      tpu.vector_store %arg9[%swap3A_300, %swap3A_301], %mul3A_295 {strides = array<i32>} : memref<128x64xf32, #tpu.memory_space<vmem>>, vector<16xf32>,
      %mul3A_303 = arith.constant 4 : i32
      %mul3A_304 = arith.muli %add3A_117, %mul3A_303 : i32
      %add3A_305 = arith.constant 2 : i32
      %add3A_306 = arith.addi %mul3A_304, %add3A_305 : i32
      %get3A_307 = arith.index_cast %add3A_306 : i32 to index
      %get3A_308 = arith.constant 48 : index
      %get3A_309 = tpu.vector_load %arg9[%get3A_307, %get3A_308] {strides = array<i32>} : memref<128x64xf32, #tpu.memory_space<vmem>>, vector<16xf32>,
      %mul3A_310 = arith.constant 8.000000e+00 : f32
      %mul3A_311 = vector.broadcast %mul3A_310 : f32 to vector<16xf32>
      %mul3A_312 = arith.mulf %get3A_309, %mul3A_311 : vector<16xf32>
      %mul3A_313 = arith.constant 4 : i32
      %mul3A_314 = arith.muli %add3A_117, %mul3A_313 : i32
      %add3A_315 = arith.constant 2 : i32
      %add3A_316 = arith.addi %mul3A_314, %add3A_315 : i32
      %swap3A_317 = arith.index_cast %add3A_316 : i32 to index
      %swap3A_318 = arith.constant 48 : index
      %swap3A_319 = tpu.vector_load %arg9[%swap3A_317, %swap3A_318] {strides = array<i32>} : memref<128x64xf32, #tpu.memory_space<vmem>>, vector<16xf32>,
      tpu.vector_store %arg9[%swap3A_317, %swap3A_318], %mul3A_312 {strides = array<i32>} : memref<128x64xf32, #tpu.memory_space<vmem>>, vector<16xf32>,
      %mul3A_320 = arith.constant 4 : i32
      %mul3A_321 = arith.muli %add3A_117, %mul3A_320 : i32
      %add3A_322 = arith.constant 3 : i32
      %add3A_323 = arith.addi %mul3A_321, %add3A_322 : i32
      %get3A_324 = arith.index_cast %add3A_323 : i32 to index
      %get3A_325 = arith.constant 0 : index
      %get3A_326 = tpu.vector_load %arg9[%get3A_324, %get3A_325] {strides = array<i32>} : memref<128x64xf32, #tpu.memory_space<vmem>>, vector<16xf32>,
      %mul3A_327 = arith.constant 8.000000e+00 : f32
      %mul3A_328 = vector.broadcast %mul3A_327 : f32 to vector<16xf32>
      %mul3A_329 = arith.mulf %get3A_326, %mul3A_328 : vector<16xf32>
      %mul3A_330 = arith.constant 4 : i32
      %mul3A_331 = arith.muli %add3A_117, %mul3A_330 : i32
      %add3A_332 = arith.constant 3 : i32
      %add3A_333 = arith.addi %mul3A_331, %add3A_332 : i32
      %swap3A_334 = arith.index_cast %add3A_333 : i32 to index
      %swap3A_335 = arith.constant 0 : index
      %swap3A_336 = tpu.vector_load %arg9[%swap3A_334, %swap3A_335] {strides = array<i32>} : memref<128x64xf32, #tpu.memory_space<vmem>>, vector<16xf32>,
      tpu.vector_store %arg9[%swap3A_334, %swap3A_335], %mul3A_329 {strides = array<i32>} : memref<128x64xf32, #tpu.memory_space<vmem>>, vector<16xf32>,
      %mul3A_337 = arith.constant 4 : i32
      %mul3A_338 = arith.muli %add3A_117, %mul3A_337 : i32
      %add3A_339 = arith.constant 3 : i32
      %add3A_340 = arith.addi %mul3A_338, %add3A_339 : i32
      %get3A_341 = arith.index_cast %add3A_340 : i32 to index
      %get3A_342 = arith.constant 16 : index
      %get3A_343 = tpu.vector_load %arg9[%get3A_341, %get3A_342] {strides = array<i32>} : memref<128x64xf32, #tpu.memory_space<vmem>>, vector<16xf32>,
      %mul3A_344 = arith.constant 8.000000e+00 : f32
      %mul3A_345 = vector.broadcast %mul3A_344 : f32 to vector<16xf32>
      %mul3A_346 = arith.mulf %get3A_343, %mul3A_345 : vector<16xf32>
      %mul3A_347 = arith.constant 4 : i32
      %mul3A_348 = arith.muli %add3A_117, %mul3A_347 : i32
      %add3A_349 = arith.constant 3 : i32
      %add3A_350 = arith.addi %mul3A_348, %add3A_349 : i32
      %swap3A_351 = arith.index_cast %add3A_350 : i32 to index
      %swap3A_352 = arith.constant 16 : index
      %swap3A_353 = tpu.vector_load %arg9[%swap3A_351, %swap3A_352] {strides = array<i32>} : memref<128x64xf32, #tpu.memory_space<vmem>>, vector<16xf32>,
      tpu.vector_store %arg9[%swap3A_351, %swap3A_352], %mul3A_346 {strides = array<i32>} : memref<128x64xf32, #tpu.memory_space<vmem>>, vector<16xf32>,
      %mul3A_354 = arith.constant 4 : i32
      %mul3A_355 = arith.muli %add3A_117, %mul3A_354 : i32
      %add3A_356 = arith.constant 3 : i32
      %add3A_357 = arith.addi %mul3A_355, %add3A_356 : i32
      %get3A_358 = arith.index_cast %add3A_357 : i32 to index
      %get3A_359 = arith.constant 32 : index
      %get3A_360 = tpu.vector_load %arg9[%get3A_358, %get3A_359] {strides = array<i32>} : memref<128x64xf32, #tpu.memory_space<vmem>>, vector<16xf32>,
      %mul3A_361 = arith.constant 8.000000e+00 : f32
      %mul3A_362 = vector.broadcast %mul3A_361 : f32 to vector<16xf32>
      %mul3A_363 = arith.mulf %get3A_360, %mul3A_362 : vector<16xf32>
      %mul3A_364 = arith.constant 4 : i32
      %mul3A_365 = arith.muli %add3A_117, %mul3A_364 : i32
      %add3A_366 = arith.constant 3 : i32
      %add3A_367 = arith.addi %mul3A_365, %add3A_366 : i32
      %swap3A_368 = arith.index_cast %add3A_367 : i32 to index
      %swap3A_369 = arith.constant 32 : index
      %swap3A_370 = tpu.vector_load %arg9[%swap3A_368, %swap3A_369] {strides = array<i32>} : memref<128x64xf32, #tpu.memory_space<vmem>>, vector<16xf32>,
      tpu.vector_store %arg9[%swap3A_368, %swap3A_369], %mul3A_363 {strides = array<i32>} : memref<128x64xf32, #tpu.memory_space<vmem>>, vector<16xf32>,
      %mul3A_371 = arith.constant 4 : i32
      %mul3A_372 = arith.muli %add3A_117, %mul3A_371 : i32
      %add3A_373 = arith.constant 3 : i32
      %add3A_374 = arith.addi %mul3A_372, %add3A_373 : i32
      %get3A_375 = arith.index_cast %add3A_374 : i32 to index
      %get3A_376 = arith.constant 48 : index
      %get3A_377 = tpu.vector_load %arg9[%get3A_375, %get3A_376] {strides = array<i32>} : memref<128x64xf32, #tpu.memory_space<vmem>>, vector<16xf32>,
      %mul3A_378 = arith.constant 8.000000e+00 : f32
      %mul3A_379 = vector.broadcast %mul3A_378 : f32 to vector<16xf32>
      %mul3A_380 = arith.mulf %get3A_377, %mul3A_379 : vector<16xf32>
      %mul3A_381 = arith.constant 4 : i32
      %mul3A_382 = arith.muli %add3A_117, %mul3A_381 : i32
      %add3A_383 = arith.constant 3 : i32
      %add3A_384 = arith.addi %mul3A_382, %add3A_383 : i32
      %swap3A_385 = arith.index_cast %add3A_384 : i32 to index
      %swap3A_386 = arith.constant 48 : index
      %swap3A_387 = tpu.vector_load %arg9[%swap3A_385, %swap3A_386] {strides = array<i32>} : memref<128x64xf32, #tpu.memory_space<vmem>>, vector<16xf32>,
      tpu.vector_store %arg9[%swap3A_385, %swap3A_386], %mul3A_380 {strides = array<i32>} : memref<128x64xf32, #tpu.memory_space<vmem>>, vector<16xf32>,
    }
    %scan3A_100 = arith.constant 32 : i32
    %add3A_101 = arith.constant 25472 : i32
    %add3A_102 = arith.addi %mul3A_2, %add3A_101 : i32
    %dma_start3A_103 = arith.constant 0 : i32
    %dma_start3A_104 = tpu.memref_slice %arg4[%add3A_102, %dma_start3A_103] : memref<819200x64xf32, #tpu.memory_space<hbm>> -> memref<128x64xf32, #tpu.memory_space<hbm>>
    %dma_start3A_105 = arith.constant 0 : i32
    %dma_start3A_106 = tpu.memref_slice %arg4[%add3A_102, %dma_start3A_105] : memref<819200x64xf32, #tpu.memory_space<hbm>> -> memref<128x64xf32, #tpu.memory_space<hbm>>
    tpu.enqueue_dma source(%arg9 : memref<128x64xf32, #tpu.memory_space<vmem>>) target(%dma_start3A_106 : memref<128x64xf32, #tpu.memory_space<hbm>>) target_semaphore(%arg17 : memref<!tpu.dma_semaphore, #tpu.memory_space<semaphore_mem>>)
    %add3A_107 = arith.constant 25472 : i32
    %add3A_108 = arith.addi %mul3A_2, %add3A_107 : i32
    %dma_wait3A_109 = arith.constant 0 : i32
    %dma_wait3A_110 = tpu.memref_slice %arg4[%add3A_108, %dma_wait3A_109] : memref<819200x64xf32, #tpu.memory_space<hbm>> -> memref<128x64xf32, #tpu.memory_space<hbm>>
    %dma_wait3A_111 = arith.constant 0 : i32
    %dma_wait3A_112 = tpu.memref_slice %arg4[%add3A_108, %dma_wait3A_111] : memref<819200x64xf32, #tpu.memory_space<hbm>> -> memref<128x64xf32, #tpu.memory_space<hbm>>
    tpu.wait_dma2 semaphore(%arg17 : memref<!tpu.dma_semaphore, #tpu.memory_space<semaphore_mem>>) src(%arg9 : memref<128x64xf32, #tpu.memory_space<vmem>>) dst(%dma_wait3A_112 : memref<128x64xf32, #tpu.memory_space<hbm>>)
    return
  }
}

</mosaic_0001>

<sc_bundles>
// kernel: kernel.3.cloned.1.call-start
scs
__scs_entry_jumppad:
0x0: {  	(pc) =	sbr.rel $0x88, $3  }
0x1: {  	(tag) =	ssettag $0x0;
	lr =	simm.s32 $0x1  }
0x2: {  	[smem:$0x3F9F] =	sst lr;
	_ =	strace $0xD0000000  }
0x3: {  	_ = 	snop  }
0x4: {  	_ = 	snop  }
0x5: {  	_ = 	snop  }
0x6: {  	_ = 	snop  }
0x7: {  	_ = 	snop  }
__scs_overlays_trampoline_lowered:
0x8: {  	[smem:$0x3FAE] =	sst s0  }
0x9: {  	[smem:$0x3FAF] =	sst s1  }
0xa: {  	[smem:$0x3FB0] =	sst s2  }
0xb: {  	[smem:$0x3FB1] =	sst s3  }
0xc: {  	[smem:$0x3FB2] =	sst s4  }
0xd: {  	[smem:$0x3FB3] =	sst s5  }
0xe: {  	[smem:$0x3FB4] =	sst s6  }
0xf: {  	[smem:$0x3FB5] =	sst s7  }
0x10: {  	[smem:$0x3FB6] =	sst s8  }
0x11: {  	[smem:$0x3FB7] =	sst s9;
	s0 =	simm.s32 @!p0 $0x0  }
0x12: {  	s1 =	sld [smem:$0x3F9D];
	s0 =	simm.s32 @p0 $0x1  }
0x13: {  	[smem:$0x3FB8] =	sst s0;
	s0 =	simm.s32 @!p1 $0x0  }
0x14: {  	s2 =	sld [smem:$0x3F9C];
	s0 =	simm.s32 @p1 $0x1  }
0x15: {  	[smem:$0x3FB9] =	sst s0;
	s0 =	simm.s32 @!p2 $0x0  }
0x16: {  	s3 =	sld [smem:$0x3FDB];
	s0 =	simm.s32 @p2 $0x1  }
0x17: {  	s4 =	simm.s32 $0x1BF5;
	[smem:$0x3FBB] =	sst s0  }
0x18: {  	s0 =	sld [smem:$0x3F9E];
	_ =	swait.ge [sflag:s4], $0x0  }
0x19: {  	s7 =	sld [smem:$0x3F9F]  }
0x1a: {  	s8 =	sadd.s32 $0xFFFFE003, lr  }
0x1b: {  	s9 =	sadd.s32 $0xFFFFFEF7, lr;
	s5 =	simm.s32 $0xFFFFFFFF;
	p2 =	slt.u32 s8, $0xFFFFF086  }
0x1c: {  	p1 =	slt.u32 s9, $0xF7A;
	s5 =	simm.s32 @!p2 $0x0  }
0x1d: {  	s5 =	simm.s32 @p1 $0x1;
	p0 =	seq.s32 s7, s2  }
0x1e: {  	s7 =	smul.u32 @!p0 $0xF7A, s2;
	p2 =	seq.s32 @!p0 s5, $0x0  }
0x1f: {  	s9 =	smul.u32 $0xF7A, s1;
	s8 =	simm.s32 @!p0 $0x1BF5;
	p2 =	por !p2, p0  }
0x20: {  	[sflag:s8] =	ssyncset.s32 @!p0 $0xFFFFF086;
	s6 =	sadd.s32 @!p0 s3, s7;
	s7 =	simm.s32 @!p0 $0x108  }
0x21: {  	s3 =	sadd.s32 s3, s9;
	s6 =	sadd.s32 @!p0 $0x88, s6;
	s7 =	simm.s32 @p2 $0x1082  }
0x22: {  	[simem:s7], [sflag:s8] =	dma.local @!p0 [hbm:s6], $0xF7A  }
0x23: {  	s9 =	sor.u32 $0xD0000000, s2;
	s6 =	simm.s32 $0x108;
	_ =	swait.ge @!p0 [sflag:s8], $0x0  }
0x24: {  	s3 =	sadd.s32 $0x88, s3;
	s6 =	simm.s32 @!p1 $0x1082;
	[sflag:s4] =	ssyncset.s32 $0xFFFFF086  }
0x25: {  	[simem:s6], [sflag:s4] =	dma.local [hbm:s3], $0xF7A  }
0x26: {  	[smem:$0x3F9F] =	sst s1;
	(tag) =	ssettag s2;
	_ =	strace s9  }
0x27: {  	s1 =	sld [smem:$0x3FAF]  }
0x28: {  	s2 =	sld [smem:$0x3FB0]  }
0x29: {  	s4 =	sld [smem:$0x3FB2]  }
0x2a: {  	p0 =	seq.s32 s5, $0x0;
	s5 =	sld [smem:$0x3FB3]  }
0x2b: {  	s6 =	sld [smem:$0x3FB4]  }
0x2c: {  	s7 =	sld [smem:$0x3FB5]  }
0x2d: {  	s3 =	simm.s32 $0x108;
	s8 =	sld [smem:$0x3FB6]  }
0x2e: {  	s3 =	simm.s32 @!p0 $0x1082;
	s9 =	sld [smem:$0x3FB7]  }
0x2f: {  	lr =	sadd.s32 s0, s3;
	s0 =	sld [smem:$0x3FAE]  }
0x30: {  	s3 =	sld [smem:$0x3FB1]  }
0x31: {  	[smem:$0x3FBA] =	sst s10  }
0x32: {  	s10 =	sld [smem:$0x3FB8];
	_ =	sdelay $0x3  }
0x33: {  	p0 =	seq.s32 s10, $0x1;
	s10 =	sld [smem:$0x3FBA];
	_ =	sdelay $0x3  }
0x34: {  	[smem:$0x3FBA] =	sst s10  }
0x35: {  	s10 =	sld [smem:$0x3FB9];
	_ =	sdelay $0x3  }
0x36: {  	p1 =	seq.s32 s10, $0x1;
	s10 =	sld [smem:$0x3FBA];
	_ =	sdelay $0x3  }
0x37: {  	[smem:$0x3FBA] =	sst s10  }
0x38: {  	s10 =	sld [smem:$0x3FBB]  }
0x39: {  	_ = 	snop;
	(pc) =	sbr.ind lr, $3  }
0x3a: {  	_ = 	snop  }
0x3b: {  	_ = 	snop  }
0x3c: {  	p2 =	seq.s32 s10, $0x1;
	s10 =	sld [smem:$0x3FBA]  }
0x3d: {  	_ =	shalt  }
0x3e: {  	_ =	shalt  }
0x3f: {  	_ =	shalt  }
0x40: {  	_ =	shalt  }
0x41: {  	_ =	shalt  }
0x42: {  	_ =	shalt  }
0x43: {  	_ =	shalt  }
0x44: {  	_ =	shalt  }
0x45: {  	_ =	shalt  }
0x46: {  	_ =	shalt  }
0x47: {  	_ =	shalt  }
0x48: {  	_ =	shalt  }
0x49: {  	_ =	shalt  }
0x4a: {  	_ =	shalt  }
0x4b: {  	_ =	shalt  }
0x4c: {  	_ =	shalt  }
0x4d: {  	_ =	shalt  }
0x4e: {  	_ =	shalt  }
0x4f: {  	_ =	shalt  }
0x50: {  	_ =	shalt  }
0x51: {  	_ =	shalt  }
0x52: {  	_ =	shalt  }
0x53: {  	_ =	shalt  }
0x54: {  	_ =	shalt  }
0x55: {  	_ =	shalt  }
0x56: {  	_ =	shalt  }
0x57: {  	_ =	shalt  }
0x58: {  	_ =	shalt  }
0x59: {  	_ =	shalt  }
0x5a: {  	_ =	shalt  }
0x5b: {  	_ =	shalt  }
0x5c: {  	_ =	shalt  }
0x5d: {  	_ =	shalt  }
0x5e: {  	_ =	shalt  }
0x5f: {  	_ =	shalt  }
0x60: {  	_ =	shalt  }
0x61: {  	_ =	shalt  }
0x62: {  	_ =	shalt  }
0x63: {  	_ =	shalt  }
0x64: {  	_ =	shalt  }
0x65: {  	_ =	shalt  }
0x66: {  	_ =	shalt  }
0x67: {  	_ =	shalt  }
0x68: {  	_ =	shalt  }
0x69: {  	_ =	shalt  }
0x6a: {  	_ =	shalt  }
0x6b: {  	_ =	shalt  }
0x6c: {  	_ =	shalt  }
0x6d: {  	_ =	shalt  }
0x6e: {  	_ =	shalt  }
0x6f: {  	_ =	shalt  }
0x70: {  	_ =	shalt  }
0x71: {  	_ =	shalt  }
0x72: {  	_ =	shalt  }
0x73: {  	_ =	shalt  }
0x74: {  	_ =	shalt  }
0x75: {  	_ =	shalt  }
0x76: {  	_ =	shalt  }
0x77: {  	_ =	shalt  }
0x78: {  	_ =	shalt  }
0x79: {  	_ =	shalt  }
0x7a: {  	_ =	shalt  }
0x7b: {  	_ =	shalt  }
0x7c: {  	_ =	shalt  }
0x7d: {  	_ =	shalt  }
0x7e: {  	_ =	shalt  }
0x7f: {  	_ =	shalt  }
0x80: {  	_ =	shalt  }
0x81: {  	_ =	shalt  }
0x82: {  	_ =	shalt  }
0x83: {  	_ =	shalt  }
0x84: {  	_ =	shalt  }
0x85: {  	_ =	shalt  }
0x86: {  	_ =	shalt  }
0x87: {  	_ =	shalt  }
.Lfunc_end0:
.L_simem_size_0:
called_computation.1_lowered:
.L_overlay_start_0:
0x88: {  	s2 =	sld [smem:$0x3FD9]  }
0x89: {  	s3 =	sld [smem:$0x3FFE];
	_ =	sdelay $0x1  }
0x8a: {  	s1 =	srdreg.scid  }
0x8b: {  	s0 =	sand.u32 $0x1, s1  }
0x8c: {  	s17 =	sshll.u32 s0, $0xA;
	s2 =	sadd.s32 s3, s2  }
0x8d: {  	s2 =	sadd.s32 s2, s17  }
0x8e: {  	[smem:$0x3FC6] =	sst s2  }
0x8f: {  	_ = 	snop  }
0x90: {  	s2 =	sld [smem:$0x3FD0];
	(tm) =	ssettm $0x1  }
0x91: {  	s18 =	sld [smem:$0x3FFB];
	_ =	sdelay $0x3  }
0x92: {  	_ =	strace s18  }
0x93: {  	s3 =	sld [smem:$0x3FFC];
	_ =	sdelay $0x3  }
0x94: {  	_ =	strace s3  }
0x95: {  	s3 =	sld [smem:$0x3FFD];
	_ =	sdelay $0x3  }
0x96: {  	_ =	strace s3  }
0x97: {  	_ =	strace $0x8FFFFFFF  }
0x98: {  	s19 =	sld [smem:$0x3FDB];
	_ =	sdelay $0x1  }
0x99: {  	s4 =	simm.s32 $_scs_section_size  }
0x9a: {  	s5 =	simm.s32 $_size__tile_overlayer_lowered;
	s6 =	simm.s32 $_tile_overlayer_lowered  }
0x9b: {  	s22 =	simm.s32 $0x1BFF;
	s21 =	sshll.u32 s6, $0x1;
	s3 =	sadd.s32 s4, s19  }
0x9c: {  	s7 =	simm.s32 $0x0;
	s20 =	sshll.u32 s5, $0x1;
	s5 =	sadd.s32 s21, s3  }
0x9d: {  	[timem:s7], [sflag:s22] =	dma.local [hbm:s5], s20  }
0x9e: {  	_ =	swait.ge [sflag:s22], s20  }
0x9f: {  	s4 =	ssub.s32 $0x0, s20;
	[sflag:s22] =	ssyncset.done $0x0  }
0xa0: {  	[sflag:s22] =	ssyncadd.s32 s4;
	_ =	sdelay $0x1  }
0xa1: {  	s23 =	simm.s32 $0x1B8B  }
0xa2: {  	_ =	swait.ge [sflag:s23], $0x1  }
0xa3: {  	[sflag:s23] =	ssyncset.done $0x0  }
0xa4: {  	s25 =	simm.s32 $0x1B8E;
	s24 =	sld [smem:$0x3FFE];
	[sflag:s23] =	ssyncadd.s32 $0xFFFFFFFF  }
0xa5: {  	s26 =	simm.s32 $execute0_lowered;
	[smem:$0x3FD2] =	sst s25  }
0xa6: {  	s5 =	sshll.u32 s26, $0x1;
	_ =	strace $0x80000046;
	[dreg:$0x1] =	wrdreg $0xFFFFFFFF  }
0xa7: {  	s28 =	simm.s32 $_size_execute0_lowered;
	s3 =	sadd.s32 s3, s5;
	[dreg:$0x0] =	wrdreg $0x0  }
0xa8: {  	s5 =	sshll.u32 s28, $0x1;
	[dreg:$0x2] =	wrdreg s3  }
0xa9: {  	[dreg:$0x3] =	wrdreg s5  }
0xaa: {  	[dreg:$0x4] =	wrdreg $0xC0  }
0xab: {  	_ =	task [dreg:s7], $0x5FFFF  }
0xac: {  	[dreg:$0x1] =	wrdreg $0xFFFFFFFF  }
0xad: {  	[dreg:$0x0] =	wrdreg $0x60  }
0xae: {  	[dreg:$0x2] =	wrdreg s24  }
0xaf: {  	[dreg:$0x3] =	wrdreg s2  }
0xb0: {  	[dreg:$0x4] =	wrdreg $0x9  }
0xb1: {  	_ =	task.clear_ibuf [dreg:s7], $0x5FFFF;
	_ =	strace $0x90000046  }
0xb2: {  	s29 =	simm.s32 $0x9;
	_ =	strace $0x80000048  }
0xb3: {  	_ =	swait.ge [sflag:s29], $0x1  }
0xb4: {  	[sflag:s29] =	ssyncadd.s32 $0xFFFFFFFF  }
0xb5: {  	_ =	strace $0x90000048  }
0xb6: {  	_ =	sfence  }
0xb7: {  	s30 =	sld [smem:$0x0];
	_ =	sdelay $0x2  }
0xb8: {  	s31 =	sshll.u32 s1, $0xD;
	s1 =	sshrl.u32 s1, $0x2  }
0xb9: {  	s3 =	sand.u32 $0x4000, s31;
	s1 =	sadd.s32 s1, s30  }
0xba: {  	s0 =	sor.u32 s3, s0;
	s1 =	sshll.u32 s1, $0x11  }
0xbb: {  	s0 =	sor.u32 s1, s0  }
0xbc: {  	s0 =	sadd.s32 $0x8F2B, s0  }
0xbd: {  	[sflag:s0] =	ssyncadd.remote.s32 $0x1  }
0xbe: {  	_ =	sfence.sel $0xFFFF  }
0xbf: {  	[dreg:$0x0] =	wrdreg $0xFFFFFFFF;
	(pc) =	sbr.abs _section_cstart, $3  }
0xc0: {  	[dreg:$0x1] =	wrdreg $0xFFFFFFFF  }
0xc1: {  	_ =	task.clear_ibuf [dreg:s7], $0x2FFFF;
	_ =	strace $0x9FFFFFFF  }
0xc2: {  	(tm) =	ssettm $0x7FFFFFFF  }
0xc3: {  	_ =	shalt  }
tec
execute0_lowered:
.L_overlay_start_1:
0x0: {  	(tag) =	ssettag $0x1  }
0x1: {  	s0 =	srdreg.scid;
	s2 =	stileid.u32  }
0x2: {  	s1 =	rddreg [dreg:$0x0];
	s15 =	simm.s32 $0x9;
	s16 =	simm.s32 $0x80  }
0x3: {  	s17 =	simm.s32 $0x6400;
	s18 =	simm.s32 $0x8400;
	s20 =	simm.s32 $0xA400  }
0x4: {  	s22 =	simm.s32 $0xC400;
	s23 =	simm.s32 $0x1;
	s28 =	simm.s32 $0x3  }
0x5: {  	s29 =	simm.s32 $0x7;
	s0 =	sand.u32 $0x1, s0;
	s3 =	sshll.u32 s2, $0x1  }
0x6: {  	s30 =	simm.s32 $0x4;
	s31 =	simm.s32 $0x8;
	s4 =	sor.u32 s0, s3  }
0x7: {  	s3 =	simm.s32 $0x0;
	s0 =	ssub.s32 $0x2, s0;
	s6 =	smul.u32 $0x6400, s4  }
0x8: {  	[smem:$0x7FF] =	sst s3;
	s4 =	smul.u32 $0x190000, s4;
	s8 =	sshrl.u32 s0, $0x1  }
0x9: {  	s2 =	rddreg [dreg:$0x1];
	_ =	strace $0x80000047;
	s0 =	ssub.s32 s0, s8  }
0xa: {  	s5 =	sshrl.u32 s6, $0x3;
	s24 =	sshrl.u32 s4, $0x3;
	s8 =	sor.u32 $0x100, s6  }
0xb: {  	s9 =	sor.u32 $0x180, s6;
	s14 =	smax.u32 s0, $0x1;
	s7 =	sadd.s32 s5, s1  }
0xc: {  	s5 =	sadd.s32 $0xF42E00, s1;
	s1 =	sadd.s32 s2, s24;
	s24 =	simm.s32 $0x5  }
0xd: {  	s7 =	sadd.s32 $0xA00, s7;
	s25 =	sadd.s32 $0x31000, s1;
	s26 =	sadd.s32 $0x31400, s1  }
0xe: {  	s12 =	sadd.s32 $0x31800, s1;
	s13 =	sadd.s32 $0x31C00, s1;
	[dreg:$0x3] =	wrdreg s7  }
0xf: {  	s1 =	simm.s32 $0x0;
	s7 =	sor.u32 $0x80, s6;
	[dreg:$0x4] =	wrdreg s25  }
0x10: {  	[dreg:$0x5] =	wrdreg s26;
	s25 =	simm.s32 $0x2;
	s26 =	simm.s32 $0x6  }
.LBB2_1:
0x11: {  	s0 =	rddreg [dreg:$0x3]  }
0x12: {  	[tilespmem:s3], [sflag:$0x9] =	stream.linear.gather [hbm4b:s0+s3], $0x6400, $0x38;
	[tilespmem:$0xE400] =	vst v63  }
0x13: {  	_ =	swait.ge [sflag:s15], $0x6400  }
0x14: {  	[sflag:s15] =	ssyncset.done $0x0  }
0x15: {  	[sflag:s15] =	ssyncadd.s32 $0xFFFF9C00  }
0x16: {  	[tilespmem:s17], [sflag:$0x1] =	stream.indirect.gather [hbm4b:s5+s16], $0x40, s3, s16, $0xb8;
	[tilespmem:$0xE400] =	vst v63  }
0x17: {  	_ = 	snop  }
0x18: {  	[tilespmem:s18], [sflag:$0x2] =	stream.indirect.gather [hbm4b:s5+s16], $0x40, s16, s16, $0xb8;
	[tilespmem:$0xE400] =	vst v63  }
0x19: {  	s19 =	simm.s32 $0x100  }
0x1a: {  	[tilespmem:s20], [sflag:$0x3] =	stream.indirect.gather [hbm4b:s5+s16], $0x40, s19, s16, $0xb8;
	[tilespmem:$0xE400] =	vst v63  }
0x1b: {  	s21 =	simm.s32 $0x180;
	s0 =	simm.s32 $0x0  }
0x1c: {  	[tilespmem:s22], [sflag:$0x4] =	stream.indirect.gather [hbm4b:s5+s16], $0x40, s21, s16, $0xb8;
	[tilespmem:$0xE400] =	vst v63  }
.LBB2_2:
0x1d: {  	_ =	swait.ge [sflag:s23], $0x2000  }
0x1e: {  	[sflag:s23] =	ssyncset.done $0x0  }
0x1f: {  	s19 =	simm.s32 $0x0;
	[sflag:s23] =	ssyncadd.s32 $0xFFFFE000  }
0x20: {  	v0 =	vld [tilespmem:s19+$0x6400]  }
0x21: {  	v1 =	vld [tilespmem:s19+$0x6410]  }
0x22: {  	v2 =	vld [tilespmem:s19+$0x6420]  }
0x23: {  	v3 =	vld [tilespmem:s19+$0x6430]  }
0x24: {  	v4 =	vld [tilespmem:s19+$0x6440]  }
0x25: {  	v5 =	vld [tilespmem:s19+$0x6450];
	v0 =	vmul.f32 $8.000000000e+00, v0  }
0x26: {  	v6 =	vld [tilespmem:s19+$0x6460];
	v1 =	vmul.f32 $8.000000000e+00, v1  }
0x27: {  	v7 =	vld [tilespmem:s19+$0x6470];
	[tilespmem:s19+$0x6400] =	vst v0;
	v0 =	vmul.f32 $8.000000000e+00, v2  }
0x28: {  	v8 =	vld [tilespmem:s19+$0x6480];
	[tilespmem:s19+$0x6410] =	vst v1;
	v1 =	vmul.f32 $8.000000000e+00, v3  }
0x29: {  	v9 =	vld [tilespmem:s19+$0x6490];
	[tilespmem:s19+$0x6420] =	vst v0;
	v0 =	vmul.f32 $8.000000000e+00, v4  }
0x2a: {  	v2 =	vmul.f32 $8.000000000e+00, v5;
	[tilespmem:s19+$0x6430] =	vst v1;
	v1 =	vld [tilespmem:s19+$0x64A0]  }
0x2b: {  	v3 =	vmul.f32 $8.000000000e+00, v6;
	[tilespmem:s19+$0x6440] =	vst v0;
	v0 =	vld [tilespmem:s19+$0x64B0]  }
0x2c: {  	[tilespmem:s19+$0x6450] =	vst v2;
	v2 =	vld [tilespmem:s19+$0x64C0];
	v4 =	vmul.f32 $8.000000000e+00, v7  }
0x2d: {  	v6 =	vmul.f32 $8.000000000e+00, v8;
	[tilespmem:s19+$0x6460] =	vst v3;
	v3 =	vld [tilespmem:s19+$0x64D0]  }
0x2e: {  	s6 =	simm.s32 $0x400;
	v5 =	vmul.f32 $8.000000000e+00, v9;
	[tilespmem:s19+$0x6470] =	vst v4;
	v4 =	vld [tilespmem:s19+$0x64E0]  }
.LBB2_3:
0x2f: {  	s10 =	sshra.s32 s6, $0x2;
	p0 =	sne.s32 s6, $0x7C00;
	[tilespmem:s19+$0x6480] =	vst v6;
	v1 =	vmul.f32 $8.000000000e+00, v1;
	v6 =	vld [tilespmem:s19+$0x64F0]  }
0x30: {  	v7 =	vld [tilespmem:s10+$0x6400];
	[tilespmem:s19+$0x6490] =	vst v5;
	v0 =	vmul.f32 $8.000000000e+00, v0  }
0x31: {  	v5 =	vld [tilespmem:s10+$0x6410];
	[tilespmem:s19+$0x64A0] =	vst v1;
	v1 =	vmul.f32 $8.000000000e+00, v2  }
0x32: {  	v2 =	vld [tilespmem:s10+$0x6420];
	[tilespmem:s19+$0x64B0] =	vst v0;
	v0 =	vmul.f32 $8.000000000e+00, v3  }
0x33: {  	v3 =	vld [tilespmem:s10+$0x6430];
	[tilespmem:s19+$0x64C0] =	vst v1;
	v1 =	vmul.f32 $8.000000000e+00, v4  }
0x34: {  	v4 =	vld [tilespmem:s10+$0x6440];
	[tilespmem:s19+$0x64D0] =	vst v0;
	v0 =	vmul.f32 $8.000000000e+00, v6  }
0x35: {  	v6 =	vmul.f32 $8.000000000e+00, v7;
	v7 =	vld [tilespmem:s10+$0x6450];
	[tilespmem:s19+$0x64E0] =	vst v1  }
0x36: {  	v1 =	vmul.f32 $8.000000000e+00, v5;
	v5 =	vld [tilespmem:s10+$0x6460];
	[tilespmem:s19+$0x64F0] =	vst v0;
	s19 =	smov.u32 s10  }
0x37: {  	[tilespmem:s19+$0x6400] =	vst v6;
	v0 =	vmul.f32 $8.000000000e+00, v2;
	v2 =	vld [tilespmem:s19+$0x6470]  }
0x38: {  	[tilespmem:s19+$0x6410] =	vst v1;
	v1 =	vmul.f32 $8.000000000e+00, v3;
	v3 =	vld [tilespmem:s19+$0x6480]  }
0x39: {  	[tilespmem:s19+$0x6420] =	vst v0;
	v0 =	vmul.f32 $8.000000000e+00, v4;
	v4 =	vld [tilespmem:s19+$0x6490]  }
.Ltmp0:
0x3a: {  	[tilespmem:s19+$0x6430] =	vst v1;
	v6 =	vmul.f32 $8.000000000e+00, v7;
	v1 =	vld [tilespmem:s19+$0x64A0];
	(pc) =	sbr.rel @p0 .LBB2_3-.Ltmp0, $4  }
0x3b: {  	[tilespmem:s19+$0x6440] =	vst v0;
	v5 =	vmul.f32 $8.000000000e+00, v5;
	v0 =	vld [tilespmem:s19+$0x64B0]  }
0x3c: {  	[tilespmem:s19+$0x6450] =	vst v6;
	v7 =	vmul.f32 $8.000000000e+00, v2;
	v2 =	vld [tilespmem:s19+$0x64C0]  }
0x3d: {  	[tilespmem:s19+$0x6460] =	vst v5;
	v6 =	vmul.f32 $8.000000000e+00, v3;
	v3 =	vld [tilespmem:s19+$0x64D0]  }
0x3e: {  	s6 =	sadd.s32 $0x400, s6;
	[tilespmem:s19+$0x6470] =	vst v7;
	v5 =	vmul.f32 $8.000000000e+00, v4;
	v4 =	vld [tilespmem:s19+$0x64E0]  }
0x3f: {  	[tilespmem:s19+$0x6480] =	vst v6;
	v1 =	vmul.f32 $8.000000000e+00, v1;
	v6 =	vld [tilespmem:s19+$0x64F0]  }
0x40: {  	[tilespmem:s19+$0x6490] =	vst v5;
	v0 =	vmul.f32 $8.000000000e+00, v0  }
0x41: {  	[tilespmem:s19+$0x64A0] =	vst v1;
	v1 =	vmul.f32 $8.000000000e+00, v2  }
0x42: {  	[tilespmem:s19+$0x64B0] =	vst v0;
	v0 =	vmul.f32 $8.000000000e+00, v3  }
0x43: {  	s6 =	sshll.u32 s0, $0xF;
	[tilespmem:s19+$0x64C0] =	vst v1;
	v1 =	vmul.f32 $8.000000000e+00, v4  }
0x44: {  	s6 =	sadd.s32 s4, s6;
	[tilespmem:s19+$0x64D0] =	vst v0;
	v0 =	vmul.f32 $8.000000000e+00, v6  }
0x45: {  	s6 =	sshrl.u32 s6, $0x3;
	[tilespmem:s19+$0x64E0] =	vst v1  }
0x46: {  	s10 =	simm.s32 $0x0;
	s6 =	sadd.s32 s2, s6;
	[tilespmem:s19+$0x64F0] =	vst v0  }
0x47: {  	[hbm4b:s6+s10] =	stream.linear.scatter [tilespmem:s17], [sflag:$0x5], $0x2000, $0x38;
	[tilespmem:$0xE400] =	vst v63  }
0x48: {  	s21 =	sshll.u32 s0, $0x9;
	_ =	swait.ge [sflag:s24], $0x2000  }
0x49: {  	s19 =	sand.u32 $0x3FFFFE00, s21;
	[sflag:s24] =	ssyncset.done $0x0  }
0x4a: {  	s11 =	sadd.s32 $0x200, s19;
	[sflag:s24] =	ssyncadd.s32 $0xFFFFE000  }
0x4b: {  	[tilespmem:s17], [sflag:$0x1] =	stream.indirect.gather [hbm4b:s5+s16], $0x40, s11, s16, $0xb8;
	[tilespmem:$0xE400] =	vst v63  }
0x4c: {  	_ =	swait.ge [sflag:s25], $0x2000  }
0x4d: {  	[sflag:s25] =	ssyncset.done $0x0  }
0x4e: {  	s6 =	simm.s32 $0x0;
	[sflag:s25] =	ssyncadd.s32 $0xFFFFE000  }
0x4f: {  	v0 =	vld [tilespmem:s6+$0x8400]  }
0x50: {  	v1 =	vld [tilespmem:s6+$0x8410]  }
0x51: {  	v2 =	vld [tilespmem:s6+$0x8420]  }
0x52: {  	v3 =	vld [tilespmem:s6+$0x8430]  }
0x53: {  	v4 =	vld [tilespmem:s6+$0x8440]  }
0x54: {  	v5 =	vld [tilespmem:s6+$0x8450];
	v0 =	vmul.f32 $8.000000000e+00, v0  }
0x55: {  	v6 =	vld [tilespmem:s6+$0x8460];
	v1 =	vmul.f32 $8.000000000e+00, v1  }
0x56: {  	v7 =	vld [tilespmem:s6+$0x8470];
	[tilespmem:s6+$0x8400] =	vst v0;
	v0 =	vmul.f32 $8.000000000e+00, v2  }
0x57: {  	v8 =	vld [tilespmem:s6+$0x8480];
	[tilespmem:s6+$0x8410] =	vst v1;
	v1 =	vmul.f32 $8.000000000e+00, v3  }
0x58: {  	v9 =	vld [tilespmem:s6+$0x8490];
	[tilespmem:s6+$0x8420] =	vst v0;
	v0 =	vmul.f32 $8.000000000e+00, v4  }
0x59: {  	v2 =	vmul.f32 $8.000000000e+00, v5;
	[tilespmem:s6+$0x8430] =	vst v1;
	v1 =	vld [tilespmem:s6+$0x84A0]  }
0x5a: {  	v3 =	vmul.f32 $8.000000000e+00, v6;
	[tilespmem:s6+$0x8440] =	vst v0;
	v0 =	vld [tilespmem:s6+$0x84B0]  }
0x5b: {  	[tilespmem:s6+$0x8450] =	vst v2;
	v2 =	vld [tilespmem:s6+$0x84C0];
	v4 =	vmul.f32 $8.000000000e+00, v7  }
0x5c: {  	v6 =	vmul.f32 $8.000000000e+00, v8;
	[tilespmem:s6+$0x8460] =	vst v3;
	v3 =	vld [tilespmem:s6+$0x84D0]  }
0x5d: {  	s10 =	simm.s32 $0x400;
	v5 =	vmul.f32 $8.000000000e+00, v9;
	[tilespmem:s6+$0x8470] =	vst v4;
	v4 =	vld [tilespmem:s6+$0x84E0]  }
.LBB2_5:
0x5e: {  	s11 =	sshra.s32 s10, $0x2;
	p0 =	sne.s32 s10, $0x7C00;
	[tilespmem:s6+$0x8480] =	vst v6;
	v1 =	vmul.f32 $8.000000000e+00, v1;
	v6 =	vld [tilespmem:s6+$0x84F0]  }
0x5f: {  	v7 =	vld [tilespmem:s11+$0x8400];
	[tilespmem:s6+$0x8490] =	vst v5;
	v0 =	vmul.f32 $8.000000000e+00, v0  }
0x60: {  	v5 =	vld [tilespmem:s11+$0x8410];
	[tilespmem:s6+$0x84A0] =	vst v1;
	v1 =	vmul.f32 $8.000000000e+00, v2  }
0x61: {  	v2 =	vld [tilespmem:s11+$0x8420];
	[tilespmem:s6+$0x84B0] =	vst v0;
	v0 =	vmul.f32 $8.000000000e+00, v3  }
0x62: {  	v3 =	vld [tilespmem:s11+$0x8430];
	[tilespmem:s6+$0x84C0] =	vst v1;
	v1 =	vmul.f32 $8.000000000e+00, v4  }
0x63: {  	v4 =	vld [tilespmem:s11+$0x8440];
	[tilespmem:s6+$0x84D0] =	vst v0;
	v0 =	vmul.f32 $8.000000000e+00, v6  }
0x64: {  	v6 =	vmul.f32 $8.000000000e+00, v7;
	v7 =	vld [tilespmem:s11+$0x8450];
	[tilespmem:s6+$0x84E0] =	vst v1  }
0x65: {  	v1 =	vmul.f32 $8.000000000e+00, v5;
	v5 =	vld [tilespmem:s11+$0x8460];
	[tilespmem:s6+$0x84F0] =	vst v0;
	s6 =	smov.u32 s11  }
0x66: {  	[tilespmem:s6+$0x8400] =	vst v6;
	v0 =	vmul.f32 $8.000000000e+00, v2;
	v2 =	vld [tilespmem:s6+$0x8470]  }
0x67: {  	[tilespmem:s6+$0x8410] =	vst v1;
	v1 =	vmul.f32 $8.000000000e+00, v3;
	v3 =	vld [tilespmem:s6+$0x8480]  }
0x68: {  	[tilespmem:s6+$0x8420] =	vst v0;
	v0 =	vmul.f32 $8.000000000e+00, v4;
	v4 =	vld [tilespmem:s6+$0x8490]  }
.Ltmp1:
0x69: {  	[tilespmem:s6+$0x8430] =	vst v1;
	v6 =	vmul.f32 $8.000000000e+00, v7;
	v1 =	vld [tilespmem:s6+$0x84A0];
	(pc) =	sbr.rel @p0 .LBB2_5-.Ltmp1, $4  }
0x6a: {  	[tilespmem:s6+$0x8440] =	vst v0;
	v5 =	vmul.f32 $8.000000000e+00, v5;
	v0 =	vld [tilespmem:s6+$0x84B0]  }
0x6b: {  	[tilespmem:s6+$0x8450] =	vst v6;
	v7 =	vmul.f32 $8.000000000e+00, v2;
	v2 =	vld [tilespmem:s6+$0x84C0]  }
0x6c: {  	[tilespmem:s6+$0x8460] =	vst v5;
	v6 =	vmul.f32 $8.000000000e+00, v3;
	v3 =	vld [tilespmem:s6+$0x84D0]  }
0x6d: {  	s10 =	sadd.s32 $0x400, s10;
	[tilespmem:s6+$0x8470] =	vst v7;
	v5 =	vmul.f32 $8.000000000e+00, v4;
	v4 =	vld [tilespmem:s6+$0x84E0]  }
0x6e: {  	[tilespmem:s6+$0x8480] =	vst v6;
	v1 =	vmul.f32 $8.000000000e+00, v1;
	v6 =	vld [tilespmem:s6+$0x84F0]  }
0x6f: {  	[tilespmem:s6+$0x8490] =	vst v5;
	v0 =	vmul.f32 $8.000000000e+00, v0  }
0x70: {  	[tilespmem:s6+$0x84A0] =	vst v1;
	v1 =	vmul.f32 $8.000000000e+00, v2  }
0x71: {  	[tilespmem:s6+$0x84B0] =	vst v0;
	v0 =	vmul.f32 $8.000000000e+00, v3  }
0x72: {  	s10 =	sadd.s32 s21, s7;
	[tilespmem:s6+$0x84C0] =	vst v1;
	v1 =	vmul.f32 $8.000000000e+00, v4  }
0x73: {  	s10 =	sshll.u32 s10, $0x3;
	[tilespmem:s6+$0x84D0] =	vst v0;
	v0 =	vmul.f32 $8.000000000e+00, v6  }
0x74: {  	s10 =	sand.u32 $0x1FFFF400, s10;
	[tilespmem:s6+$0x84E0] =	vst v1  }
0x75: {  	s11 =	simm.s32 $0x0;
	s10 =	sadd.s32 s2, s10;
	[tilespmem:s6+$0x84F0] =	vst v0  }
0x76: {  	[hbm4b:s10+s11] =	stream.linear.scatter [tilespmem:s18], [sflag:$0x6], $0x2000, $0x38;
	[tilespmem:$0xE400] =	vst v63  }
0x77: {  	_ =	swait.ge [sflag:s26], $0x2000  }
0x78: {  	[sflag:s26] =	ssyncset.done $0x0  }
0x79: {  	s11 =	sadd.s32 $0x280, s19;
	[sflag:s26] =	ssyncadd.s32 $0xFFFFE000  }
0x7a: {  	[tilespmem:s18], [sflag:$0x2] =	stream.indirect.gather [hbm4b:s5+s16], $0x40, s11, s16, $0xb8;
	[tilespmem:$0xE400] =	vst v63  }
0x7b: {  	_ =	swait.ge [sflag:s28], $0x2000  }
0x7c: {  	[sflag:s28] =	ssyncset.done $0x0  }
0x7d: {  	s6 =	simm.s32 $0x0;
	[sflag:s28] =	ssyncadd.s32 $0xFFFFE000  }
0x7e: {  	v0 =	vld [tilespmem:s6+$0xA400]  }
0x7f: {  	v1 =	vld [tilespmem:s6+$0xA410]  }
0x80: {  	v2 =	vld [tilespmem:s6+$0xA420]  }
0x81: {  	v3 =	vld [tilespmem:s6+$0xA430]  }
0x82: {  	v4 =	vld [tilespmem:s6+$0xA440]  }
0x83: {  	v5 =	vld [tilespmem:s6+$0xA450];
	v0 =	vmul.f32 $8.000000000e+00, v0  }
0x84: {  	v6 =	vld [tilespmem:s6+$0xA460];
	v1 =	vmul.f32 $8.000000000e+00, v1  }
0x85: {  	v7 =	vld [tilespmem:s6+$0xA470];
	[tilespmem:s6+$0xA400] =	vst v0;
	v0 =	vmul.f32 $8.000000000e+00, v2  }
0x86: {  	v8 =	vld [tilespmem:s6+$0xA480];
	[tilespmem:s6+$0xA410] =	vst v1;
	v1 =	vmul.f32 $8.000000000e+00, v3  }
0x87: {  	v9 =	vld [tilespmem:s6+$0xA490];
	[tilespmem:s6+$0xA420] =	vst v0;
	v0 =	vmul.f32 $8.000000000e+00, v4  }
0x88: {  	v2 =	vmul.f32 $8.000000000e+00, v5;
	[tilespmem:s6+$0xA430] =	vst v1;
	v1 =	vld [tilespmem:s6+$0xA4A0]  }
0x89: {  	v3 =	vmul.f32 $8.000000000e+00, v6;
	[tilespmem:s6+$0xA440] =	vst v0;
	v0 =	vld [tilespmem:s6+$0xA4B0]  }
0x8a: {  	[tilespmem:s6+$0xA450] =	vst v2;
	v2 =	vld [tilespmem:s6+$0xA4C0];
	v4 =	vmul.f32 $8.000000000e+00, v7  }
0x8b: {  	v6 =	vmul.f32 $8.000000000e+00, v8;
	[tilespmem:s6+$0xA460] =	vst v3;
	v3 =	vld [tilespmem:s6+$0xA4D0]  }
0x8c: {  	s10 =	simm.s32 $0x400;
	v5 =	vmul.f32 $8.000000000e+00, v9;
	[tilespmem:s6+$0xA470] =	vst v4;
	v4 =	vld [tilespmem:s6+$0xA4E0]  }
.LBB2_7:
0x8d: {  	s11 =	sshra.s32 s10, $0x2;
	p0 =	sne.s32 s10, $0x7C00;
	[tilespmem:s6+$0xA480] =	vst v6;
	v1 =	vmul.f32 $8.000000000e+00, v1;
	v6 =	vld [tilespmem:s6+$0xA4F0]  }
0x8e: {  	v7 =	vld [tilespmem:s11+$0xA400];
	[tilespmem:s6+$0xA490] =	vst v5;
	v0 =	vmul.f32 $8.000000000e+00, v0  }
0x8f: {  	v5 =	vld [tilespmem:s11+$0xA410];
	[tilespmem:s6+$0xA4A0] =	vst v1;
	v1 =	vmul.f32 $8.000000000e+00, v2  }
0x90: {  	v2 =	vld [tilespmem:s11+$0xA420];
	[tilespmem:s6+$0xA4B0] =	vst v0;
	v0 =	vmul.f32 $8.000000000e+00, v3  }
0x91: {  	v3 =	vld [tilespmem:s11+$0xA430];
	[tilespmem:s6+$0xA4C0] =	vst v1;
	v1 =	vmul.f32 $8.000000000e+00, v4  }
0x92: {  	v4 =	vld [tilespmem:s11+$0xA440];
	[tilespmem:s6+$0xA4D0] =	vst v0;
	v0 =	vmul.f32 $8.000000000e+00, v6  }
0x93: {  	v6 =	vmul.f32 $8.000000000e+00, v7;
	v7 =	vld [tilespmem:s11+$0xA450];
	[tilespmem:s6+$0xA4E0] =	vst v1  }
0x94: {  	v1 =	vmul.f32 $8.000000000e+00, v5;
	v5 =	vld [tilespmem:s11+$0xA460];
	[tilespmem:s6+$0xA4F0] =	vst v0;
	s6 =	smov.u32 s11  }
0x95: {  	[tilespmem:s6+$0xA400] =	vst v6;
	v0 =	vmul.f32 $8.000000000e+00, v2;
	v2 =	vld [tilespmem:s6+$0xA470]  }
0x96: {  	[tilespmem:s6+$0xA410] =	vst v1;
	v1 =	vmul.f32 $8.000000000e+00, v3;
	v3 =	vld [tilespmem:s6+$0xA480]  }
0x97: {  	[tilespmem:s6+$0xA420] =	vst v0;
	v0 =	vmul.f32 $8.000000000e+00, v4;
	v4 =	vld [tilespmem:s6+$0xA490]  }
.Ltmp2:
0x98: {  	[tilespmem:s6+$0xA430] =	vst v1;
	v6 =	vmul.f32 $8.000000000e+00, v7;
	v1 =	vld [tilespmem:s6+$0xA4A0];
	(pc) =	sbr.rel @p0 .LBB2_7-.Ltmp2, $4  }
0x99: {  	[tilespmem:s6+$0xA440] =	vst v0;
	v5 =	vmul.f32 $8.000000000e+00, v5;
	v0 =	vld [tilespmem:s6+$0xA4B0]  }
0x9a: {  	[tilespmem:s6+$0xA450] =	vst v6;
	v7 =	vmul.f32 $8.000000000e+00, v2;
	v2 =	vld [tilespmem:s6+$0xA4C0]  }
0x9b: {  	[tilespmem:s6+$0xA460] =	vst v5;
	v6 =	vmul.f32 $8.000000000e+00, v3;
	v3 =	vld [tilespmem:s6+$0xA4D0]  }
0x9c: {  	s10 =	sadd.s32 $0x400, s10;
	[tilespmem:s6+$0xA470] =	vst v7;
	v5 =	vmul.f32 $8.000000000e+00, v4;
	v4 =	vld [tilespmem:s6+$0xA4E0]  }
0x9d: {  	[tilespmem:s6+$0xA480] =	vst v6;
	v1 =	vmul.f32 $8.000000000e+00, v1;
	v6 =	vld [tilespmem:s6+$0xA4F0]  }
0x9e: {  	[tilespmem:s6+$0xA490] =	vst v5;
	v0 =	vmul.f32 $8.000000000e+00, v0  }
0x9f: {  	[tilespmem:s6+$0xA4A0] =	vst v1;
	v1 =	vmul.f32 $8.000000000e+00, v2  }
0xa0: {  	[tilespmem:s6+$0xA4B0] =	vst v0;
	v0 =	vmul.f32 $8.000000000e+00, v3  }
0xa1: {  	s10 =	sadd.s32 s21, s8;
	[tilespmem:s6+$0xA4C0] =	vst v1;
	v1 =	vmul.f32 $8.000000000e+00, v4  }
0xa2: {  	s10 =	sshll.u32 s10, $0x3;
	[tilespmem:s6+$0xA4D0] =	vst v0;
	v0 =	vmul.f32 $8.000000000e+00, v6  }
0xa3: {  	s10 =	sand.u32 $0x1FFFF800, s10;
	[tilespmem:s6+$0xA4E0] =	vst v1  }
0xa4: {  	s11 =	simm.s32 $0x0;
	s10 =	sadd.s32 s2, s10;
	[tilespmem:s6+$0xA4F0] =	vst v0  }
0xa5: {  	[hbm4b:s10+s11] =	stream.linear.scatter [tilespmem:s20], [sflag:$0x7], $0x2000, $0x38;
	[tilespmem:$0xE400] =	vst v63  }
0xa6: {  	_ =	swait.ge [sflag:s29], $0x2000  }
0xa7: {  	[sflag:s29] =	ssyncset.done $0x0  }
0xa8: {  	s11 =	sadd.s32 $0x300, s19;
	[sflag:s29] =	ssyncadd.s32 $0xFFFFE000  }
0xa9: {  	[tilespmem:s20], [sflag:$0x3] =	stream.indirect.gather [hbm4b:s5+s16], $0x40, s11, s16, $0xb8;
	[tilespmem:$0xE400] =	vst v63  }
0xaa: {  	_ =	swait.ge [sflag:s30], $0x2000  }
0xab: {  	[sflag:s30] =	ssyncset.done $0x0  }
0xac: {  	s6 =	simm.s32 $0x0;
	[sflag:s30] =	ssyncadd.s32 $0xFFFFE000  }
0xad: {  	v0 =	vld [tilespmem:s6+$0xC400]  }
0xae: {  	v1 =	vld [tilespmem:s6+$0xC410]  }
0xaf: {  	v2 =	vld [tilespmem:s6+$0xC420]  }
0xb0: {  	v3 =	vld [tilespmem:s6+$0xC430]  }
0xb1: {  	v4 =	vld [tilespmem:s6+$0xC440]  }
0xb2: {  	v5 =	vld [tilespmem:s6+$0xC450];
	v0 =	vmul.f32 $8.000000000e+00, v0  }
0xb3: {  	v6 =	vld [tilespmem:s6+$0xC460];
	v1 =	vmul.f32 $8.000000000e+00, v1  }
0xb4: {  	v7 =	vld [tilespmem:s6+$0xC470];
	[tilespmem:s6+$0xC400] =	vst v0;
	v0 =	vmul.f32 $8.000000000e+00, v2  }
0xb5: {  	v8 =	vld [tilespmem:s6+$0xC480];
	[tilespmem:s6+$0xC410] =	vst v1;
	v1 =	vmul.f32 $8.000000000e+00, v3  }
0xb6: {  	v9 =	vld [tilespmem:s6+$0xC490];
	[tilespmem:s6+$0xC420] =	vst v0;
	v0 =	vmul.f32 $8.000000000e+00, v4  }
0xb7: {  	v2 =	vmul.f32 $8.000000000e+00, v5;
	[tilespmem:s6+$0xC430] =	vst v1;
	v1 =	vld [tilespmem:s6+$0xC4A0]  }
0xb8: {  	v3 =	vmul.f32 $8.000000000e+00, v6;
	[tilespmem:s6+$0xC440] =	vst v0;
	v0 =	vld [tilespmem:s6+$0xC4B0]  }
0xb9: {  	[tilespmem:s6+$0xC450] =	vst v2;
	v2 =	vld [tilespmem:s6+$0xC4C0];
	v4 =	vmul.f32 $8.000000000e+00, v7  }
0xba: {  	v6 =	vmul.f32 $8.000000000e+00, v8;
	[tilespmem:s6+$0xC460] =	vst v3;
	v3 =	vld [tilespmem:s6+$0xC4D0]  }
0xbb: {  	s10 =	simm.s32 $0x400;
	v5 =	vmul.f32 $8.000000000e+00, v9;
	[tilespmem:s6+$0xC470] =	vst v4;
	v4 =	vld [tilespmem:s6+$0xC4E0]  }
.LBB2_9:
0xbc: {  	s11 =	sshra.s32 s10, $0x2;
	p0 =	sne.s32 s10, $0x7C00;
	[tilespmem:s6+$0xC480] =	vst v6;
	v1 =	vmul.f32 $8.000000000e+00, v1;
	v6 =	vld [tilespmem:s6+$0xC4F0]  }
0xbd: {  	v7 =	vld [tilespmem:s11+$0xC400];
	[tilespmem:s6+$0xC490] =	vst v5;
	v0 =	vmul.f32 $8.000000000e+00, v0  }
0xbe: {  	v5 =	vld [tilespmem:s11+$0xC410];
	[tilespmem:s6+$0xC4A0] =	vst v1;
	v1 =	vmul.f32 $8.000000000e+00, v2  }
0xbf: {  	v2 =	vld [tilespmem:s11+$0xC420];
	[tilespmem:s6+$0xC4B0] =	vst v0;
	v0 =	vmul.f32 $8.000000000e+00, v3  }
0xc0: {  	v3 =	vld [tilespmem:s11+$0xC430];
	[tilespmem:s6+$0xC4C0] =	vst v1;
	v1 =	vmul.f32 $8.000000000e+00, v4  }
0xc1: {  	v4 =	vld [tilespmem:s11+$0xC440];
	[tilespmem:s6+$0xC4D0] =	vst v0;
	v0 =	vmul.f32 $8.000000000e+00, v6  }
0xc2: {  	v6 =	vmul.f32 $8.000000000e+00, v7;
	v7 =	vld [tilespmem:s11+$0xC450];
	[tilespmem:s6+$0xC4E0] =	vst v1  }
0xc3: {  	v1 =	vmul.f32 $8.000000000e+00, v5;
	v5 =	vld [tilespmem:s11+$0xC460];
	[tilespmem:s6+$0xC4F0] =	vst v0;
	s6 =	smov.u32 s11  }
0xc4: {  	[tilespmem:s6+$0xC400] =	vst v6;
	v0 =	vmul.f32 $8.000000000e+00, v2;
	v2 =	vld [tilespmem:s6+$0xC470]  }
0xc5: {  	[tilespmem:s6+$0xC410] =	vst v1;
	v1 =	vmul.f32 $8.000000000e+00, v3;
	v3 =	vld [tilespmem:s6+$0xC480]  }
0xc6: {  	[tilespmem:s6+$0xC420] =	vst v0;
	v0 =	vmul.f32 $8.000000000e+00, v4;
	v4 =	vld [tilespmem:s6+$0xC490]  }
.Ltmp3:
0xc7: {  	[tilespmem:s6+$0xC430] =	vst v1;
	v6 =	vmul.f32 $8.000000000e+00, v7;
	v1 =	vld [tilespmem:s6+$0xC4A0];
	(pc) =	sbr.rel @p0 .LBB2_9-.Ltmp3, $4  }
0xc8: {  	[tilespmem:s6+$0xC440] =	vst v0;
	v5 =	vmul.f32 $8.000000000e+00, v5;
	v0 =	vld [tilespmem:s6+$0xC4B0]  }
0xc9: {  	[tilespmem:s6+$0xC450] =	vst v6;
	v7 =	vmul.f32 $8.000000000e+00, v2;
	v2 =	vld [tilespmem:s6+$0xC4C0]  }
0xca: {  	[tilespmem:s6+$0xC460] =	vst v5;
	v6 =	vmul.f32 $8.000000000e+00, v3;
	v3 =	vld [tilespmem:s6+$0xC4D0]  }
0xcb: {  	s10 =	sadd.s32 $0x400, s10;
	[tilespmem:s6+$0xC470] =	vst v7;
	v5 =	vmul.f32 $8.000000000e+00, v4;
	v4 =	vld [tilespmem:s6+$0xC4E0]  }
0xcc: {  	[tilespmem:s6+$0xC480] =	vst v6;
	v1 =	vmul.f32 $8.000000000e+00, v1;
	v59 =	vld [tilespmem:s6+$0xC4F0]  }
0xcd: {  	[tilespmem:s6+$0xC490] =	vst v5;
	v0 =	vmul.f32 $8.000000000e+00, v0  }
0xce: {  	[tilespmem:s6+$0xC4A0] =	vst v1;
	v60 =	vmul.f32 $8.000000000e+00, v2  }
0xcf: {  	[tilespmem:s6+$0xC4B0] =	vst v0;
	v61 =	vmul.f32 $8.000000000e+00, v3  }
0xd0: {  	s10 =	sadd.s32 s21, s9;
	[tilespmem:s6+$0xC4C0] =	vst v60;
	v62 =	vmul.f32 $8.000000000e+00, v4  }
0xd1: {  	s10 =	sshll.u32 s10, $0x3;
	[tilespmem:s6+$0xC4D0] =	vst v61;
	v63 =	vmul.f32 $8.000000000e+00, v59  }
0xd2: {  	s0 =	sadd.s32 $0x1, s0;
	s10 =	sand.u32 $0x1FFFFC00, s10;
	[tilespmem:s6+$0xC4E0] =	vst v62  }
0xd3: {  	p0 =	sne.s32 s0, $0x31;
	s11 =	sadd.s32 s2, s10;
	[tilespmem:s6+$0xC4F0] =	vst v63  }
0xd4: {  	[hbm4b:s11+s3] =	stream.linear.scatter [tilespmem:s22], [sflag:$0x8], $0x2000, $0x38;
	[tilespmem:$0xE400] =	vst v63  }
.Ltmp4:
0xd5: {  	_ = 	snop;
	(pc) =	sbr.rel @p0 .LBB2_2-.Ltmp4, $4  }
0xd6: {  	_ =	swait.ge [sflag:s31], $0x2000  }
0xd7: {  	[sflag:s31] =	ssyncset.done $0x0  }
0xd8: {  	s21 =	sadd.s32 $0x380, s19;
	[sflag:s31] =	ssyncadd.s32 $0xFFFFE000  }
0xd9: {  	[tilespmem:s22], [sflag:$0x4] =	stream.indirect.gather [hbm4b:s5+s16], $0x40, s21, s16, $0xb8;
	[tilespmem:$0xE400] =	vst v63  }
0xda: {  	_ =	swait.ge [sflag:s23], $0x2000  }
0xdb: {  	[sflag:s23] =	ssyncset.done $0x0  }
0xdc: {  	s0 =	simm.s32 $0x0;
	[sflag:s23] =	ssyncadd.s32 $0xFFFFE000  }
0xdd: {  	v0 =	vld [tilespmem:s0+$0x6400]  }
0xde: {  	v1 =	vld [tilespmem:s0+$0x6410]  }
0xdf: {  	v2 =	vld [tilespmem:s0+$0x6420]  }
0xe0: {  	v3 =	vld [tilespmem:s0+$0x6430]  }
0xe1: {  	v4 =	vld [tilespmem:s0+$0x6440]  }
0xe2: {  	v5 =	vld [tilespmem:s0+$0x6450];
	v0 =	vmul.f32 $8.000000000e+00, v0  }
0xe3: {  	v6 =	vld [tilespmem:s0+$0x6460];
	v1 =	vmul.f32 $8.000000000e+00, v1  }
0xe4: {  	v7 =	vld [tilespmem:s0+$0x6470];
	[tilespmem:s0+$0x6400] =	vst v0;
	v0 =	vmul.f32 $8.000000000e+00, v2  }
0xe5: {  	v8 =	vld [tilespmem:s0+$0x6480];
	[tilespmem:s0+$0x6410] =	vst v1;
	v1 =	vmul.f32 $8.000000000e+00, v3  }
0xe6: {  	v9 =	vld [tilespmem:s0+$0x6490];
	[tilespmem:s0+$0x6420] =	vst v0;
	v0 =	vmul.f32 $8.000000000e+00, v4  }
0xe7: {  	v2 =	vmul.f32 $8.000000000e+00, v5;
	[tilespmem:s0+$0x6430] =	vst v1;
	v1 =	vld [tilespmem:s0+$0x64A0]  }
0xe8: {  	v3 =	vmul.f32 $8.000000000e+00, v6;
	[tilespmem:s0+$0x6440] =	vst v0;
	v0 =	vld [tilespmem:s0+$0x64B0]  }
0xe9: {  	[tilespmem:s0+$0x6450] =	vst v2;
	v2 =	vld [tilespmem:s0+$0x64C0];
	v4 =	vmul.f32 $8.000000000e+00, v7  }
0xea: {  	v6 =	vmul.f32 $8.000000000e+00, v8;
	[tilespmem:s0+$0x6460] =	vst v3;
	v3 =	vld [tilespmem:s0+$0x64D0]  }
0xeb: {  	s6 =	simm.s32 $0x400;
	v5 =	vmul.f32 $8.000000000e+00, v9;
	[tilespmem:s0+$0x6470] =	vst v4;
	v4 =	vld [tilespmem:s0+$0x64E0]  }
.LBB2_12:
0xec: {  	s10 =	sshra.s32 s6, $0x2;
	p0 =	sne.s32 s6, $0x7C00;
	[tilespmem:s0+$0x6480] =	vst v6;
	v1 =	vmul.f32 $8.000000000e+00, v1;
	v6 =	vld [tilespmem:s0+$0x64F0]  }
0xed: {  	v7 =	vld [tilespmem:s10+$0x6400];
	[tilespmem:s0+$0x6490] =	vst v5;
	v0 =	vmul.f32 $8.000000000e+00, v0  }
0xee: {  	v5 =	vld [tilespmem:s10+$0x6410];
	[tilespmem:s0+$0x64A0] =	vst v1;
	v1 =	vmul.f32 $8.000000000e+00, v2  }
0xef: {  	v2 =	vld [tilespmem:s10+$0x6420];
	[tilespmem:s0+$0x64B0] =	vst v0;
	v0 =	vmul.f32 $8.000000000e+00, v3  }
0xf0: {  	v3 =	vld [tilespmem:s10+$0x6430];
	[tilespmem:s0+$0x64C0] =	vst v1;
	v1 =	vmul.f32 $8.000000000e+00, v4  }
0xf1: {  	v4 =	vld [tilespmem:s10+$0x6440];
	[tilespmem:s0+$0x64D0] =	vst v0;
	v0 =	vmul.f32 $8.000000000e+00, v6  }
0xf2: {  	v6 =	vmul.f32 $8.000000000e+00, v7;
	v7 =	vld [tilespmem:s10+$0x6450];
	[tilespmem:s0+$0x64E0] =	vst v1  }
0xf3: {  	v1 =	vmul.f32 $8.000000000e+00, v5;
	v5 =	vld [tilespmem:s10+$0x6460];
	[tilespmem:s0+$0x64F0] =	vst v0;
	s0 =	smov.u32 s10  }
0xf4: {  	[tilespmem:s0+$0x6400] =	vst v6;
	v0 =	vmul.f32 $8.000000000e+00, v2;
	v2 =	vld [tilespmem:s0+$0x6470]  }
0xf5: {  	[tilespmem:s0+$0x6410] =	vst v1;
	v1 =	vmul.f32 $8.000000000e+00, v3;
	v3 =	vld [tilespmem:s0+$0x6480]  }
0xf6: {  	[tilespmem:s0+$0x6420] =	vst v0;
	v0 =	vmul.f32 $8.000000000e+00, v4;
	v4 =	vld [tilespmem:s0+$0x6490]  }
.Ltmp5:
0xf7: {  	[tilespmem:s0+$0x6430] =	vst v1;
	v6 =	vmul.f32 $8.000000000e+00, v7;
	v1 =	vld [tilespmem:s0+$0x64A0];
	(pc) =	sbr.rel @p0 .LBB2_12-.Ltmp5, $4  }
0xf8: {  	[tilespmem:s0+$0x6440] =	vst v0;
	v5 =	vmul.f32 $8.000000000e+00, v5;
	v0 =	vld [tilespmem:s0+$0x64B0]  }
0xf9: {  	[tilespmem:s0+$0x6450] =	vst v6;
	v7 =	vmul.f32 $8.000000000e+00, v2;
	v2 =	vld [tilespmem:s0+$0x64C0]  }
0xfa: {  	[tilespmem:s0+$0x6460] =	vst v5;
	v6 =	vmul.f32 $8.000000000e+00, v3;
	v3 =	vld [tilespmem:s0+$0x64D0]  }
0xfb: {  	s6 =	sadd.s32 $0x400, s6;
	[tilespmem:s0+$0x6470] =	vst v7;
	v5 =	vmul.f32 $8.000000000e+00, v4;
	v4 =	vld [tilespmem:s0+$0x64E0]  }
0xfc: {  	[tilespmem:s0+$0x6480] =	vst v6;
	v1 =	vmul.f32 $8.000000000e+00, v1;
	v6 =	vld [tilespmem:s0+$0x64F0]  }
0xfd: {  	[tilespmem:s0+$0x6490] =	vst v5;
	v0 =	vmul.f32 $8.000000000e+00, v0  }
0xfe: {  	[tilespmem:s0+$0x64A0] =	vst v1;
	v1 =	vmul.f32 $8.000000000e+00, v2  }
0xff: {  	[tilespmem:s0+$0x64B0] =	vst v0;
	v0 =	vmul.f32 $8.000000000e+00, v3  }
0x100: {  	[tilespmem:s0+$0x64C0] =	vst v1;
	v1 =	vmul.f32 $8.000000000e+00, v4  }
0x101: {  	[tilespmem:s0+$0x64D0] =	vst v0;
	v0 =	vmul.f32 $8.000000000e+00, v6  }
0x102: {  	[tilespmem:s0+$0x64E0] =	vst v1  }
0x103: {  	s21 =	simm.s32 $0x0;
	s6 =	rddreg [dreg:$0x4];
	[tilespmem:s0+$0x64F0] =	vst v0  }
0x104: {  	[hbm4b:s6+s21] =	stream.linear.scatter [tilespmem:s17], [sflag:$0x5], $0x2000, $0x38;
	[tilespmem:$0xE400] =	vst v63  }
0x105: {  	_ =	swait.ge [sflag:s24], $0x2000  }
0x106: {  	[sflag:s24] =	ssyncset.done $0x0  }
0x107: {  	[sflag:s24] =	ssyncadd.s32 $0xFFFFE000  }
0x108: {  	_ =	swait.ge [sflag:s25], $0x2000  }
0x109: {  	[sflag:s25] =	ssyncset.done $0x0  }
0x10a: {  	s0 =	simm.s32 $0x0;
	[sflag:s25] =	ssyncadd.s32 $0xFFFFE000  }
0x10b: {  	v0 =	vld [tilespmem:s0+$0x8400]  }
0x10c: {  	v1 =	vld [tilespmem:s0+$0x8410]  }
0x10d: {  	v2 =	vld [tilespmem:s0+$0x8420]  }
0x10e: {  	v3 =	vld [tilespmem:s0+$0x8430]  }
0x10f: {  	v4 =	vld [tilespmem:s0+$0x8440]  }
0x110: {  	v5 =	vld [tilespmem:s0+$0x8450];
	v0 =	vmul.f32 $8.000000000e+00, v0  }
0x111: {  	v6 =	vld [tilespmem:s0+$0x8460];
	v1 =	vmul.f32 $8.000000000e+00, v1  }
0x112: {  	v7 =	vld [tilespmem:s0+$0x8470];
	[tilespmem:s0+$0x8400] =	vst v0;
	v0 =	vmul.f32 $8.000000000e+00, v2  }
0x113: {  	v8 =	vld [tilespmem:s0+$0x8480];
	[tilespmem:s0+$0x8410] =	vst v1;
	v1 =	vmul.f32 $8.000000000e+00, v3  }
0x114: {  	v9 =	vld [tilespmem:s0+$0x8490];
	[tilespmem:s0+$0x8420] =	vst v0;
	v0 =	vmul.f32 $8.000000000e+00, v4  }
0x115: {  	v2 =	vmul.f32 $8.000000000e+00, v5;
	[tilespmem:s0+$0x8430] =	vst v1;
	v1 =	vld [tilespmem:s0+$0x84A0]  }
0x116: {  	v3 =	vmul.f32 $8.000000000e+00, v6;
	[tilespmem:s0+$0x8440] =	vst v0;
	v0 =	vld [tilespmem:s0+$0x84B0]  }
0x117: {  	[tilespmem:s0+$0x8450] =	vst v2;
	v2 =	vld [tilespmem:s0+$0x84C0];
	v4 =	vmul.f32 $8.000000000e+00, v7  }
0x118: {  	v6 =	vmul.f32 $8.000000000e+00, v8;
	[tilespmem:s0+$0x8460] =	vst v3;
	v3 =	vld [tilespmem:s0+$0x84D0]  }
0x119: {  	s6 =	simm.s32 $0x400;
	v5 =	vmul.f32 $8.000000000e+00, v9;
	[tilespmem:s0+$0x8470] =	vst v4;
	v4 =	vld [tilespmem:s0+$0x84E0]  }
.LBB2_14:
0x11a: {  	s10 =	sshra.s32 s6, $0x2;
	p0 =	sne.s32 s6, $0x7C00;
	[tilespmem:s0+$0x8480] =	vst v6;
	v1 =	vmul.f32 $8.000000000e+00, v1;
	v6 =	vld [tilespmem:s0+$0x84F0]  }
0x11b: {  	v7 =	vld [tilespmem:s10+$0x8400];
	[tilespmem:s0+$0x8490] =	vst v5;
	v0 =	vmul.f32 $8.000000000e+00, v0  }
0x11c: {  	v5 =	vld [tilespmem:s10+$0x8410];
	[tilespmem:s0+$0x84A0] =	vst v1;
	v1 =	vmul.f32 $8.000000000e+00, v2  }
0x11d: {  	v2 =	vld [tilespmem:s10+$0x8420];
	[tilespmem:s0+$0x84B0] =	vst v0;
	v0 =	vmul.f32 $8.000000000e+00, v3  }
0x11e: {  	v3 =	vld [tilespmem:s10+$0x8430];
	[tilespmem:s0+$0x84C0] =	vst v1;
	v1 =	vmul.f32 $8.000000000e+00, v4  }
0x11f: {  	v4 =	vld [tilespmem:s10+$0x8440];
	[tilespmem:s0+$0x84D0] =	vst v0;
	v0 =	vmul.f32 $8.000000000e+00, v6  }
0x120: {  	v6 =	vmul.f32 $8.000000000e+00, v7;
	v7 =	vld [tilespmem:s10+$0x8450];
	[tilespmem:s0+$0x84E0] =	vst v1  }
0x121: {  	v1 =	vmul.f32 $8.000000000e+00, v5;
	v5 =	vld [tilespmem:s10+$0x8460];
	[tilespmem:s0+$0x84F0] =	vst v0;
	s0 =	smov.u32 s10  }
0x122: {  	[tilespmem:s0+$0x8400] =	vst v6;
	v0 =	vmul.f32 $8.000000000e+00, v2;
	v2 =	vld [tilespmem:s0+$0x8470]  }
0x123: {  	[tilespmem:s0+$0x8410] =	vst v1;
	v1 =	vmul.f32 $8.000000000e+00, v3;
	v3 =	vld [tilespmem:s0+$0x8480]  }
0x124: {  	[tilespmem:s0+$0x8420] =	vst v0;
	v0 =	vmul.f32 $8.000000000e+00, v4;
	v4 =	vld [tilespmem:s0+$0x8490]  }
.Ltmp6:
0x125: {  	[tilespmem:s0+$0x8430] =	vst v1;
	v6 =	vmul.f32 $8.000000000e+00, v7;
	v1 =	vld [tilespmem:s0+$0x84A0];
	(pc) =	sbr.rel @p0 .LBB2_14-.Ltmp6, $4  }
0x126: {  	[tilespmem:s0+$0x8440] =	vst v0;
	v5 =	vmul.f32 $8.000000000e+00, v5;
	v0 =	vld [tilespmem:s0+$0x84B0]  }
0x127: {  	[tilespmem:s0+$0x8450] =	vst v6;
	v7 =	vmul.f32 $8.000000000e+00, v2;
	v2 =	vld [tilespmem:s0+$0x84C0]  }
0x128: {  	[tilespmem:s0+$0x8460] =	vst v5;
	v6 =	vmul.f32 $8.000000000e+00, v3;
	v3 =	vld [tilespmem:s0+$0x84D0]  }
0x129: {  	s6 =	sadd.s32 $0x400, s6;
	[tilespmem:s0+$0x8470] =	vst v7;
	v5 =	vmul.f32 $8.000000000e+00, v4;
	v4 =	vld [tilespmem:s0+$0x84E0]  }
0x12a: {  	[tilespmem:s0+$0x8480] =	vst v6;
	v1 =	vmul.f32 $8.000000000e+00, v1;
	v6 =	vld [tilespmem:s0+$0x84F0]  }
0x12b: {  	[tilespmem:s0+$0x8490] =	vst v5;
	v0 =	vmul.f32 $8.000000000e+00, v0  }
0x12c: {  	[tilespmem:s0+$0x84A0] =	vst v1;
	v1 =	vmul.f32 $8.000000000e+00, v2  }
0x12d: {  	[tilespmem:s0+$0x84B0] =	vst v0;
	v0 =	vmul.f32 $8.000000000e+00, v3  }
0x12e: {  	[tilespmem:s0+$0x84C0] =	vst v1;
	v1 =	vmul.f32 $8.000000000e+00, v4  }
0x12f: {  	[tilespmem:s0+$0x84D0] =	vst v0;
	v0 =	vmul.f32 $8.000000000e+00, v6  }
0x130: {  	[tilespmem:s0+$0x84E0] =	vst v1  }
0x131: {  	s21 =	simm.s32 $0x0;
	s6 =	rddreg [dreg:$0x5];
	[tilespmem:s0+$0x84F0] =	vst v0  }
0x132: {  	[hbm4b:s6+s21] =	stream.linear.scatter [tilespmem:s18], [sflag:$0x6], $0x2000, $0x38;
	[tilespmem:$0xE400] =	vst v63  }
0x133: {  	_ =	swait.ge [sflag:s26], $0x2000  }
0x134: {  	[sflag:s26] =	ssyncset.done $0x0  }
0x135: {  	[sflag:s26] =	ssyncadd.s32 $0xFFFFE000  }
0x136: {  	_ =	swait.ge [sflag:s28], $0x2000  }
0x137: {  	[sflag:s28] =	ssyncset.done $0x0  }
0x138: {  	s0 =	simm.s32 $0x0;
	[sflag:s28] =	ssyncadd.s32 $0xFFFFE000  }
0x139: {  	v0 =	vld [tilespmem:s0+$0xA400]  }
0x13a: {  	v1 =	vld [tilespmem:s0+$0xA410]  }
0x13b: {  	v2 =	vld [tilespmem:s0+$0xA420]  }
0x13c: {  	v3 =	vld [tilespmem:s0+$0xA430]  }
0x13d: {  	v4 =	vld [tilespmem:s0+$0xA440]  }
0x13e: {  	v5 =	vld [tilespmem:s0+$0xA450];
	v0 =	vmul.f32 $8.000000000e+00, v0  }
0x13f: {  	v6 =	vld [tilespmem:s0+$0xA460];
	v1 =	vmul.f32 $8.000000000e+00, v1  }
0x140: {  	v7 =	vld [tilespmem:s0+$0xA470];
	[tilespmem:s0+$0xA400] =	vst v0;
	v0 =	vmul.f32 $8.000000000e+00, v2  }
0x141: {  	v8 =	vld [tilespmem:s0+$0xA480];
	[tilespmem:s0+$0xA410] =	vst v1;
	v1 =	vmul.f32 $8.000000000e+00, v3  }
0x142: {  	v9 =	vld [tilespmem:s0+$0xA490];
	[tilespmem:s0+$0xA420] =	vst v0;
	v0 =	vmul.f32 $8.000000000e+00, v4  }
0x143: {  	v2 =	vmul.f32 $8.000000000e+00, v5;
	[tilespmem:s0+$0xA430] =	vst v1;
	v1 =	vld [tilespmem:s0+$0xA4A0]  }
0x144: {  	v3 =	vmul.f32 $8.000000000e+00, v6;
	[tilespmem:s0+$0xA440] =	vst v0;
	v0 =	vld [tilespmem:s0+$0xA4B0]  }
0x145: {  	[tilespmem:s0+$0xA450] =	vst v2;
	v2 =	vld [tilespmem:s0+$0xA4C0];
	v4 =	vmul.f32 $8.000000000e+00, v7  }
0x146: {  	v6 =	vmul.f32 $8.000000000e+00, v8;
	[tilespmem:s0+$0xA460] =	vst v3;
	v3 =	vld [tilespmem:s0+$0xA4D0]  }
0x147: {  	s6 =	simm.s32 $0x400;
	v5 =	vmul.f32 $8.000000000e+00, v9;
	[tilespmem:s0+$0xA470] =	vst v4;
	v4 =	vld [tilespmem:s0+$0xA4E0]  }
.LBB2_16:
0x148: {  	s10 =	sshra.s32 s6, $0x2;
	p0 =	sne.s32 s6, $0x7C00;
	[tilespmem:s0+$0xA480] =	vst v6;
	v1 =	vmul.f32 $8.000000000e+00, v1;
	v6 =	vld [tilespmem:s0+$0xA4F0]  }
0x149: {  	v7 =	vld [tilespmem:s10+$0xA400];
	[tilespmem:s0+$0xA490] =	vst v5;
	v0 =	vmul.f32 $8.000000000e+00, v0  }
0x14a: {  	v5 =	vld [tilespmem:s10+$0xA410];
	[tilespmem:s0+$0xA4A0] =	vst v1;
	v1 =	vmul.f32 $8.000000000e+00, v2  }
0x14b: {  	v2 =	vld [tilespmem:s10+$0xA420];
	[tilespmem:s0+$0xA4B0] =	vst v0;
	v0 =	vmul.f32 $8.000000000e+00, v3  }
0x14c: {  	v3 =	vld [tilespmem:s10+$0xA430];
	[tilespmem:s0+$0xA4C0] =	vst v1;
	v1 =	vmul.f32 $8.000000000e+00, v4  }
0x14d: {  	v4 =	vld [tilespmem:s10+$0xA440];
	[tilespmem:s0+$0xA4D0] =	vst v0;
	v0 =	vmul.f32 $8.000000000e+00, v6  }
0x14e: {  	v6 =	vmul.f32 $8.000000000e+00, v7;
	v7 =	vld [tilespmem:s10+$0xA450];
	[tilespmem:s0+$0xA4E0] =	vst v1  }
0x14f: {  	v1 =	vmul.f32 $8.000000000e+00, v5;
	v5 =	vld [tilespmem:s10+$0xA460];
	[tilespmem:s0+$0xA4F0] =	vst v0;
	s0 =	smov.u32 s10  }
0x150: {  	[tilespmem:s0+$0xA400] =	vst v6;
	v0 =	vmul.f32 $8.000000000e+00, v2;
	v2 =	vld [tilespmem:s0+$0xA470]  }
0x151: {  	[tilespmem:s0+$0xA410] =	vst v1;
	v1 =	vmul.f32 $8.000000000e+00, v3;
	v3 =	vld [tilespmem:s0+$0xA480]  }
0x152: {  	[tilespmem:s0+$0xA420] =	vst v0;
	v0 =	vmul.f32 $8.000000000e+00, v4;
	v4 =	vld [tilespmem:s0+$0xA490]  }
.Ltmp7:
0x153: {  	[tilespmem:s0+$0xA430] =	vst v1;
	v6 =	vmul.f32 $8.000000000e+00, v7;
	v1 =	vld [tilespmem:s0+$0xA4A0];
	(pc) =	sbr.rel @p0 .LBB2_16-.Ltmp7, $4  }
0x154: {  	[tilespmem:s0+$0xA440] =	vst v0;
	v5 =	vmul.f32 $8.000000000e+00, v5;
	v0 =	vld [tilespmem:s0+$0xA4B0]  }
0x155: {  	[tilespmem:s0+$0xA450] =	vst v6;
	v7 =	vmul.f32 $8.000000000e+00, v2;
	v2 =	vld [tilespmem:s0+$0xA4C0]  }
0x156: {  	[tilespmem:s0+$0xA460] =	vst v5;
	v6 =	vmul.f32 $8.000000000e+00, v3;
	v3 =	vld [tilespmem:s0+$0xA4D0]  }
0x157: {  	s6 =	sadd.s32 $0x400, s6;
	[tilespmem:s0+$0xA470] =	vst v7;
	v5 =	vmul.f32 $8.000000000e+00, v4;
	v4 =	vld [tilespmem:s0+$0xA4E0]  }
0x158: {  	[tilespmem:s0+$0xA480] =	vst v6;
	v1 =	vmul.f32 $8.000000000e+00, v1;
	v6 =	vld [tilespmem:s0+$0xA4F0]  }
0x159: {  	[tilespmem:s0+$0xA490] =	vst v5;
	v0 =	vmul.f32 $8.000000000e+00, v0  }
0x15a: {  	[tilespmem:s0+$0xA4A0] =	vst v1;
	v1 =	vmul.f32 $8.000000000e+00, v2  }
0x15b: {  	[tilespmem:s0+$0xA4B0] =	vst v0;
	v0 =	vmul.f32 $8.000000000e+00, v3  }
0x15c: {  	[tilespmem:s0+$0xA4C0] =	vst v1;
	v1 =	vmul.f32 $8.000000000e+00, v4  }
0x15d: {  	[tilespmem:s0+$0xA4D0] =	vst v0;
	v0 =	vmul.f32 $8.000000000e+00, v6  }
0x15e: {  	[tilespmem:s0+$0xA4E0] =	vst v1  }
0x15f: {  	s21 =	simm.s32 $0x0;
	[tilespmem:s0+$0xA4F0] =	vst v0  }
0x160: {  	[hbm4b:s12+s21] =	stream.linear.scatter [tilespmem:s20], [sflag:$0x7], $0x2000, $0x38;
	[tilespmem:$0xE400] =	vst v63  }
0x161: {  	_ =	swait.ge [sflag:s29], $0x2000  }
0x162: {  	[sflag:s29] =	ssyncset.done $0x0  }
0x163: {  	[sflag:s29] =	ssyncadd.s32 $0xFFFFE000  }
0x164: {  	_ =	swait.ge [sflag:s30], $0x2000  }
0x165: {  	[sflag:s30] =	ssyncset.done $0x0  }
0x166: {  	s0 =	simm.s32 $0x0;
	[sflag:s30] =	ssyncadd.s32 $0xFFFFE000  }
0x167: {  	v0 =	vld [tilespmem:s0+$0xC400]  }
0x168: {  	v1 =	vld [tilespmem:s0+$0xC410]  }
0x169: {  	v2 =	vld [tilespmem:s0+$0xC420]  }
0x16a: {  	v3 =	vld [tilespmem:s0+$0xC430]  }
0x16b: {  	v4 =	vld [tilespmem:s0+$0xC440]  }
0x16c: {  	v5 =	vld [tilespmem:s0+$0xC450];
	v0 =	vmul.f32 $8.000000000e+00, v0  }
0x16d: {  	v6 =	vld [tilespmem:s0+$0xC460];
	v1 =	vmul.f32 $8.000000000e+00, v1  }
0x16e: {  	v7 =	vld [tilespmem:s0+$0xC470];
	[tilespmem:s0+$0xC400] =	vst v0;
	v0 =	vmul.f32 $8.000000000e+00, v2  }
0x16f: {  	v8 =	vld [tilespmem:s0+$0xC480];
	[tilespmem:s0+$0xC410] =	vst v1;
	v1 =	vmul.f32 $8.000000000e+00, v3  }
0x170: {  	v9 =	vld [tilespmem:s0+$0xC490];
	[tilespmem:s0+$0xC420] =	vst v0;
	v0 =	vmul.f32 $8.000000000e+00, v4  }
0x171: {  	v2 =	vmul.f32 $8.000000000e+00, v5;
	[tilespmem:s0+$0xC430] =	vst v1;
	v1 =	vld [tilespmem:s0+$0xC4A0]  }
0x172: {  	v3 =	vmul.f32 $8.000000000e+00, v6;
	[tilespmem:s0+$0xC440] =	vst v0;
	v0 =	vld [tilespmem:s0+$0xC4B0]  }
0x173: {  	[tilespmem:s0+$0xC450] =	vst v2;
	v2 =	vld [tilespmem:s0+$0xC4C0];
	v4 =	vmul.f32 $8.000000000e+00, v7  }
0x174: {  	v6 =	vmul.f32 $8.000000000e+00, v8;
	[tilespmem:s0+$0xC460] =	vst v3;
	v3 =	vld [tilespmem:s0+$0xC4D0]  }
0x175: {  	s6 =	simm.s32 $0x400;
	v5 =	vmul.f32 $8.000000000e+00, v9;
	[tilespmem:s0+$0xC470] =	vst v4;
	v4 =	vld [tilespmem:s0+$0xC4E0]  }
.LBB2_18:
0x176: {  	s10 =	sshra.s32 s6, $0x2;
	p0 =	sne.s32 s6, $0x7C00;
	[tilespmem:s0+$0xC480] =	vst v6;
	v1 =	vmul.f32 $8.000000000e+00, v1;
	v6 =	vld [tilespmem:s0+$0xC4F0]  }
0x177: {  	v7 =	vld [tilespmem:s10+$0xC400];
	[tilespmem:s0+$0xC490] =	vst v5;
	v0 =	vmul.f32 $8.000000000e+00, v0  }
0x178: {  	v5 =	vld [tilespmem:s10+$0xC410];
	[tilespmem:s0+$0xC4A0] =	vst v1;
	v1 =	vmul.f32 $8.000000000e+00, v2  }
0x179: {  	v2 =	vld [tilespmem:s10+$0xC420];
	[tilespmem:s0+$0xC4B0] =	vst v0;
	v0 =	vmul.f32 $8.000000000e+00, v3  }
0x17a: {  	v3 =	vld [tilespmem:s10+$0xC430];
	[tilespmem:s0+$0xC4C0] =	vst v1;
	v1 =	vmul.f32 $8.000000000e+00, v4  }
0x17b: {  	v4 =	vld [tilespmem:s10+$0xC440];
	[tilespmem:s0+$0xC4D0] =	vst v0;
	v0 =	vmul.f32 $8.000000000e+00, v6  }
0x17c: {  	v6 =	vmul.f32 $8.000000000e+00, v7;
	v7 =	vld [tilespmem:s10+$0xC450];
	[tilespmem:s0+$0xC4E0] =	vst v1  }
0x17d: {  	v1 =	vmul.f32 $8.000000000e+00, v5;
	v5 =	vld [tilespmem:s10+$0xC460];
	[tilespmem:s0+$0xC4F0] =	vst v0;
	s0 =	smov.u32 s10  }
0x17e: {  	[tilespmem:s0+$0xC400] =	vst v6;
	v0 =	vmul.f32 $8.000000000e+00, v2;
	v2 =	vld [tilespmem:s0+$0xC470]  }
0x17f: {  	[tilespmem:s0+$0xC410] =	vst v1;
	v1 =	vmul.f32 $8.000000000e+00, v3;
	v3 =	vld [tilespmem:s0+$0xC480]  }
0x180: {  	[tilespmem:s0+$0xC420] =	vst v0;
	v0 =	vmul.f32 $8.000000000e+00, v4;
	v4 =	vld [tilespmem:s0+$0xC490]  }
.Ltmp8:
0x181: {  	[tilespmem:s0+$0xC430] =	vst v1;
	v6 =	vmul.f32 $8.000000000e+00, v7;
	v1 =	vld [tilespmem:s0+$0xC4A0];
	(pc) =	sbr.rel @p0 .LBB2_18-.Ltmp8, $4  }
0x182: {  	[tilespmem:s0+$0xC440] =	vst v0;
	v5 =	vmul.f32 $8.000000000e+00, v5;
	v0 =	vld [tilespmem:s0+$0xC4B0]  }
0x183: {  	[tilespmem:s0+$0xC450] =	vst v6;
	v7 =	vmul.f32 $8.000000000e+00, v2;
	v2 =	vld [tilespmem:s0+$0xC4C0]  }
0x184: {  	[tilespmem:s0+$0xC460] =	vst v5;
	v6 =	vmul.f32 $8.000000000e+00, v3;
	v3 =	vld [tilespmem:s0+$0xC4D0]  }
0x185: {  	s6 =	sadd.s32 $0x400, s6;
	[tilespmem:s0+$0xC470] =	vst v7;
	v5 =	vmul.f32 $8.000000000e+00, v4;
	v4 =	vld [tilespmem:s0+$0xC4E0]  }
0x186: {  	[tilespmem:s0+$0xC480] =	vst v6;
	v1 =	vmul.f32 $8.000000000e+00, v1;
	v59 =	vld [tilespmem:s0+$0xC4F0]  }
0x187: {  	[tilespmem:s0+$0xC490] =	vst v5;
	v0 =	vmul.f32 $8.000000000e+00, v0  }
0x188: {  	[tilespmem:s0+$0xC4A0] =	vst v1;
	v60 =	vmul.f32 $8.000000000e+00, v2  }
0x189: {  	[tilespmem:s0+$0xC4B0] =	vst v0;
	v61 =	vmul.f32 $8.000000000e+00, v3  }
0x18a: {  	[tilespmem:s0+$0xC4C0] =	vst v60;
	v62 =	vmul.f32 $8.000000000e+00, v4  }
0x18b: {  	s1 =	sadd.s32 $0x1, s1;
	[tilespmem:s0+$0xC4D0] =	vst v61;
	v63 =	vmul.f32 $8.000000000e+00, v59  }
0x18c: {  	p0 =	sne.s32 s1, s14;
	[tilespmem:s0+$0xC4E0] =	vst v62  }
.Ltmp9:
0x18d: {  	[tilespmem:s0+$0xC4F0] =	vst v63;
	(pc) =	sbr.rel @p0 .LBB2_1-.Ltmp9, $4  }
0x18e: {  	[hbm4b:s13+s3] =	stream.linear.scatter [tilespmem:s22], [sflag:$0x8], $0x2000, $0x38;
	[tilespmem:$0xE400] =	vst v63  }
0x18f: {  	_ =	swait.ge [sflag:s31], $0x2000  }
0x190: {  	[sflag:s31] =	ssyncset.done $0x0  }
0x191: {  	[sflag:s31] =	ssyncadd.s32 $0xFFFFE000  }
0x192: {  	_ =	sfence.sel $0x180000  }
0x193: {  	[bflag:$0x0] =	sbarrier.arrive $0xFFFF  }
0x194: {  	_ =	strace $0x90000047  }
0x195: {  	s0 =	stileid.u32;
	[bflag:$0x2] =	sbarrier.arrive $0xFFFF  }
0x196: {  	p0 =	sne.s32 s0, $0x0;
	s0 =	rddreg [dreg:$0x2]  }
0x197: {  	s0 =	sadd.s32 @!p0 $0x100000, s0  }
0x198: {  	[sflag:s0] =	ssyncadd.tile.s32 @!p0 $0x1;
	_ =	shalt  }
.Lfunc_end2:
_tile_overlayer_lowered:
.L_overlay_start_2:
0x199: {  	(tag) =	ssettag $0x2  }
0x19a: {  	s0 =	rddreg [dreg:$0x0];
	s2 =	stileid.u32  }
0x19b: {  	s1 =	rddreg [dreg:$0x1];
	p0 =	sne.s32 s2, $0x0  }
0x19c: {  	s3 =	rddreg [dreg:$0x2];
	[bflag:$0x3] =	sbarrier.arrive $0xFFFF;
	s2 =	simm.s32 @!p0 $0x1C09  }
0x19d: {  	[timem:s3], [sflag:s2] =	dma.local @!p0 [hbm:s0], s1  }
0x19e: {  	s0 =	simm.s32 @!p0 $0x9  }
0x19f: {  	_ =	swait.ge @!p0 [sflag:s0], s1  }
0x1a0: {  	s1 =	ssub.s32 @!p0 $0x0, s1;
	[sflag:s0] =	ssyncset.done @!p0 $0x0  }
0x1a1: {  	[sflag:s0] =	ssyncadd.s32 @!p0 s1  }
0x1a2: {  	[bflag:$0x3] =	sbarrier.arrive $0xFFFF  }
0x1a3: {  	_ =	shalt  }

// kernel: sparse-core-data-format-call.cloned.1.call-start
scs
called_computation_lowered:
.L_overlay_start_0:
0x0: {  	s2 =	sld [smem:$0x3FD9]  }
0x1: {  	s3 =	sld [smem:$0x3FFE];
	_ =	sdelay $0x1  }
0x2: {  	s1 =	srdreg.scid  }
0x3: {  	s0 =	sand.u32 $0x1, s1  }
0x4: {  	s18 =	sshll.u32 s0, $0xA;
	s2 =	sadd.s32 s3, s2  }
0x5: {  	s2 =	sadd.s32 s2, s18  }
0x6: {  	[smem:$0x3FC6] =	sst s2  }
0x7: {  	_ = 	snop  }
0x8: {  	s2 =	sld [smem:$0x3FD0];
	(tm) =	ssettm $0x1  }
0x9: {  	s19 =	sld [smem:$0x3FFB];
	_ =	sdelay $0x3  }
0xa: {  	_ =	strace s19  }
0xb: {  	s3 =	sld [smem:$0x3FFC];
	_ =	sdelay $0x3  }
0xc: {  	_ =	strace s3  }
0xd: {  	s3 =	sld [smem:$0x3FFD];
	_ =	sdelay $0x3  }
0xe: {  	_ =	strace s3  }
0xf: {  	_ =	strace $0x8FFFFFFF  }
0x10: {  	s20 =	sld [smem:$0x3FDB];
	_ =	sdelay $0x1  }
0x11: {  	s4 =	simm.s32 $_scs_section_size  }
0x12: {  	s5 =	simm.s32 $_size__tile_overlayer_lowered;
	s6 =	simm.s32 $_tile_overlayer_lowered  }
0x13: {  	s23 =	simm.s32 $0x1BFF;
	s22 =	sshll.u32 s6, $0x1;
	s3 =	sadd.s32 s4, s20  }
0x14: {  	s7 =	simm.s32 $0x0;
	s21 =	sshll.u32 s5, $0x1;
	s5 =	sadd.s32 s22, s3  }
0x15: {  	[timem:s7], [sflag:s23] =	dma.local [hbm:s5], s21  }
0x16: {  	_ =	swait.ge [sflag:s23], s21  }
0x17: {  	s4 =	ssub.s32 $0x0, s21;
	[sflag:s23] =	ssyncset.done $0x0  }
0x18: {  	[sflag:s23] =	ssyncadd.s32 s4;
	_ =	sdelay $0x1  }
0x19: {  	s24 =	simm.s32 $0x1B8B  }
0x1a: {  	_ =	swait.ge [sflag:s24], $0x1  }
0x1b: {  	[sflag:s24] =	ssyncset.done $0x0  }
0x1c: {  	s26 =	simm.s32 $0x1B8E;
	s25 =	sld [smem:$0x3FFE];
	[sflag:s24] =	ssyncadd.s32 $0xFFFFFFFF  }
0x1d: {  	s27 =	simm.s32 $execute0_lowered;
	[smem:$0x3FD2] =	sst s26  }
0x1e: {  	s5 =	sshll.u32 s27, $0x1;
	_ =	strace $0x80000049;
	[dreg:$0x1] =	wrdreg $0xFFFFFFFF  }
0x1f: {  	s28 =	simm.s32 $_size_execute0_lowered;
	s3 =	sadd.s32 s3, s5;
	[dreg:$0x0] =	wrdreg $0x0  }
0x20: {  	s5 =	sshll.u32 s28, $0x1;
	[dreg:$0x2] =	wrdreg s3  }
0x21: {  	[dreg:$0x3] =	wrdreg s5  }
0x22: {  	[dreg:$0x4] =	wrdreg $0xC0  }
0x23: {  	_ =	task [dreg:s7], $0x5FFFF  }
0x24: {  	[dreg:$0x1] =	wrdreg $0xFFFFFFFF  }
0x25: {  	[dreg:$0x0] =	wrdreg $0x60  }
0x26: {  	[dreg:$0x2] =	wrdreg s25  }
0x27: {  	[dreg:$0x3] =	wrdreg s2  }
0x28: {  	[dreg:$0x4] =	wrdreg $0x9  }
0x29: {  	_ =	task.clear_ibuf [dreg:s7], $0x5FFFF;
	_ =	strace $0x90000049  }
0x2a: {  	s29 =	simm.s32 $0x9;
	_ =	strace $0x8000004B  }
0x2b: {  	_ =	swait.ge [sflag:s29], $0x1  }
0x2c: {  	[sflag:s29] =	ssyncadd.s32 $0xFFFFFFFF  }
0x2d: {  	_ =	strace $0x9000004B  }
0x2e: {  	_ =	sfence  }
0x2f: {  	s30 =	sld [smem:$0x0];
	_ =	sdelay $0x2  }
0x30: {  	s31 =	sshll.u32 s1, $0xD;
	s1 =	sshrl.u32 s1, $0x2  }
0x31: {  	s3 =	sand.u32 $0x4000, s31;
	s1 =	sadd.s32 s1, s30  }
0x32: {  	s0 =	sor.u32 s3, s0;
	s1 =	sshll.u32 s1, $0x11  }
0x33: {  	s0 =	sor.u32 s1, s0  }
0x34: {  	s0 =	sadd.s32 $0x8F2B, s0  }
0x35: {  	[sflag:s0] =	ssyncadd.remote.s32 $0x1  }
0x36: {  	_ =	sfence.sel $0xFFFF  }
0x37: {  	[dreg:$0x0] =	wrdreg $0xFFFFFFFF;
	(pc) =	sbr.abs _section_cstart, $3  }
0x38: {  	[dreg:$0x1] =	wrdreg $0xFFFFFFFF  }
0x39: {  	_ =	task.clear_ibuf [dreg:s7], $0x2FFFF;
	_ =	strace $0x9FFFFFFF  }
0x3a: {  	(tm) =	ssettm $0x7FFFFFFF  }
0x3b: {  	_ =	shalt  }
tec
execute0_lowered:
.L_overlay_start_1:
0x0: {  	(tag) =	ssettag $0x1  }
0x1: {  	s0 =	srdreg.scid  }
0x2: {  	s1 =	sshll.u32 s0, $0x4  }
0x3: {  	s0 =	stileid.u32;
	s1 =	sand.u32 $0x10, s1  }
0x4: {  	s1 =	sor.u32 s0, s1  }
0x5: {  	s6 =	rddreg [dreg:$0x0];
	s4 =	simm.s32 $0x1;
	s2 =	sshll.u32 s1, $0x7  }
0x6: {  	s7 =	simm.s32 $0x2;
	s12 =	simm.s32 $0x0;
	s1 =	ssub.s32 $0x1000, s2  }
0x7: {  	s8 =	simm.s32 $0x8000;
	s13 =	simm.s32 $0x0;
	s3 =	sand.u32 $0xF80, s1  }
0x8: {  	s9 =	simm.s32 $0x0;
	s5 =	sshrl.u32 s1, $0xC;
	p0 =	sne.s32 s3, $0x0  }
.Ltmp0:
0x9: {  	s1 =	rddreg [dreg:$0x2];
	s4 =	simm.s32 @!p0 $0x0;
	(pc) =	sbr.rel .LBB1_1-.Ltmp0, $4  }
0xa: {  	s11 =	simm.s32 $0x0;
	s3 =	rddreg [dreg:$0x1];
	s5 =	sadd.s32 s4, s5  }
0xb: {  	_ =	strace $0x8000004A;
	s4 =	simm.s32 $0x1;
	s5 =	smul.u32 $0xC8, s5  }
0xc: {  	s6 =	sadd.s32 $0xA00, s6;
	s10 =	smov.u32 s2;
	[sflag:s4] =	ssyncpa.u1 $0x0  }
0xd: {  	p0 =	por $0x0, $0x0;
	[sflag:s7] =	ssyncpa.u1 $0x0;
	s7 =	sor.u32 $0x1, s5  }
.LBB1_4:
0xe: {  	s16 =	sshll.u32 s13, $0x3;
	s17 =	sand.u32 $0x78, s13  }
0xf: {  	s30 =	sand.u32 $0x7E00, s13;
	s12 =	sshll.u32 s12, $0xF;
	s16 =	sand.u32 $0xC00, s16  }
0x10: {  	[tilespmem:s15+$0x810 ss:$0x81] =	vst.msk $0xffff, v2;
	s31 =	sand.u32 $0x7, s13;
	s16 =	sor.u32 s17, s16;
	s17 =	sadd.s32 s3, s30  }
0x11: {  	[tilespmem:s15+$0x1020 ss:$0x81] =	vst.msk $0xffff, v0;
	s13 =	sshll.u32 s31, $0x12;
	s12 =	sadd.s32 s12, s17;
	s16 =	sshrl.u32 s16, $0x3  }
0x12: {  	[tilespmem:s15+$0x0 ss:$0x81] =	vst.msk $0xffff, v1;
	s13 =	sor.u32 $0x400, s13;
	s12 =	sadd.s32 s16, s12  }
0x13: {  	[hbm4b:s12+s13] =	stream.strided.scatter [tilespmem:s14], [sflag:$0x2], $0x2000, s8, s13, $0x20;
	[tilespmem:$0x8080] =	vst v63  }
.LBB1_5:
0x14: {  	s14 =	sadd.s32 $0x1, s9  }
0x15: {  	s12 =	sadd.s32 $0x1000, s10;
	s16 =	smov.u32 s10;
	p2 =	sgt.s32 s14, $0xC7  }
0x16: {  	s16 =	smov.u32 @p2 s12  }
0x17: {  	s14 =	simm.s32 @p2 $0x0;
	p2 =	sgt.s32 s16, $0xFFF  }
0x18: {  	s16 =	smov.u32 @p2 s2;
	p2 =	sne.s32 s11, s7  }
.Ltmp1:
0x19: {  	p1 =	slt.u32 s11, $0x2;
	(pc) =	sbr.rel @!p2 .LBB1_6-.Ltmp1, $4  }
0x1a: {  	s15 =	simm.s32 @!p1 $0x2  }
0x1b: {  	s13 =	smov.u32 s10;
	p0 =	por !p0, !p0;
	_ =	swait.ge @!p1 [sflag:s15], $0x2000  }
0x1c: {  	s12 =	smov.u32 s9;
	[sflag:s15] =	ssyncset.done @!p1 $0x0;
	s9 =	smov.u32 s14  }
0x1d: {  	s11 =	sadd.s32 $0x1, s11;
	[sflag:s15] =	ssyncadd.s32 @!p1 $0xFFFFE000;
	s10 =	smov.u32 s16  }
.LBB1_1:
0x1e: {  	p1 =	sge.u32 s11, s5  }
0x1f: {  	s14 =	sand.u32 @!p1 $0x1FFFFFF, s9  }
0x20: {  	s15 =	smulhi.u32 @!p1 $0x147AE15, s14;
	_ =	sdelay $0x1  }
0x21: {  	s15 =	smul.u32 @!p1 $0xC8, s15  }
0x22: {  	s16 =	sxor.u32 @!p1 $0xFFFFFFFF, s11;
	s17 =	smul.u32 @!p1 $0xC80, s10  }
0x23: {  	s31 =	sadd.s32 $0xFFFFFFFF, s11;
	s16 =	sshll.u32 @!p1 s16, $0xD;
	s14 =	ssub.s32 @!p1 s14, s15  }
0x24: {  	s15 =	sand.u32 @!p1 $0x2000, s16;
	s16 =	sadd.s32 @!p1 s6, s17;
	s14 =	sshll.u32 @!p1 s14, $0x4  }
0x25: {  	s17 =	simm.s32 @!p1 $0x6400;
	s14 =	sadd.s32 @!p1 s14, s16;
	s16 =	simm.s32 @!p1 $0x40  }
0x26: {  	[tilespmem:s15], [sflag:$0x1] =	stream.strided.gather @!p1 [hbm4b:s14+s16], $0x2000, s17, s16, $0x38;
	[tilespmem:$0x8080] =	vst v63  }
0x27: {  	p1 =	sge.u32 s31, s5  }
.Ltmp2:
0x28: {  	_ = 	snop;
	(pc) =	sbr.rel @p1 .LBB1_5-.Ltmp2, $1  }
0x29: {  	_ =	sdelay $0x3  }
0x2a: {  	s14 =	simm.s32 $0x1  }
0x2b: {  	_ =	swait.ge [sflag:s4], $0x2000;
	s14 =	simm.s32 @!p0 $0x0  }
0x2c: {  	[sflag:s4] =	ssyncset.done $0x0;
	s15 =	sshll.u32 s14, $0xD  }
0x2d: {  	[sflag:s4] =	ssyncadd.s32 $0xFFFFE000;
	s18 =	sor.u32 $0x20, s15  }
0x2e: {  	s14 =	smul.u32 $0x8100, s14;
	v3 =	vld [tilespmem:s18+$0x10]  }
0x2f: {  	s30 =	sand.u32 $0x1, s11;
	v2 =	vld [tilespmem:s18+$0xFFFFFFF0]  }
0x30: {  	s15 =	smul.u32 $0x8100, s30;
	s14 =	sshrl.u32 s14, $0x2;
	v0 =	vld [tilespmem:s18+$0x0]  }
0x31: {  	v1 =	vld [tilespmem:s18+$0xFFFFFFE0];
	s16 =	sor.u32 $0x4000, s14  }
0x32: {  	s31 =	sshrl.u32 s15, $0x2;
	s15 =	sadd.s32 $0x0, s16  }
0x33: {  	s17 =	simm.s32 $0x4;
	s18 =	sadd.s32 $0x40, s18;
	s14 =	sor.u32 $0x4000, s31;
	[tilespmem:s15+$0x1830 ss:$0x81] =	vst.msk $0xffff, v3  }
.LBB1_3:
0x34: {  	v3 =	vld [tilespmem:s18+$0x10];
	p1 =	sne.s32 s17, $0x1FC;
	[tilespmem:s15+$0x810 ss:$0x81] =	vst.msk $0xffff, v2;
	s19 =	smov.u32 s17;
	s17 =	sadd.s32 $0x4, s17  }
.Ltmp3:
0x35: {  	v2 =	vld [tilespmem:s18+$0xFFFFFFF0];
	[tilespmem:s15+$0x1020 ss:$0x81] =	vst.msk $0xffff, v0;
	(pc) =	sbr.rel @p1 .LBB1_3-.Ltmp3, $4  }
0x36: {  	v0 =	vld [tilespmem:s18+$0x0];
	[tilespmem:s15+$0x0 ss:$0x81] =	vst.msk $0xffff, v1  }
0x37: {  	s15 =	sshra.s32 s19, $0x2;
	v1 =	vld [tilespmem:s18+$0xFFFFFFE0]  }
0x38: {  	s15 =	sadd.s32 s15, s16  }
0x39: {  	s18 =	sadd.s32 $0x40, s18;
	[tilespmem:s15+$0x1830 ss:$0x81] =	vst.msk $0xffff, v3  }
.Ltmp4:
0x3a: {  	_ = 	snop;
	(pc) =	sbr.rel .LBB1_4-.Ltmp4, $1  }
0x3b: {  	_ =	sdelay $0x3  }
.LBB1_6:
0x3c: {  	_ =	sfence.sel $0x180000  }
0x3d: {  	s2 =	simm.s32 $0x1;
	[bflag:$0x0] =	sbarrier.arrive $0xFFFF  }
0x3e: {  	s31 =	simm.s32 $0x2;
	[sflag:s2] =	ssyncpa.u1 $0x1  }
0x3f: {  	[sflag:s31] =	ssyncpa.u1 $0x1  }
0x40: {  	p0 =	sne.s32 s0, $0x0;
	_ =	strace $0x9000004A  }
0x41: {  	s0 =	sadd.s32 @!p0 $0x100000, s1;
	[bflag:$0x2] =	sbarrier.arrive $0xFFFF  }
0x42: {  	[sflag:s0] =	ssyncadd.tile.s32 @!p0 $0x1;
	_ =	shalt  }
.Lfunc_end1:
_tile_overlayer_lowered:
.L_overlay_start_2:
0x43: {  	(tag) =	ssettag $0x2  }
0x44: {  	s0 =	rddreg [dreg:$0x0];
	s2 =	stileid.u32  }
0x45: {  	s1 =	rddreg [dreg:$0x1];
	p0 =	sne.s32 s2, $0x0  }
0x46: {  	s3 =	rddreg [dreg:$0x2];
	[bflag:$0x3] =	sbarrier.arrive $0xFFFF;
	s2 =	simm.s32 @!p0 $0x1C01  }
0x47: {  	[timem:s3], [sflag:s2] =	dma.local @!p0 [hbm:s0], s1  }
0x48: {  	s0 =	simm.s32 @!p0 $0x1  }
0x49: {  	_ =	swait.ge @!p0 [sflag:s0], s1  }
0x4a: {  	s1 =	ssub.s32 @!p0 $0x0, s1;
	[sflag:s0] =	ssyncset.done @!p0 $0x0  }
0x4b: {  	[sflag:s0] =	ssyncadd.s32 @!p0 s1  }
0x4c: {  	[bflag:$0x3] =	sbarrier.arrive $0xFFFF  }
0x4d: {  	_ =	shalt  }

</sc_bundles>
